<compile_context>
chip_gen: v7x
topology: tpu7x:2x2x1
jax: 0.10.2.dev20260603
libtpu: 0.0.44.dev20260713+nightly
codegen_flags: <defaults>
</compile_context>

<pallas_src>
import functools
import jax
import jax.numpy as jnp
from jax import lax
from jax.experimental import pallas as pl
from jax.experimental.pallas import tpu as pltpu
from jax.experimental.pallas import tpu_sc as plsc

D = 64
SCALE = 8.0
BB = 128
NS_UNITS = 200


def _build_b(NC: int, NS: int):
    mesh = plsc.VectorSubcoreMesh(core_axis_name="c", subcore_axis_name="s")

    @functools.partial(
        pl.kernel,
        mesh=mesh,
        out_type=jax.ShapeDtypeStruct((200, 8, 32, 8, 128), jnp.float32),
        scratch_types=[
            pltpu.VMEM((2, 1, BB), jnp.int32),
            pltpu.VMEM((2, BB, D), jnp.float32),
            pltpu.VMEM((2, 8, 8, 129), jnp.float32),
            pltpu.SemaphoreType.DMA,
            pltpu.SemaphoreType.DMA,
            pltpu.SemaphoreType.DMA,
        ],
        compiler_params=pltpu.CompilerParams(
            use_tc_tiling_on_sc=False, needs_layout_passes=False
        ),
    )
    def kb(idxt_hbm, table_hbm, out_hbm, idx_v, g_buf, t_buf, sem_i, sem_g, sem_o):
        cid = lax.axis_index("c")
        sid = lax.axis_index("s")
        w = sid * NC + cid
        col0 = pl.multiple_of(w * BB, BB)

        iota = lax.iota(jnp.int32, 16)
        c8_vec = lax.bitwise_and(iota, 7)
        ctb_vec = lax.shift_right_logical(iota, 3)

        def idx_src(s):
            return idxt_hbm.at[pl.ds(s, 1), pl.ds(col0, BB)]

        def fire_idx(s, b):
            pltpu.async_copy(idx_src(s), idx_v.at[b], sem_i)

        def drain_idx(s, b):
            pltpu.make_async_copy(idx_src(s), idx_v.at[b], sem_i).wait()

        def fire_gather(s, b):
            pltpu.async_copy(table_hbm.at[idx_v.at[b, 0]], g_buf.at[b], sem_g)

        def drain_gather(s, b):
            pltpu.make_async_copy(
                table_hbm.at[idx_v.at[b, 0]], g_buf.at[b], sem_g
            ).wait()

        def out_dst(s):
            return out_hbm.at[s, :, w]

        def fire_out(s, b):
            pltpu.async_copy(t_buf.at[b, :, :, pl.ds(0, 128)], out_dst(s), sem_o)

        def drain_out(s, b):
            pltpu.make_async_copy(
                t_buf.at[b, :, :, pl.ds(0, 128)], out_dst(s), sem_o
            ).wait()

        cta = [ctb_vec + 2 * g for g in range(D // 16)]
        zeros16 = jnp.zeros((16,), dtype=jnp.int32)

        def transpose_scale(b):
            tb = t_buf.at[b]
            gb = g_buf.at[b]

            @plsc.parallel_loop(0, BB, unroll=8, carry=zeros16)
            def row_body(r, bsp):
                for g in range(D // 16):
                    v = gb[r, pl.ds(g * 16, 16)] * SCALE
                    plsc.store_scatter(tb, [cta[g], c8_vec, bsp], v)
                return bsp + 1

        fire_idx(0, 0)
        drain_idx(0, 0)
        fire_gather(0, 0)
        fire_idx(1, 1)
        drain_idx(1, 1)
        drain_gather(0, 0)
        fire_gather(1, 1)
        fire_idx(2, 0)
        transpose_scale(0)
        fire_out(0, 0)

        def pair_body(i, carry):
            t = 1 + 2 * i
            for b in (1, 0):
                u = t if b == 1 else t + 1
                drain_idx(u + 1, 1 - b)
                drain_gather(u, b)
                fire_gather(u + 1, 1 - b)

                @pl.when(u < NS_UNITS - 2)
                def _():
                    fire_idx(u + 2, b)

                transpose_scale(b)
                drain_out(u - 1, 1 - b)
                fire_out(u, b)
            return carry

        lax.fori_loop(0, (NS_UNITS - 2) // 2, pair_body, 0)

        gl = NS_UNITS - 1
        drain_gather(gl, 1)
        transpose_scale(1)
        drain_out(gl - 1, 0)
        fire_out(gl, 1)
        drain_out(gl, 1)

    return kb


def kernel(pattern_ids, embedding_weight):
    S0, S1 = pattern_ids.shape
    idxt = pattern_ids.astype(jnp.int32).T
    info = plsc.get_sparse_core_info()
    kb = _build_b(info.num_cores, info.num_subcores)
    out5 = kb(idxt, embedding_weight)
    return out5.transpose(2, 4, 0, 1, 3).reshape(S0, S1, D)

# --- scband reference (transcript-rebuilt; emitter-appended) ---
"""Pipeline reference for scband-learned-embedding-71571335021230 (READ-ONLY COPY).

The authoritative reference and input builder live on the scoring server;
editing this copy changes nothing except your own understanding.
"""

import math
import jax, jax.numpy as jnp
import numpy as np

NUM_PATTERNS = 1000000
D_MODEL = 64

def setup_inputs(seed: int = 0) -> dict:
    key = jax.random.key(seed)
    k_idx, k_emb = jax.random.split(key)
    pattern_ids = jax.random.randint(k_idx, (4096, 200), 0, NUM_PATTERNS, dtype=jnp.int64 if jax.config.read('jax_enable_x64') else jnp.int32)
    embedding_weight = jax.random.normal(k_emb, (NUM_PATTERNS, D_MODEL), dtype=jnp.float32) * 0.02
    return {"pattern_ids": pattern_ids, "embedding_weight": embedding_weight}

def reference(pattern_ids, embedding_weight):
    # nn.Embedding lookup followed by sqrt(d_model) scaling
    emb = jnp.take(embedding_weight, pattern_ids, axis=0)
    return emb * math.sqrt(D_MODEL)

if __name__ == "__main__":
    import jax
    _d = setup_inputs()
    print(jax.jit(kernel)(*tuple(_d.values())))

</pallas_src>

<mosaic_0001>
#map = affine_map<(d0, d1) -> (0, 0)>
#map1 = affine_map<(d0, d1) -> (0, 0, 0, 0, 0)>
module attributes {stable_mosaic.version = 14 : i64} {
  func.func @kb(%arg0: i32, %arg1: i32, %arg2: memref<200x4096xi32, #tpu.memory_space<hbm>>, %arg3: memref<1000000x64xf32, #tpu.memory_space<hbm>>, %arg4: memref<200x8x32x8x128xf32, #tpu.memory_space<hbm>>, %arg5: memref<2x1x128xi32, #tpu.memory_space<vmem>>, %arg6: memref<2x128x64xf32, #tpu.memory_space<vmem>>, %arg7: memref<2x8x8x129xf32, #tpu.memory_space<vmem>>, %arg8: memref<!tpu.dma_semaphore, #tpu.memory_space<semaphore_mem>>, %arg9: memref<!tpu.dma_semaphore, #tpu.memory_space<semaphore_mem>>, %arg10: memref<!tpu.dma_semaphore, #tpu.memory_space<semaphore_mem>>) attributes {dimension_semantics = [#tpu.dimension_semantics<core_parallel>, #tpu.dimension_semantics<subcore_parallel>], iteration_bounds = array<i64: 2, 16>, scalar_prefetch = 0 : i64, scratch_operands = 6 : i64, tpu.core_type = #tpu.core_type<sc_vector_subcore>, window_params = [{transform_indices = #map}, {transform_indices = #map}, {transform_indices = #map1}]} {
    %mul3A = arith.constant 2 : i32
    %mul3A_0 = arith.muli %arg1, %mul3A : i32
    %add3A = arith.addi %mul3A_0, %arg0 : i32
    %mul3A_1 = arith.constant 128 : i32
    %mul3A_2 = arith.muli %add3A, %mul3A_1 : i32
    %multiple_of3A = tpu.assume_multiple %mul3A_2, 128 : i32
    %iota3A = tpu.iota {dimensions = array<i32: 0>} : vector<16xi32>
    %and3A = arith.constant 7 : i32
    %and3A_3 = vector.broadcast %and3A : i32 to vector<16xi32>
    %and3A_4 = arith.andi %iota3A, %and3A_3 : vector<16xi32>
    %shift_right_logical3A = arith.constant 3 : i32
    %shift_right_logical3A_5 = vector.broadcast %shift_right_logical3A : i32 to vector<16xi32>
    %shift_right_logical3A_6 = arith.shrui %iota3A, %shift_right_logical3A_5 : vector<16xi32>
    %add3A_7 = arith.constant 0 : i32
    %add3A_8 = vector.broadcast %add3A_7 : i32 to vector<16xi32>
    %add3A_9 = arith.addi %shift_right_logical3A_6, %add3A_8 : vector<16xi32>
    %add3A_10 = arith.constant 2 : i32
    %add3A_11 = vector.broadcast %add3A_10 : i32 to vector<16xi32>
    %add3A_12 = arith.addi %shift_right_logical3A_6, %add3A_11 : vector<16xi32>
    %add3A_13 = arith.constant 4 : i32
    %add3A_14 = vector.broadcast %add3A_13 : i32 to vector<16xi32>
    %add3A_15 = arith.addi %shift_right_logical3A_6, %add3A_14 : vector<16xi32>
    %add3A_16 = arith.constant 6 : i32
    %add3A_17 = vector.broadcast %add3A_16 : i32 to vector<16xi32>
    %add3A_18 = arith.addi %shift_right_logical3A_6, %add3A_17 : vector<16xi32>
    %broadcast_in_dim3A = arith.constant 0 : i32
    %broadcast_in_dim3A_19 = vector.broadcast %broadcast_in_dim3A : i32 to vector<16xi32>
    %dma_start3A = arith.constant 0 : i32
    %dma_start3A_20 = arith.constant 0 : i32
    %dma_start3A_21 = arith.constant 0 : i32
    %dma_start3A_22 = tpu.memref_slice %arg5[%dma_start3A, %dma_start3A_20, %dma_start3A_21] : memref<2x1x128xi32, #tpu.memory_space<vmem>> -> memref<1x1x128xi32, #tpu.memory_space<vmem>>
    %dma_start3A_23 = tpu.memref_squeeze %dma_start3A_22 : memref<1x1x128xi32, #tpu.memory_space<vmem>> -> memref<1x128xi32, #tpu.memory_space<vmem>>
    %dma_start3A_24 = arith.constant 0 : i32
    %dma_start3A_25 = tpu.memref_slice %arg2[%dma_start3A_24, %multiple_of3A] : memref<200x4096xi32, #tpu.memory_space<hbm>> -> memref<1x128xi32, #tpu.memory_space<hbm>>
    %dma_start3A_26 = arith.constant 0 : i32
    %dma_start3A_27 = arith.constant 0 : i32
    %dma_start3A_28 = tpu.memref_slice %arg5[%dma_start3A, %dma_start3A_26, %dma_start3A_27] : memref<2x1x128xi32, #tpu.memory_space<vmem>> -> memref<1x1x128xi32, #tpu.memory_space<vmem>>
    %dma_start3A_29 = tpu.memref_squeeze %dma_start3A_28 : memref<1x1x128xi32, #tpu.memory_space<vmem>> -> memref<1x128xi32, #tpu.memory_space<vmem>>
    %dma_start3A_30 = arith.constant 0 : i32
    %dma_start3A_31 = tpu.memref_slice %arg2[%dma_start3A_30, %multiple_of3A] : memref<200x4096xi32, #tpu.memory_space<hbm>> -> memref<1x128xi32, #tpu.memory_space<hbm>>
    tpu.enqueue_dma source(%dma_start3A_31 : memref<1x128xi32, #tpu.memory_space<hbm>>) target(%dma_start3A_29 : memref<1x128xi32, #tpu.memory_space<vmem>>) target_semaphore(%arg8 : memref<!tpu.dma_semaphore, #tpu.memory_space<semaphore_mem>>)
    %dma_wait3A = arith.constant 0 : i32
    %dma_wait3A_32 = arith.constant 0 : i32
    %dma_wait3A_33 = arith.constant 0 : i32
    %dma_wait3A_34 = tpu.memref_slice %arg5[%dma_wait3A, %dma_wait3A_32, %dma_wait3A_33] : memref<2x1x128xi32, #tpu.memory_space<vmem>> -> memref<1x1x128xi32, #tpu.memory_space<vmem>>
    %dma_wait3A_35 = tpu.memref_squeeze %dma_wait3A_34 : memref<1x1x128xi32, #tpu.memory_space<vmem>> -> memref<1x128xi32, #tpu.memory_space<vmem>>
    %dma_wait3A_36 = arith.constant 0 : i32
    %dma_wait3A_37 = tpu.memref_slice %arg2[%dma_wait3A_36, %multiple_of3A] : memref<200x4096xi32, #tpu.memory_space<hbm>> -> memref<1x128xi32, #tpu.memory_space<hbm>>
    %dma_wait3A_38 = arith.constant 0 : i32
    %dma_wait3A_39 = arith.constant 0 : i32
    %dma_wait3A_40 = tpu.memref_slice %arg5[%dma_wait3A, %dma_wait3A_38, %dma_wait3A_39] : memref<2x1x128xi32, #tpu.memory_space<vmem>> -> memref<1x1x128xi32, #tpu.memory_space<vmem>>
    %dma_wait3A_41 = tpu.memref_squeeze %dma_wait3A_40 : memref<1x1x128xi32, #tpu.memory_space<vmem>> -> memref<1x128xi32, #tpu.memory_space<vmem>>
    %dma_wait3A_42 = arith.constant 0 : i32
    %dma_wait3A_43 = tpu.memref_slice %arg2[%dma_wait3A_42, %multiple_of3A] : memref<200x4096xi32, #tpu.memory_space<hbm>> -> memref<1x128xi32, #tpu.memory_space<hbm>>
    tpu.wait_dma2 semaphore(%arg8 : memref<!tpu.dma_semaphore, #tpu.memory_space<semaphore_mem>>) src(%dma_wait3A_43 : memref<1x128xi32, #tpu.memory_space<hbm>>) dst(%dma_wait3A_41 : memref<1x128xi32, #tpu.memory_space<vmem>>)
    %dma_start3A_44 = arith.constant 0 : i32
    %dma_start3A_45 = arith.constant 0 : i32
    %dma_start3A_46 = arith.constant 0 : i32
    %dma_start3A_47 = arith.constant 0 : i32
    %dma_start3A_48 = arith.constant 0 : i32
    %dma_start3A_49 = tpu.memref_slice %arg6[%dma_start3A_46, %dma_start3A_47, %dma_start3A_48] : memref<2x128x64xf32, #tpu.memory_space<vmem>> -> memref<1x128x64xf32, #tpu.memory_space<vmem>>
    %dma_start3A_50 = tpu.memref_squeeze %dma_start3A_49 : memref<1x128x64xf32, #tpu.memory_space<vmem>> -> memref<128x64xf32, #tpu.memory_space<vmem>>
    %dma_start3A_51 = arith.constant 0 : i32
    %dma_start3A_52 = tpu.memref_slice %arg5[%dma_start3A_44, %dma_start3A_45, %dma_start3A_51] : memref<2x1x128xi32, #tpu.memory_space<vmem>> -> memref<1x1x128xi32, #tpu.memory_space<vmem>>
    %dma_start3A_53 = tpu.memref_squeeze %dma_start3A_52 : memref<1x1x128xi32, #tpu.memory_space<vmem>> -> memref<128xi32, #tpu.memory_space<vmem>>
    %dma_start3A_54 = arith.constant 0 : i32
    %dma_start3A_55 = arith.constant 0 : i32
    %dma_start3A_56 = tpu.memref_slice %arg3[%dma_start3A_54, %dma_start3A_55] : memref<1000000x64xf32, #tpu.memory_space<hbm>> -> memref<1000000x64xf32, #tpu.memory_space<hbm>>
    tpu.enqueue_indirect_dma source(%dma_start3A_56 : memref<1000000x64xf32, #tpu.memory_space<hbm>>) target(%dma_start3A_50 : memref<128x64xf32, #tpu.memory_space<vmem>>) offsets(%dma_start3A_53 : memref<128xi32, #tpu.memory_space<vmem>>) semaphore(%arg9 : memref<!tpu.dma_semaphore, #tpu.memory_space<semaphore_mem>>)
    %dma_start3A_57 = arith.constant 1 : i32
    %dma_start3A_58 = arith.constant 0 : i32
    %dma_start3A_59 = arith.constant 0 : i32
    %dma_start3A_60 = tpu.memref_slice %arg5[%dma_start3A_57, %dma_start3A_58, %dma_start3A_59] : memref<2x1x128xi32, #tpu.memory_space<vmem>> -> memref<1x1x128xi32, #tpu.memory_space<vmem>>
    %dma_start3A_61 = tpu.memref_squeeze %dma_start3A_60 : memref<1x1x128xi32, #tpu.memory_space<vmem>> -> memref<1x128xi32, #tpu.memory_space<vmem>>
    %dma_start3A_62 = arith.constant 1 : i32
    %dma_start3A_63 = tpu.memref_slice %arg2[%dma_start3A_62, %multiple_of3A] : memref<200x4096xi32, #tpu.memory_space<hbm>> -> memref<1x128xi32, #tpu.memory_space<hbm>>
    %dma_start3A_64 = arith.constant 0 : i32
    %dma_start3A_65 = arith.constant 0 : i32
    %dma_start3A_66 = tpu.memref_slice %arg5[%dma_start3A_57, %dma_start3A_64, %dma_start3A_65] : memref<2x1x128xi32, #tpu.memory_space<vmem>> -> memref<1x1x128xi32, #tpu.memory_space<vmem>>
    %dma_start3A_67 = tpu.memref_squeeze %dma_start3A_66 : memref<1x1x128xi32, #tpu.memory_space<vmem>> -> memref<1x128xi32, #tpu.memory_space<vmem>>
    %dma_start3A_68 = arith.constant 1 : i32
    %dma_start3A_69 = tpu.memref_slice %arg2[%dma_start3A_68, %multiple_of3A] : memref<200x4096xi32, #tpu.memory_space<hbm>> -> memref<1x128xi32, #tpu.memory_space<hbm>>
    tpu.enqueue_dma source(%dma_start3A_69 : memref<1x128xi32, #tpu.memory_space<hbm>>) target(%dma_start3A_67 : memref<1x128xi32, #tpu.memory_space<vmem>>) target_semaphore(%arg8 : memref<!tpu.dma_semaphore, #tpu.memory_space<semaphore_mem>>)
    %dma_wait3A_70 = arith.constant 1 : i32
    %dma_wait3A_71 = arith.constant 0 : i32
    %dma_wait3A_72 = arith.constant 0 : i32
    %dma_wait3A_73 = tpu.memref_slice %arg5[%dma_wait3A_70, %dma_wait3A_71, %dma_wait3A_72] : memref<2x1x128xi32, #tpu.memory_space<vmem>> -> memref<1x1x128xi32, #tpu.memory_space<vmem>>
    %dma_wait3A_74 = tpu.memref_squeeze %dma_wait3A_73 : memref<1x1x128xi32, #tpu.memory_space<vmem>> -> memref<1x128xi32, #tpu.memory_space<vmem>>
    %dma_wait3A_75 = arith.constant 1 : i32
    %dma_wait3A_76 = tpu.memref_slice %arg2[%dma_wait3A_75, %multiple_of3A] : memref<200x4096xi32, #tpu.memory_space<hbm>> -> memref<1x128xi32, #tpu.memory_space<hbm>>
    %dma_wait3A_77 = arith.constant 0 : i32
    %dma_wait3A_78 = arith.constant 0 : i32
    %dma_wait3A_79 = tpu.memref_slice %arg5[%dma_wait3A_70, %dma_wait3A_77, %dma_wait3A_78] : memref<2x1x128xi32, #tpu.memory_space<vmem>> -> memref<1x1x128xi32, #tpu.memory_space<vmem>>
    %dma_wait3A_80 = tpu.memref_squeeze %dma_wait3A_79 : memref<1x1x128xi32, #tpu.memory_space<vmem>> -> memref<1x128xi32, #tpu.memory_space<vmem>>
    %dma_wait3A_81 = arith.constant 1 : i32
    %dma_wait3A_82 = tpu.memref_slice %arg2[%dma_wait3A_81, %multiple_of3A] : memref<200x4096xi32, #tpu.memory_space<hbm>> -> memref<1x128xi32, #tpu.memory_space<hbm>>
    tpu.wait_dma2 semaphore(%arg8 : memref<!tpu.dma_semaphore, #tpu.memory_space<semaphore_mem>>) src(%dma_wait3A_82 : memref<1x128xi32, #tpu.memory_space<hbm>>) dst(%dma_wait3A_80 : memref<1x128xi32, #tpu.memory_space<vmem>>)
    %dma_wait3A_83 = arith.constant 0 : i32
    %dma_wait3A_84 = arith.constant 0 : i32
    %dma_wait3A_85 = arith.constant 0 : i32
    %dma_wait3A_86 = arith.constant 0 : i32
    %dma_wait3A_87 = arith.constant 0 : i32
    %dma_wait3A_88 = tpu.memref_slice %arg6[%dma_wait3A_85, %dma_wait3A_86, %dma_wait3A_87] : memref<2x128x64xf32, #tpu.memory_space<vmem>> -> memref<1x128x64xf32, #tpu.memory_space<vmem>>
    %dma_wait3A_89 = tpu.memref_squeeze %dma_wait3A_88 : memref<1x128x64xf32, #tpu.memory_space<vmem>> -> memref<128x64xf32, #tpu.memory_space<vmem>>
    %dma_wait3A_90 = arith.constant 0 : i32
    %dma_wait3A_91 = tpu.memref_slice %arg5[%dma_wait3A_83, %dma_wait3A_84, %dma_wait3A_90] : memref<2x1x128xi32, #tpu.memory_space<vmem>> -> memref<1x1x128xi32, #tpu.memory_space<vmem>>
    %dma_wait3A_92 = tpu.memref_squeeze %dma_wait3A_91 : memref<1x1x128xi32, #tpu.memory_space<vmem>> -> memref<128xi32, #tpu.memory_space<vmem>>
    %dma_wait3A_93 = arith.constant 0 : i32
    %dma_wait3A_94 = arith.constant 0 : i32
    %dma_wait3A_95 = tpu.memref_slice %arg3[%dma_wait3A_93, %dma_wait3A_94] : memref<1000000x64xf32, #tpu.memory_space<hbm>> -> memref<1000000x64xf32, #tpu.memory_space<hbm>>
    tpu.wait_indirect_dma semaphore(%arg9 : memref<!tpu.dma_semaphore, #tpu.memory_space<semaphore_mem>>) src(%dma_wait3A_95 : memref<1000000x64xf32, #tpu.memory_space<hbm>>) dst(%dma_wait3A_89 : memref<128x64xf32, #tpu.memory_space<vmem>>)
    %dma_start3A_96 = arith.constant 1 : i32
    %dma_start3A_97 = arith.constant 0 : i32
    %dma_start3A_98 = arith.constant 1 : i32
    %dma_start3A_99 = arith.constant 0 : i32
    %dma_start3A_100 = arith.constant 0 : i32
    %dma_start3A_101 = tpu.memref_slice %arg6[%dma_start3A_98, %dma_start3A_99, %dma_start3A_100] : memref<2x128x64xf32, #tpu.memory_space<vmem>> -> memref<1x128x64xf32, #tpu.memory_space<vmem>>
    %dma_start3A_102 = tpu.memref_squeeze %dma_start3A_101 : memref<1x128x64xf32, #tpu.memory_space<vmem>> -> memref<128x64xf32, #tpu.memory_space<vmem>>
    %dma_start3A_103 = arith.constant 0 : i32
    %dma_start3A_104 = tpu.memref_slice %arg5[%dma_start3A_96, %dma_start3A_97, %dma_start3A_103] : memref<2x1x128xi32, #tpu.memory_space<vmem>> -> memref<1x1x128xi32, #tpu.memory_space<vmem>>
    %dma_start3A_105 = tpu.memref_squeeze %dma_start3A_104 : memref<1x1x128xi32, #tpu.memory_space<vmem>> -> memref<128xi32, #tpu.memory_space<vmem>>
    %dma_start3A_106 = arith.constant 0 : i32
    %dma_start3A_107 = arith.constant 0 : i32
    %dma_start3A_108 = tpu.memref_slice %arg3[%dma_start3A_106, %dma_start3A_107] : memref<1000000x64xf32, #tpu.memory_space<hbm>> -> memref<1000000x64xf32, #tpu.memory_space<hbm>>
    tpu.enqueue_indirect_dma source(%dma_start3A_108 : memref<1000000x64xf32, #tpu.memory_space<hbm>>) target(%dma_start3A_102 : memref<128x64xf32, #tpu.memory_space<vmem>>) offsets(%dma_start3A_105 : memref<128xi32, #tpu.memory_space<vmem>>) semaphore(%arg9 : memref<!tpu.dma_semaphore, #tpu.memory_space<semaphore_mem>>)
    %dma_start3A_109 = arith.constant 0 : i32
    %dma_start3A_110 = arith.constant 0 : i32
    %dma_start3A_111 = arith.constant 0 : i32
    %dma_start3A_112 = tpu.memref_slice %arg5[%dma_start3A_109, %dma_start3A_110, %dma_start3A_111] : memref<2x1x128xi32, #tpu.memory_space<vmem>> -> memref<1x1x128xi32, #tpu.memory_space<vmem>>
    %dma_start3A_113 = tpu.memref_squeeze %dma_start3A_112 : memref<1x1x128xi32, #tpu.memory_space<vmem>> -> memref<1x128xi32, #tpu.memory_space<vmem>>
    %dma_start3A_114 = arith.constant 2 : i32
    %dma_start3A_115 = tpu.memref_slice %arg2[%dma_start3A_114, %multiple_of3A] : memref<200x4096xi32, #tpu.memory_space<hbm>> -> memref<1x128xi32, #tpu.memory_space<hbm>>
    %dma_start3A_116 = arith.constant 0 : i32
    %dma_start3A_117 = arith.constant 0 : i32
    %dma_start3A_118 = tpu.memref_slice %arg5[%dma_start3A_109, %dma_start3A_116, %dma_start3A_117] : memref<2x1x128xi32, #tpu.memory_space<vmem>> -> memref<1x1x128xi32, #tpu.memory_space<vmem>>
    %dma_start3A_119 = tpu.memref_squeeze %dma_start3A_118 : memref<1x1x128xi32, #tpu.memory_space<vmem>> -> memref<1x128xi32, #tpu.memory_space<vmem>>
    %dma_start3A_120 = arith.constant 2 : i32
    %dma_start3A_121 = tpu.memref_slice %arg2[%dma_start3A_120, %multiple_of3A] : memref<200x4096xi32, #tpu.memory_space<hbm>> -> memref<1x128xi32, #tpu.memory_space<hbm>>
    tpu.enqueue_dma source(%dma_start3A_121 : memref<1x128xi32, #tpu.memory_space<hbm>>) target(%dma_start3A_119 : memref<1x128xi32, #tpu.memory_space<vmem>>) target_semaphore(%arg8 : memref<!tpu.dma_semaphore, #tpu.memory_space<semaphore_mem>>)
    %parallel_loop3A = arith.constant 0 : i32
    %parallel_loop3A_122 = arith.constant 128 : i32
    %parallel_loop3A_123 = arith.constant 1 : i32
    %parallel_loop3A_124 = arith.constant 0 : i32
    %parallel_loop3A_125 = arith.constant 0 : i32
    %parallel_loop3A_126 = scf.for %parallel_loop3A_239 = %parallel_loop3A to %parallel_loop3A_122 step %parallel_loop3A_123 iter_args(%parallel_loop3A_240 = %broadcast_in_dim3A_19) -> (vector<16xi32>)  : i32 {
      %parallel_loop3A_241 = arith.constant 0 : i32
      %parallel_loop3A_242 = arith.constant 0 : i32
      %parallel_loop3A_243 = tpu.memref_slice %arg6[%parallel_loop3A_124, %parallel_loop3A_241, %parallel_loop3A_242] : memref<2x128x64xf32, #tpu.memory_space<vmem>> -> memref<1x128x64xf32, #tpu.memory_space<vmem>>
      %parallel_loop3A_244 = tpu.memref_squeeze %parallel_loop3A_243 : memref<1x128x64xf32, #tpu.memory_space<vmem>> -> memref<128x64xf32, #tpu.memory_space<vmem>>
      %parallel_loop3A_245 = arith.index_cast %parallel_loop3A_239 : i32 to index
      %parallel_loop3A_246 = arith.constant 0 : index
      %parallel_loop3A_247 = tpu.vector_load %parallel_loop3A_244[%parallel_loop3A_245, %parallel_loop3A_246] {strides = array<i32>} : memref<128x64xf32, #tpu.memory_space<vmem>>, vector<16xf32>,
      %parallel_loop3A_248 = arith.constant 8.000000e+00 : f32
      %parallel_loop3A_249 = vector.broadcast %parallel_loop3A_248 : f32 to vector<16xf32>
      %parallel_loop3A_250 = arith.mulf %parallel_loop3A_247, %parallel_loop3A_249 : vector<16xf32>
      %parallel_loop3A_251 = arith.constant 0 : i32
      %parallel_loop3A_252 = arith.constant 0 : i32
      %parallel_loop3A_253 = arith.constant 0 : i32
      %parallel_loop3A_254 = tpu.memref_slice %arg7[%parallel_loop3A_125, %parallel_loop3A_251, %parallel_loop3A_252, %parallel_loop3A_253] : memref<2x8x8x129xf32, #tpu.memory_space<vmem>> -> memref<1x8x8x129xf32, #tpu.memory_space<vmem>>
      %parallel_loop3A_255 = tpu.memref_squeeze %parallel_loop3A_254 : memref<1x8x8x129xf32, #tpu.memory_space<vmem>> -> memref<8x8x129xf32, #tpu.memory_space<vmem>>
      tpu.vector_store_idx %parallel_loop3A_255[%add3A_9, %and3A_4, %parallel_loop3A_240], %parallel_loop3A_250 : memref<8x8x129xf32, #tpu.memory_space<vmem>>[vector<16xi32>, vector<16xi32>, vector<16xi32>], vector<16xf32>,
      %parallel_loop3A_256 = arith.constant 0 : i32
      %parallel_loop3A_257 = arith.constant 0 : i32
      %parallel_loop3A_258 = tpu.memref_slice %arg6[%parallel_loop3A_124, %parallel_loop3A_256, %parallel_loop3A_257] : memref<2x128x64xf32, #tpu.memory_space<vmem>> -> memref<1x128x64xf32, #tpu.memory_space<vmem>>
      %parallel_loop3A_259 = tpu.memref_squeeze %parallel_loop3A_258 : memref<1x128x64xf32, #tpu.memory_space<vmem>> -> memref<128x64xf32, #tpu.memory_space<vmem>>
      %parallel_loop3A_260 = arith.index_cast %parallel_loop3A_239 : i32 to index
      %parallel_loop3A_261 = arith.constant 16 : index
      %parallel_loop3A_262 = tpu.vector_load %parallel_loop3A_259[%parallel_loop3A_260, %parallel_loop3A_261] {strides = array<i32>} : memref<128x64xf32, #tpu.memory_space<vmem>>, vector<16xf32>,
      %parallel_loop3A_263 = arith.constant 8.000000e+00 : f32
      %parallel_loop3A_264 = vector.broadcast %parallel_loop3A_263 : f32 to vector<16xf32>
      %parallel_loop3A_265 = arith.mulf %parallel_loop3A_262, %parallel_loop3A_264 : vector<16xf32>
      %parallel_loop3A_266 = arith.constant 0 : i32
      %parallel_loop3A_267 = arith.constant 0 : i32
      %parallel_loop3A_268 = arith.constant 0 : i32
      %parallel_loop3A_269 = tpu.memref_slice %arg7[%parallel_loop3A_125, %parallel_loop3A_266, %parallel_loop3A_267, %parallel_loop3A_268] : memref<2x8x8x129xf32, #tpu.memory_space<vmem>> -> memref<1x8x8x129xf32, #tpu.memory_space<vmem>>
      %parallel_loop3A_270 = tpu.memref_squeeze %parallel_loop3A_269 : memref<1x8x8x129xf32, #tpu.memory_space<vmem>> -> memref<8x8x129xf32, #tpu.memory_space<vmem>>
      tpu.vector_store_idx %parallel_loop3A_270[%add3A_12, %and3A_4, %parallel_loop3A_240], %parallel_loop3A_265 : memref<8x8x129xf32, #tpu.memory_space<vmem>>[vector<16xi32>, vector<16xi32>, vector<16xi32>], vector<16xf32>,
      %parallel_loop3A_271 = arith.constant 0 : i32
      %parallel_loop3A_272 = arith.constant 0 : i32
      %parallel_loop3A_273 = tpu.memref_slice %arg6[%parallel_loop3A_124, %parallel_loop3A_271, %parallel_loop3A_272] : memref<2x128x64xf32, #tpu.memory_space<vmem>> -> memref<1x128x64xf32, #tpu.memory_space<vmem>>
      %parallel_loop3A_274 = tpu.memref_squeeze %parallel_loop3A_273 : memref<1x128x64xf32, #tpu.memory_space<vmem>> -> memref<128x64xf32, #tpu.memory_space<vmem>>
      %parallel_loop3A_275 = arith.index_cast %parallel_loop3A_239 : i32 to index
      %parallel_loop3A_276 = arith.constant 32 : index
      %parallel_loop3A_277 = tpu.vector_load %parallel_loop3A_274[%parallel_loop3A_275, %parallel_loop3A_276] {strides = array<i32>} : memref<128x64xf32, #tpu.memory_space<vmem>>, vector<16xf32>,
      %parallel_loop3A_278 = arith.constant 8.000000e+00 : f32
      %parallel_loop3A_279 = vector.broadcast %parallel_loop3A_278 : f32 to vector<16xf32>
      %parallel_loop3A_280 = arith.mulf %parallel_loop3A_277, %parallel_loop3A_279 : vector<16xf32>
      %parallel_loop3A_281 = arith.constant 0 : i32
      %parallel_loop3A_282 = arith.constant 0 : i32
      %parallel_loop3A_283 = arith.constant 0 : i32
      %parallel_loop3A_284 = tpu.memref_slice %arg7[%parallel_loop3A_125, %parallel_loop3A_281, %parallel_loop3A_282, %parallel_loop3A_283] : memref<2x8x8x129xf32, #tpu.memory_space<vmem>> -> memref<1x8x8x129xf32, #tpu.memory_space<vmem>>
      %parallel_loop3A_285 = tpu.memref_squeeze %parallel_loop3A_284 : memref<1x8x8x129xf32, #tpu.memory_space<vmem>> -> memref<8x8x129xf32, #tpu.memory_space<vmem>>
      tpu.vector_store_idx %parallel_loop3A_285[%add3A_15, %and3A_4, %parallel_loop3A_240], %parallel_loop3A_280 : memref<8x8x129xf32, #tpu.memory_space<vmem>>[vector<16xi32>, vector<16xi32>, vector<16xi32>], vector<16xf32>,
      %parallel_loop3A_286 = arith.constant 0 : i32
      %parallel_loop3A_287 = arith.constant 0 : i32
      %parallel_loop3A_288 = tpu.memref_slice %arg6[%parallel_loop3A_124, %parallel_loop3A_286, %parallel_loop3A_287] : memref<2x128x64xf32, #tpu.memory_space<vmem>> -> memref<1x128x64xf32, #tpu.memory_space<vmem>>
      %parallel_loop3A_289 = tpu.memref_squeeze %parallel_loop3A_288 : memref<1x128x64xf32, #tpu.memory_space<vmem>> -> memref<128x64xf32, #tpu.memory_space<vmem>>
      %parallel_loop3A_290 = arith.index_cast %parallel_loop3A_239 : i32 to index
      %parallel_loop3A_291 = arith.constant 48 : index
      %parallel_loop3A_292 = tpu.vector_load %parallel_loop3A_289[%parallel_loop3A_290, %parallel_loop3A_291] {strides = array<i32>} : memref<128x64xf32, #tpu.memory_space<vmem>>, vector<16xf32>,
      %parallel_loop3A_293 = arith.constant 8.000000e+00 : f32
      %parallel_loop3A_294 = vector.broadcast %parallel_loop3A_293 : f32 to vector<16xf32>
      %parallel_loop3A_295 = arith.mulf %parallel_loop3A_292, %parallel_loop3A_294 : vector<16xf32>
      %parallel_loop3A_296 = arith.constant 0 : i32
      %parallel_loop3A_297 = arith.constant 0 : i32
      %parallel_loop3A_298 = arith.constant 0 : i32
      %parallel_loop3A_299 = tpu.memref_slice %arg7[%parallel_loop3A_125, %parallel_loop3A_296, %parallel_loop3A_297, %parallel_loop3A_298] : memref<2x8x8x129xf32, #tpu.memory_space<vmem>> -> memref<1x8x8x129xf32, #tpu.memory_space<vmem>>
      %parallel_loop3A_300 = tpu.memref_squeeze %parallel_loop3A_299 : memref<1x8x8x129xf32, #tpu.memory_space<vmem>> -> memref<8x8x129xf32, #tpu.memory_space<vmem>>
      tpu.vector_store_idx %parallel_loop3A_300[%add3A_18, %and3A_4, %parallel_loop3A_240], %parallel_loop3A_295 : memref<8x8x129xf32, #tpu.memory_space<vmem>>[vector<16xi32>, vector<16xi32>, vector<16xi32>], vector<16xf32>,
      %parallel_loop3A_301 = arith.constant 1 : i32
      %parallel_loop3A_302 = vector.broadcast %parallel_loop3A_301 : i32 to vector<16xi32>
      %parallel_loop3A_303 = arith.addi %parallel_loop3A_240, %parallel_loop3A_302 : vector<16xi32>
      scf.yield %parallel_loop3A_303 : vector<16xi32>
    } {sc.loop_unroll_factor = 8 : i64, sc.parallel_access}
    %dma_start3A_127 = arith.constant 0 : i32
    %dma_start3A_128 = arith.constant 0 : i32
    %dma_start3A_129 = arith.constant 0 : i32
    %dma_start3A_130 = arith.constant 0 : i32
    %dma_start3A_131 = arith.constant 0 : i32
    %dma_start3A_132 = tpu.memref_slice %arg7[%dma_start3A_127, %dma_start3A_129, %dma_start3A_130, %dma_start3A_131] : memref<2x8x8x129xf32, #tpu.memory_space<vmem>> -> memref<1x8x8x128xf32, #tpu.memory_space<vmem>>
    %dma_start3A_133 = tpu.memref_squeeze %dma_start3A_132 : memref<1x8x8x128xf32, #tpu.memory_space<vmem>> -> memref<8x8x128xf32, #tpu.memory_space<vmem>>
    %dma_start3A_134 = arith.constant 0 : i32
    %dma_start3A_135 = arith.constant 0 : i32
    %dma_start3A_136 = arith.constant 0 : i32
    %dma_start3A_137 = tpu.memref_slice %arg4[%dma_start3A_128, %dma_start3A_134, %add3A, %dma_start3A_135, %dma_start3A_136] : memref<200x8x32x8x128xf32, #tpu.memory_space<hbm>> -> memref<1x8x1x8x128xf32, #tpu.memory_space<hbm>>
    %dma_start3A_138 = tpu.memref_squeeze %dma_start3A_137 : memref<1x8x1x8x128xf32, #tpu.memory_space<hbm>> -> memref<8x8x128xf32, #tpu.memory_space<hbm>>
    %dma_start3A_139 = arith.constant 0 : i32
    %dma_start3A_140 = arith.constant 0 : i32
    %dma_start3A_141 = arith.constant 0 : i32
    %dma_start3A_142 = tpu.memref_slice %arg4[%dma_start3A_128, %dma_start3A_139, %add3A, %dma_start3A_140, %dma_start3A_141] : memref<200x8x32x8x128xf32, #tpu.memory_space<hbm>> -> memref<1x8x1x8x128xf32, #tpu.memory_space<hbm>>
    %dma_start3A_143 = tpu.memref_squeeze %dma_start3A_142 : memref<1x8x1x8x128xf32, #tpu.memory_space<hbm>> -> memref<8x8x128xf32, #tpu.memory_space<hbm>>
    %dma_start3A_144 = arith.constant 0 : i32
    %dma_start3A_145 = arith.constant 0 : i32
    %dma_start3A_146 = arith.constant 0 : i32
    %dma_start3A_147 = tpu.memref_slice %arg7[%dma_start3A_127, %dma_start3A_144, %dma_start3A_145, %dma_start3A_146] : memref<2x8x8x129xf32, #tpu.memory_space<vmem>> -> memref<1x8x8x128xf32, #tpu.memory_space<vmem>>
    %dma_start3A_148 = tpu.memref_squeeze %dma_start3A_147 : memref<1x8x8x128xf32, #tpu.memory_space<vmem>> -> memref<8x8x128xf32, #tpu.memory_space<vmem>>
    tpu.enqueue_dma source(%dma_start3A_148 : memref<8x8x128xf32, #tpu.memory_space<vmem>>) target(%dma_start3A_143 : memref<8x8x128xf32, #tpu.memory_space<hbm>>) target_semaphore(%arg10 : memref<!tpu.dma_semaphore, #tpu.memory_space<semaphore_mem>>)
    %scan3A = arith.constant 0 : i32
    %scan3A_149 = arith.constant 0 : i32
    %scan3A_150 = arith.constant 99 : i32
    %scan3A_151 = arith.addi %scan3A_149, %scan3A_150 : i32
    %scan3A_152 = arith.constant 1 : i32
    scf.for %scan3A_239 = %scan3A_149 to %scan3A_151 step %scan3A_152  : i32 {
      %mul3A_240 = arith.constant 2 : i32
      %mul3A_241 = arith.muli %mul3A_240, %scan3A_239 : i32
      %add3A_242 = arith.constant 1 : i32
      %add3A_243 = arith.addi %add3A_242, %mul3A_241 : i32
      %add3A_244 = arith.constant 1 : i32
      %add3A_245 = arith.addi %add3A_243, %add3A_244 : i32
      %dma_wait3A_246 = arith.constant 0 : i32
      %dma_wait3A_247 = arith.constant 0 : i32
      %dma_wait3A_248 = arith.constant 0 : i32
      %dma_wait3A_249 = tpu.memref_slice %arg5[%dma_wait3A_246, %dma_wait3A_247, %dma_wait3A_248] : memref<2x1x128xi32, #tpu.memory_space<vmem>> -> memref<1x1x128xi32, #tpu.memory_space<vmem>>
      %dma_wait3A_250 = tpu.memref_squeeze %dma_wait3A_249 : memref<1x1x128xi32, #tpu.memory_space<vmem>> -> memref<1x128xi32, #tpu.memory_space<vmem>>
      %dma_wait3A_251 = tpu.memref_slice %arg2[%add3A_245, %multiple_of3A] : memref<200x4096xi32, #tpu.memory_space<hbm>> -> memref<1x128xi32, #tpu.memory_space<hbm>>
      %dma_wait3A_252 = arith.constant 0 : i32
      %dma_wait3A_253 = arith.constant 0 : i32
      %dma_wait3A_254 = tpu.memref_slice %arg5[%dma_wait3A_246, %dma_wait3A_252, %dma_wait3A_253] : memref<2x1x128xi32, #tpu.memory_space<vmem>> -> memref<1x1x128xi32, #tpu.memory_space<vmem>>
      %dma_wait3A_255 = tpu.memref_squeeze %dma_wait3A_254 : memref<1x1x128xi32, #tpu.memory_space<vmem>> -> memref<1x128xi32, #tpu.memory_space<vmem>>
      %dma_wait3A_256 = tpu.memref_slice %arg2[%add3A_245, %multiple_of3A] : memref<200x4096xi32, #tpu.memory_space<hbm>> -> memref<1x128xi32, #tpu.memory_space<hbm>>
      tpu.wait_dma2 semaphore(%arg8 : memref<!tpu.dma_semaphore, #tpu.memory_space<semaphore_mem>>) src(%dma_wait3A_256 : memref<1x128xi32, #tpu.memory_space<hbm>>) dst(%dma_wait3A_255 : memref<1x128xi32, #tpu.memory_space<vmem>>)
      %dma_wait3A_257 = arith.constant 1 : i32
      %dma_wait3A_258 = arith.constant 0 : i32
      %dma_wait3A_259 = arith.constant 1 : i32
      %dma_wait3A_260 = arith.constant 0 : i32
      %dma_wait3A_261 = arith.constant 0 : i32
      %dma_wait3A_262 = tpu.memref_slice %arg6[%dma_wait3A_259, %dma_wait3A_260, %dma_wait3A_261] : memref<2x128x64xf32, #tpu.memory_space<vmem>> -> memref<1x128x64xf32, #tpu.memory_space<vmem>>
      %dma_wait3A_263 = tpu.memref_squeeze %dma_wait3A_262 : memref<1x128x64xf32, #tpu.memory_space<vmem>> -> memref<128x64xf32, #tpu.memory_space<vmem>>
      %dma_wait3A_264 = arith.constant 0 : i32
      %dma_wait3A_265 = tpu.memref_slice %arg5[%dma_wait3A_257, %dma_wait3A_258, %dma_wait3A_264] : memref<2x1x128xi32, #tpu.memory_space<vmem>> -> memref<1x1x128xi32, #tpu.memory_space<vmem>>
      %dma_wait3A_266 = tpu.memref_squeeze %dma_wait3A_265 : memref<1x1x128xi32, #tpu.memory_space<vmem>> -> memref<128xi32, #tpu.memory_space<vmem>>
      %dma_wait3A_267 = arith.constant 0 : i32
      %dma_wait3A_268 = arith.constant 0 : i32
      %dma_wait3A_269 = tpu.memref_slice %arg3[%dma_wait3A_267, %dma_wait3A_268] : memref<1000000x64xf32, #tpu.memory_space<hbm>> -> memref<1000000x64xf32, #tpu.memory_space<hbm>>
      tpu.wait_indirect_dma semaphore(%arg9 : memref<!tpu.dma_semaphore, #tpu.memory_space<semaphore_mem>>) src(%dma_wait3A_269 : memref<1000000x64xf32, #tpu.memory_space<hbm>>) dst(%dma_wait3A_263 : memref<128x64xf32, #tpu.memory_space<vmem>>)
      %add3A_270 = arith.constant 1 : i32
      %add3A_271 = arith.addi %add3A_243, %add3A_270 : i32
      %dma_start3A_272 = arith.constant 0 : i32
      %dma_start3A_273 = arith.constant 0 : i32
      %dma_start3A_274 = arith.constant 0 : i32
      %dma_start3A_275 = arith.constant 0 : i32
      %dma_start3A_276 = arith.constant 0 : i32
      %dma_start3A_277 = tpu.memref_slice %arg6[%dma_start3A_274, %dma_start3A_275, %dma_start3A_276] : memref<2x128x64xf32, #tpu.memory_space<vmem>> -> memref<1x128x64xf32, #tpu.memory_space<vmem>>
      %dma_start3A_278 = tpu.memref_squeeze %dma_start3A_277 : memref<1x128x64xf32, #tpu.memory_space<vmem>> -> memref<128x64xf32, #tpu.memory_space<vmem>>
      %dma_start3A_279 = arith.constant 0 : i32
      %dma_start3A_280 = tpu.memref_slice %arg5[%dma_start3A_272, %dma_start3A_273, %dma_start3A_279] : memref<2x1x128xi32, #tpu.memory_space<vmem>> -> memref<1x1x128xi32, #tpu.memory_space<vmem>>
      %dma_start3A_281 = tpu.memref_squeeze %dma_start3A_280 : memref<1x1x128xi32, #tpu.memory_space<vmem>> -> memref<128xi32, #tpu.memory_space<vmem>>
      %dma_start3A_282 = arith.constant 0 : i32
      %dma_start3A_283 = arith.constant 0 : i32
      %dma_start3A_284 = tpu.memref_slice %arg3[%dma_start3A_282, %dma_start3A_283] : memref<1000000x64xf32, #tpu.memory_space<hbm>> -> memref<1000000x64xf32, #tpu.memory_space<hbm>>
      tpu.enqueue_indirect_dma source(%dma_start3A_284 : memref<1000000x64xf32, #tpu.memory_space<hbm>>) target(%dma_start3A_278 : memref<128x64xf32, #tpu.memory_space<vmem>>) offsets(%dma_start3A_281 : memref<128xi32, #tpu.memory_space<vmem>>) semaphore(%arg9 : memref<!tpu.dma_semaphore, #tpu.memory_space<semaphore_mem>>)
      %lt3A = arith.constant 198 : i32
      %lt3A_285 = arith.cmpi slt, %add3A_243, %lt3A : i32
      %convert_element_type3A = arith.extui %lt3A_285 : i1 to i32
      %cond3A = arith.constant 0 : i32
      %cond3A_286 = arith.cmpi ne, %convert_element_type3A, %cond3A : i32
      scf.if %cond3A_286 {
        %add3A_434 = arith.constant 2 : i32
        %add3A_435 = arith.addi %add3A_243, %add3A_434 : i32
        %dma_start3A_436 = arith.constant 1 : i32
        %dma_start3A_437 = arith.constant 0 : i32
        %dma_start3A_438 = arith.constant 0 : i32
        %dma_start3A_439 = tpu.memref_slice %arg5[%dma_start3A_436, %dma_start3A_437, %dma_start3A_438] : memref<2x1x128xi32, #tpu.memory_space<vmem>> -> memref<1x1x128xi32, #tpu.memory_space<vmem>>
        %dma_start3A_440 = tpu.memref_squeeze %dma_start3A_439 : memref<1x1x128xi32, #tpu.memory_space<vmem>> -> memref<1x128xi32, #tpu.memory_space<vmem>>
        %dma_start3A_441 = tpu.memref_slice %arg2[%add3A_435, %multiple_of3A] : memref<200x4096xi32, #tpu.memory_space<hbm>> -> memref<1x128xi32, #tpu.memory_space<hbm>>
        %dma_start3A_442 = arith.constant 0 : i32
        %dma_start3A_443 = arith.constant 0 : i32
        %dma_start3A_444 = tpu.memref_slice %arg5[%dma_start3A_436, %dma_start3A_442, %dma_start3A_443] : memref<2x1x128xi32, #tpu.memory_space<vmem>> -> memref<1x1x128xi32, #tpu.memory_space<vmem>>
        %dma_start3A_445 = tpu.memref_squeeze %dma_start3A_444 : memref<1x1x128xi32, #tpu.memory_space<vmem>> -> memref<1x128xi32, #tpu.memory_space<vmem>>
        %dma_start3A_446 = tpu.memref_slice %arg2[%add3A_435, %multiple_of3A] : memref<200x4096xi32, #tpu.memory_space<hbm>> -> memref<1x128xi32, #tpu.memory_space<hbm>>
        tpu.enqueue_dma source(%dma_start3A_446 : memref<1x128xi32, #tpu.memory_space<hbm>>) target(%dma_start3A_445 : memref<1x128xi32, #tpu.memory_space<vmem>>) target_semaphore(%arg8 : memref<!tpu.dma_semaphore, #tpu.memory_space<semaphore_mem>>)
      } else {
      }
      %parallel_loop3A_287 = arith.constant 0 : i32
      %parallel_loop3A_288 = arith.constant 128 : i32
      %parallel_loop3A_289 = arith.constant 1 : i32
      %parallel_loop3A_290 = arith.constant 1 : i32
      %parallel_loop3A_291 = arith.constant 1 : i32
      %parallel_loop3A_292 = scf.for %parallel_loop3A_434 = %parallel_loop3A_287 to %parallel_loop3A_288 step %parallel_loop3A_289 iter_args(%parallel_loop3A_435 = %broadcast_in_dim3A_19) -> (vector<16xi32>)  : i32 {
        %parallel_loop3A_436 = arith.constant 0 : i32
        %parallel_loop3A_437 = arith.constant 0 : i32
        %parallel_loop3A_438 = tpu.memref_slice %arg6[%parallel_loop3A_290, %parallel_loop3A_436, %parallel_loop3A_437] : memref<2x128x64xf32, #tpu.memory_space<vmem>> -> memref<1x128x64xf32, #tpu.memory_space<vmem>>
        %parallel_loop3A_439 = tpu.memref_squeeze %parallel_loop3A_438 : memref<1x128x64xf32, #tpu.memory_space<vmem>> -> memref<128x64xf32, #tpu.memory_space<vmem>>
        %parallel_loop3A_440 = arith.index_cast %parallel_loop3A_434 : i32 to index
        %parallel_loop3A_441 = arith.constant 0 : index
        %parallel_loop3A_442 = tpu.vector_load %parallel_loop3A_439[%parallel_loop3A_440, %parallel_loop3A_441] {strides = array<i32>} : memref<128x64xf32, #tpu.memory_space<vmem>>, vector<16xf32>,
        %parallel_loop3A_443 = arith.constant 8.000000e+00 : f32
        %parallel_loop3A_444 = vector.broadcast %parallel_loop3A_443 : f32 to vector<16xf32>
        %parallel_loop3A_445 = arith.mulf %parallel_loop3A_442, %parallel_loop3A_444 : vector<16xf32>
        %parallel_loop3A_446 = arith.constant 0 : i32
        %parallel_loop3A_447 = arith.constant 0 : i32
        %parallel_loop3A_448 = arith.constant 0 : i32
        %parallel_loop3A_449 = tpu.memref_slice %arg7[%parallel_loop3A_291, %parallel_loop3A_446, %parallel_loop3A_447, %parallel_loop3A_448] : memref<2x8x8x129xf32, #tpu.memory_space<vmem>> -> memref<1x8x8x129xf32, #tpu.memory_space<vmem>>
        %parallel_loop3A_450 = tpu.memref_squeeze %parallel_loop3A_449 : memref<1x8x8x129xf32, #tpu.memory_space<vmem>> -> memref<8x8x129xf32, #tpu.memory_space<vmem>>
        tpu.vector_store_idx %parallel_loop3A_450[%add3A_9, %and3A_4, %parallel_loop3A_435], %parallel_loop3A_445 : memref<8x8x129xf32, #tpu.memory_space<vmem>>[vector<16xi32>, vector<16xi32>, vector<16xi32>], vector<16xf32>,
        %parallel_loop3A_451 = arith.constant 0 : i32
        %parallel_loop3A_452 = arith.constant 0 : i32
        %parallel_loop3A_453 = tpu.memref_slice %arg6[%parallel_loop3A_290, %parallel_loop3A_451, %parallel_loop3A_452] : memref<2x128x64xf32, #tpu.memory_space<vmem>> -> memref<1x128x64xf32, #tpu.memory_space<vmem>>
        %parallel_loop3A_454 = tpu.memref_squeeze %parallel_loop3A_453 : memref<1x128x64xf32, #tpu.memory_space<vmem>> -> memref<128x64xf32, #tpu.memory_space<vmem>>
        %parallel_loop3A_455 = arith.index_cast %parallel_loop3A_434 : i32 to index
        %parallel_loop3A_456 = arith.constant 16 : index
        %parallel_loop3A_457 = tpu.vector_load %parallel_loop3A_454[%parallel_loop3A_455, %parallel_loop3A_456] {strides = array<i32>} : memref<128x64xf32, #tpu.memory_space<vmem>>, vector<16xf32>,
        %parallel_loop3A_458 = arith.constant 8.000000e+00 : f32
        %parallel_loop3A_459 = vector.broadcast %parallel_loop3A_458 : f32 to vector<16xf32>
        %parallel_loop3A_460 = arith.mulf %parallel_loop3A_457, %parallel_loop3A_459 : vector<16xf32>
        %parallel_loop3A_461 = arith.constant 0 : i32
        %parallel_loop3A_462 = arith.constant 0 : i32
        %parallel_loop3A_463 = arith.constant 0 : i32
        %parallel_loop3A_464 = tpu.memref_slice %arg7[%parallel_loop3A_291, %parallel_loop3A_461, %parallel_loop3A_462, %parallel_loop3A_463] : memref<2x8x8x129xf32, #tpu.memory_space<vmem>> -> memref<1x8x8x129xf32, #tpu.memory_space<vmem>>
        %parallel_loop3A_465 = tpu.memref_squeeze %parallel_loop3A_464 : memref<1x8x8x129xf32, #tpu.memory_space<vmem>> -> memref<8x8x129xf32, #tpu.memory_space<vmem>>
        tpu.vector_store_idx %parallel_loop3A_465[%add3A_12, %and3A_4, %parallel_loop3A_435], %parallel_loop3A_460 : memref<8x8x129xf32, #tpu.memory_space<vmem>>[vector<16xi32>, vector<16xi32>, vector<16xi32>], vector<16xf32>,
        %parallel_loop3A_466 = arith.constant 0 : i32
        %parallel_loop3A_467 = arith.constant 0 : i32
        %parallel_loop3A_468 = tpu.memref_slice %arg6[%parallel_loop3A_290, %parallel_loop3A_466, %parallel_loop3A_467] : memref<2x128x64xf32, #tpu.memory_space<vmem>> -> memref<1x128x64xf32, #tpu.memory_space<vmem>>
        %parallel_loop3A_469 = tpu.memref_squeeze %parallel_loop3A_468 : memref<1x128x64xf32, #tpu.memory_space<vmem>> -> memref<128x64xf32, #tpu.memory_space<vmem>>
        %parallel_loop3A_470 = arith.index_cast %parallel_loop3A_434 : i32 to index
        %parallel_loop3A_471 = arith.constant 32 : index
        %parallel_loop3A_472 = tpu.vector_load %parallel_loop3A_469[%parallel_loop3A_470, %parallel_loop3A_471] {strides = array<i32>} : memref<128x64xf32, #tpu.memory_space<vmem>>, vector<16xf32>,
        %parallel_loop3A_473 = arith.constant 8.000000e+00 : f32
        %parallel_loop3A_474 = vector.broadcast %parallel_loop3A_473 : f32 to vector<16xf32>
        %parallel_loop3A_475 = arith.mulf %parallel_loop3A_472, %parallel_loop3A_474 : vector<16xf32>
        %parallel_loop3A_476 = arith.constant 0 : i32
        %parallel_loop3A_477 = arith.constant 0 : i32
        %parallel_loop3A_478 = arith.constant 0 : i32
        %parallel_loop3A_479 = tpu.memref_slice %arg7[%parallel_loop3A_291, %parallel_loop3A_476, %parallel_loop3A_477, %parallel_loop3A_478] : memref<2x8x8x129xf32, #tpu.memory_space<vmem>> -> memref<1x8x8x129xf32, #tpu.memory_space<vmem>>
        %parallel_loop3A_480 = tpu.memref_squeeze %parallel_loop3A_479 : memref<1x8x8x129xf32, #tpu.memory_space<vmem>> -> memref<8x8x129xf32, #tpu.memory_space<vmem>>
        tpu.vector_store_idx %parallel_loop3A_480[%add3A_15, %and3A_4, %parallel_loop3A_435], %parallel_loop3A_475 : memref<8x8x129xf32, #tpu.memory_space<vmem>>[vector<16xi32>, vector<16xi32>, vector<16xi32>], vector<16xf32>,
        %parallel_loop3A_481 = arith.constant 0 : i32
        %parallel_loop3A_482 = arith.constant 0 : i32
        %parallel_loop3A_483 = tpu.memref_slice %arg6[%parallel_loop3A_290, %parallel_loop3A_481, %parallel_loop3A_482] : memref<2x128x64xf32, #tpu.memory_space<vmem>> -> memref<1x128x64xf32, #tpu.memory_space<vmem>>
        %parallel_loop3A_484 = tpu.memref_squeeze %parallel_loop3A_483 : memref<1x128x64xf32, #tpu.memory_space<vmem>> -> memref<128x64xf32, #tpu.memory_space<vmem>>
        %parallel_loop3A_485 = arith.index_cast %parallel_loop3A_434 : i32 to index
        %parallel_loop3A_486 = arith.constant 48 : index
        %parallel_loop3A_487 = tpu.vector_load %parallel_loop3A_484[%parallel_loop3A_485, %parallel_loop3A_486] {strides = array<i32>} : memref<128x64xf32, #tpu.memory_space<vmem>>, vector<16xf32>,
        %parallel_loop3A_488 = arith.constant 8.000000e+00 : f32
        %parallel_loop3A_489 = vector.broadcast %parallel_loop3A_488 : f32 to vector<16xf32>
        %parallel_loop3A_490 = arith.mulf %parallel_loop3A_487, %parallel_loop3A_489 : vector<16xf32>
        %parallel_loop3A_491 = arith.constant 0 : i32
        %parallel_loop3A_492 = arith.constant 0 : i32
        %parallel_loop3A_493 = arith.constant 0 : i32
        %parallel_loop3A_494 = tpu.memref_slice %arg7[%parallel_loop3A_291, %parallel_loop3A_491, %parallel_loop3A_492, %parallel_loop3A_493] : memref<2x8x8x129xf32, #tpu.memory_space<vmem>> -> memref<1x8x8x129xf32, #tpu.memory_space<vmem>>
        %parallel_loop3A_495 = tpu.memref_squeeze %parallel_loop3A_494 : memref<1x8x8x129xf32, #tpu.memory_space<vmem>> -> memref<8x8x129xf32, #tpu.memory_space<vmem>>
        tpu.vector_store_idx %parallel_loop3A_495[%add3A_18, %and3A_4, %parallel_loop3A_435], %parallel_loop3A_490 : memref<8x8x129xf32, #tpu.memory_space<vmem>>[vector<16xi32>, vector<16xi32>, vector<16xi32>], vector<16xf32>,
        %parallel_loop3A_496 = arith.constant 1 : i32
        %parallel_loop3A_497 = vector.broadcast %parallel_loop3A_496 : i32 to vector<16xi32>
        %parallel_loop3A_498 = arith.addi %parallel_loop3A_435, %parallel_loop3A_497 : vector<16xi32>
        scf.yield %parallel_loop3A_498 : vector<16xi32>
      } {sc.loop_unroll_factor = 8 : i64, sc.parallel_access}
      %sub3A = arith.constant 1 : i32
      %sub3A_293 = arith.subi %add3A_243, %sub3A : i32
      %dma_wait3A_294 = arith.constant 0 : i32
      %dma_wait3A_295 = arith.constant 0 : i32
      %dma_wait3A_296 = arith.constant 0 : i32
      %dma_wait3A_297 = arith.constant 0 : i32
      %dma_wait3A_298 = tpu.memref_slice %arg7[%dma_wait3A_294, %dma_wait3A_295, %dma_wait3A_296, %dma_wait3A_297] : memref<2x8x8x129xf32, #tpu.memory_space<vmem>> -> memref<1x8x8x128xf32, #tpu.memory_space<vmem>>
      %dma_wait3A_299 = tpu.memref_squeeze %dma_wait3A_298 : memref<1x8x8x128xf32, #tpu.memory_space<vmem>> -> memref<8x8x128xf32, #tpu.memory_space<vmem>>
      %dma_wait3A_300 = arith.constant 0 : i32
      %dma_wait3A_301 = arith.constant 0 : i32
      %dma_wait3A_302 = arith.constant 0 : i32
      %dma_wait3A_303 = tpu.memref_slice %arg4[%sub3A_293, %dma_wait3A_300, %add3A, %dma_wait3A_301, %dma_wait3A_302] : memref<200x8x32x8x128xf32, #tpu.memory_space<hbm>> -> memref<1x8x1x8x128xf32, #tpu.memory_space<hbm>>
      %dma_wait3A_304 = tpu.memref_squeeze %dma_wait3A_303 : memref<1x8x1x8x128xf32, #tpu.memory_space<hbm>> -> memref<8x8x128xf32, #tpu.memory_space<hbm>>
      %dma_wait3A_305 = arith.constant 0 : i32
      %dma_wait3A_306 = arith.constant 0 : i32
      %dma_wait3A_307 = arith.constant 0 : i32
      %dma_wait3A_308 = tpu.memref_slice %arg4[%sub3A_293, %dma_wait3A_305, %add3A, %dma_wait3A_306, %dma_wait3A_307] : memref<200x8x32x8x128xf32, #tpu.memory_space<hbm>> -> memref<1x8x1x8x128xf32, #tpu.memory_space<hbm>>
      %dma_wait3A_309 = tpu.memref_squeeze %dma_wait3A_308 : memref<1x8x1x8x128xf32, #tpu.memory_space<hbm>> -> memref<8x8x128xf32, #tpu.memory_space<hbm>>
      %dma_wait3A_310 = arith.constant 0 : i32
      %dma_wait3A_311 = arith.constant 0 : i32
      %dma_wait3A_312 = arith.constant 0 : i32
      %dma_wait3A_313 = tpu.memref_slice %arg7[%dma_wait3A_294, %dma_wait3A_310, %dma_wait3A_311, %dma_wait3A_312] : memref<2x8x8x129xf32, #tpu.memory_space<vmem>> -> memref<1x8x8x128xf32, #tpu.memory_space<vmem>>
      %dma_wait3A_314 = tpu.memref_squeeze %dma_wait3A_313 : memref<1x8x8x128xf32, #tpu.memory_space<vmem>> -> memref<8x8x128xf32, #tpu.memory_space<vmem>>
      tpu.wait_dma2 semaphore(%arg10 : memref<!tpu.dma_semaphore, #tpu.memory_space<semaphore_mem>>) src(%dma_wait3A_314 : memref<8x8x128xf32, #tpu.memory_space<vmem>>) dst(%dma_wait3A_309 : memref<8x8x128xf32, #tpu.memory_space<hbm>>)
      %dma_start3A_315 = arith.constant 1 : i32
      %dma_start3A_316 = arith.constant 0 : i32
      %dma_start3A_317 = arith.constant 0 : i32
      %dma_start3A_318 = arith.constant 0 : i32
      %dma_start3A_319 = tpu.memref_slice %arg7[%dma_start3A_315, %dma_start3A_316, %dma_start3A_317, %dma_start3A_318] : memref<2x8x8x129xf32, #tpu.memory_space<vmem>> -> memref<1x8x8x128xf32, #tpu.memory_space<vmem>>
      %dma_start3A_320 = tpu.memref_squeeze %dma_start3A_319 : memref<1x8x8x128xf32, #tpu.memory_space<vmem>> -> memref<8x8x128xf32, #tpu.memory_space<vmem>>
      %dma_start3A_321 = arith.constant 0 : i32
      %dma_start3A_322 = arith.constant 0 : i32
      %dma_start3A_323 = arith.constant 0 : i32
      %dma_start3A_324 = tpu.memref_slice %arg4[%add3A_243, %dma_start3A_321, %add3A, %dma_start3A_322, %dma_start3A_323] : memref<200x8x32x8x128xf32, #tpu.memory_space<hbm>> -> memref<1x8x1x8x128xf32, #tpu.memory_space<hbm>>
      %dma_start3A_325 = tpu.memref_squeeze %dma_start3A_324 : memref<1x8x1x8x128xf32, #tpu.memory_space<hbm>> -> memref<8x8x128xf32, #tpu.memory_space<hbm>>
      %dma_start3A_326 = arith.constant 0 : i32
      %dma_start3A_327 = arith.constant 0 : i32
      %dma_start3A_328 = arith.constant 0 : i32
      %dma_start3A_329 = tpu.memref_slice %arg4[%add3A_243, %dma_start3A_326, %add3A, %dma_start3A_327, %dma_start3A_328] : memref<200x8x32x8x128xf32, #tpu.memory_space<hbm>> -> memref<1x8x1x8x128xf32, #tpu.memory_space<hbm>>
      %dma_start3A_330 = tpu.memref_squeeze %dma_start3A_329 : memref<1x8x1x8x128xf32, #tpu.memory_space<hbm>> -> memref<8x8x128xf32, #tpu.memory_space<hbm>>
      %dma_start3A_331 = arith.constant 0 : i32
      %dma_start3A_332 = arith.constant 0 : i32
      %dma_start3A_333 = arith.constant 0 : i32
      %dma_start3A_334 = tpu.memref_slice %arg7[%dma_start3A_315, %dma_start3A_331, %dma_start3A_332, %dma_start3A_333] : memref<2x8x8x129xf32, #tpu.memory_space<vmem>> -> memref<1x8x8x128xf32, #tpu.memory_space<vmem>>
      %dma_start3A_335 = tpu.memref_squeeze %dma_start3A_334 : memref<1x8x8x128xf32, #tpu.memory_space<vmem>> -> memref<8x8x128xf32, #tpu.memory_space<vmem>>
      tpu.enqueue_dma source(%dma_start3A_335 : memref<8x8x128xf32, #tpu.memory_space<vmem>>) target(%dma_start3A_330 : memref<8x8x128xf32, #tpu.memory_space<hbm>>) target_semaphore(%arg10 : memref<!tpu.dma_semaphore, #tpu.memory_space<semaphore_mem>>)
      %add3A_336 = arith.constant 1 : i32
      %add3A_337 = arith.addi %add3A_243, %add3A_336 : i32
      %add3A_338 = arith.constant 1 : i32
      %add3A_339 = arith.addi %add3A_337, %add3A_338 : i32
      %dma_wait3A_340 = arith.constant 1 : i32
      %dma_wait3A_341 = arith.constant 0 : i32
      %dma_wait3A_342 = arith.constant 0 : i32
      %dma_wait3A_343 = tpu.memref_slice %arg5[%dma_wait3A_340, %dma_wait3A_341, %dma_wait3A_342] : memref<2x1x128xi32, #tpu.memory_space<vmem>> -> memref<1x1x128xi32, #tpu.memory_space<vmem>>
      %dma_wait3A_344 = tpu.memref_squeeze %dma_wait3A_343 : memref<1x1x128xi32, #tpu.memory_space<vmem>> -> memref<1x128xi32, #tpu.memory_space<vmem>>
      %dma_wait3A_345 = tpu.memref_slice %arg2[%add3A_339, %multiple_of3A] : memref<200x4096xi32, #tpu.memory_space<hbm>> -> memref<1x128xi32, #tpu.memory_space<hbm>>
      %dma_wait3A_346 = arith.constant 0 : i32
      %dma_wait3A_347 = arith.constant 0 : i32
      %dma_wait3A_348 = tpu.memref_slice %arg5[%dma_wait3A_340, %dma_wait3A_346, %dma_wait3A_347] : memref<2x1x128xi32, #tpu.memory_space<vmem>> -> memref<1x1x128xi32, #tpu.memory_space<vmem>>
      %dma_wait3A_349 = tpu.memref_squeeze %dma_wait3A_348 : memref<1x1x128xi32, #tpu.memory_space<vmem>> -> memref<1x128xi32, #tpu.memory_space<vmem>>
      %dma_wait3A_350 = tpu.memref_slice %arg2[%add3A_339, %multiple_of3A] : memref<200x4096xi32, #tpu.memory_space<hbm>> -> memref<1x128xi32, #tpu.memory_space<hbm>>
      tpu.wait_dma2 semaphore(%arg8 : memref<!tpu.dma_semaphore, #tpu.memory_space<semaphore_mem>>) src(%dma_wait3A_350 : memref<1x128xi32, #tpu.memory_space<hbm>>) dst(%dma_wait3A_349 : memref<1x128xi32, #tpu.memory_space<vmem>>)
      %dma_wait3A_351 = arith.constant 0 : i32
      %dma_wait3A_352 = arith.constant 0 : i32
      %dma_wait3A_353 = arith.constant 0 : i32
      %dma_wait3A_354 = arith.constant 0 : i32
      %dma_wait3A_355 = arith.constant 0 : i32
      %dma_wait3A_356 = tpu.memref_slice %arg6[%dma_wait3A_353, %dma_wait3A_354, %dma_wait3A_355] : memref<2x128x64xf32, #tpu.memory_space<vmem>> -> memref<1x128x64xf32, #tpu.memory_space<vmem>>
      %dma_wait3A_357 = tpu.memref_squeeze %dma_wait3A_356 : memref<1x128x64xf32, #tpu.memory_space<vmem>> -> memref<128x64xf32, #tpu.memory_space<vmem>>
      %dma_wait3A_358 = arith.constant 0 : i32
      %dma_wait3A_359 = tpu.memref_slice %arg5[%dma_wait3A_351, %dma_wait3A_352, %dma_wait3A_358] : memref<2x1x128xi32, #tpu.memory_space<vmem>> -> memref<1x1x128xi32, #tpu.memory_space<vmem>>
      %dma_wait3A_360 = tpu.memref_squeeze %dma_wait3A_359 : memref<1x1x128xi32, #tpu.memory_space<vmem>> -> memref<128xi32, #tpu.memory_space<vmem>>
      %dma_wait3A_361 = arith.constant 0 : i32
      %dma_wait3A_362 = arith.constant 0 : i32
      %dma_wait3A_363 = tpu.memref_slice %arg3[%dma_wait3A_361, %dma_wait3A_362] : memref<1000000x64xf32, #tpu.memory_space<hbm>> -> memref<1000000x64xf32, #tpu.memory_space<hbm>>
      tpu.wait_indirect_dma semaphore(%arg9 : memref<!tpu.dma_semaphore, #tpu.memory_space<semaphore_mem>>) src(%dma_wait3A_363 : memref<1000000x64xf32, #tpu.memory_space<hbm>>) dst(%dma_wait3A_357 : memref<128x64xf32, #tpu.memory_space<vmem>>)
      %add3A_364 = arith.constant 1 : i32
      %add3A_365 = arith.addi %add3A_337, %add3A_364 : i32
      %dma_start3A_366 = arith.constant 1 : i32
      %dma_start3A_367 = arith.constant 0 : i32
      %dma_start3A_368 = arith.constant 1 : i32
      %dma_start3A_369 = arith.constant 0 : i32
      %dma_start3A_370 = arith.constant 0 : i32
      %dma_start3A_371 = tpu.memref_slice %arg6[%dma_start3A_368, %dma_start3A_369, %dma_start3A_370] : memref<2x128x64xf32, #tpu.memory_space<vmem>> -> memref<1x128x64xf32, #tpu.memory_space<vmem>>
      %dma_start3A_372 = tpu.memref_squeeze %dma_start3A_371 : memref<1x128x64xf32, #tpu.memory_space<vmem>> -> memref<128x64xf32, #tpu.memory_space<vmem>>
      %dma_start3A_373 = arith.constant 0 : i32
      %dma_start3A_374 = tpu.memref_slice %arg5[%dma_start3A_366, %dma_start3A_367, %dma_start3A_373] : memref<2x1x128xi32, #tpu.memory_space<vmem>> -> memref<1x1x128xi32, #tpu.memory_space<vmem>>
      %dma_start3A_375 = tpu.memref_squeeze %dma_start3A_374 : memref<1x1x128xi32, #tpu.memory_space<vmem>> -> memref<128xi32, #tpu.memory_space<vmem>>
      %dma_start3A_376 = arith.constant 0 : i32
      %dma_start3A_377 = arith.constant 0 : i32
      %dma_start3A_378 = tpu.memref_slice %arg3[%dma_start3A_376, %dma_start3A_377] : memref<1000000x64xf32, #tpu.memory_space<hbm>> -> memref<1000000x64xf32, #tpu.memory_space<hbm>>
      tpu.enqueue_indirect_dma source(%dma_start3A_378 : memref<1000000x64xf32, #tpu.memory_space<hbm>>) target(%dma_start3A_372 : memref<128x64xf32, #tpu.memory_space<vmem>>) offsets(%dma_start3A_375 : memref<128xi32, #tpu.memory_space<vmem>>) semaphore(%arg9 : memref<!tpu.dma_semaphore, #tpu.memory_space<semaphore_mem>>)
      %lt3A_379 = arith.constant 198 : i32
      %lt3A_380 = arith.cmpi slt, %add3A_337, %lt3A_379 : i32
      %convert_element_type3A_381 = arith.extui %lt3A_380 : i1 to i32
      %cond3A_382 = arith.constant 0 : i32
      %cond3A_383 = arith.cmpi ne, %convert_element_type3A_381, %cond3A_382 : i32
      scf.if %cond3A_383 {
        %add3A_434 = arith.constant 2 : i32
        %add3A_435 = arith.addi %add3A_337, %add3A_434 : i32
        %dma_start3A_436 = arith.constant 0 : i32
        %dma_start3A_437 = arith.constant 0 : i32
        %dma_start3A_438 = arith.constant 0 : i32
        %dma_start3A_439 = tpu.memref_slice %arg5[%dma_start3A_436, %dma_start3A_437, %dma_start3A_438] : memref<2x1x128xi32, #tpu.memory_space<vmem>> -> memref<1x1x128xi32, #tpu.memory_space<vmem>>
        %dma_start3A_440 = tpu.memref_squeeze %dma_start3A_439 : memref<1x1x128xi32, #tpu.memory_space<vmem>> -> memref<1x128xi32, #tpu.memory_space<vmem>>
        %dma_start3A_441 = tpu.memref_slice %arg2[%add3A_435, %multiple_of3A] : memref<200x4096xi32, #tpu.memory_space<hbm>> -> memref<1x128xi32, #tpu.memory_space<hbm>>
        %dma_start3A_442 = arith.constant 0 : i32
        %dma_start3A_443 = arith.constant 0 : i32
        %dma_start3A_444 = tpu.memref_slice %arg5[%dma_start3A_436, %dma_start3A_442, %dma_start3A_443] : memref<2x1x128xi32, #tpu.memory_space<vmem>> -> memref<1x1x128xi32, #tpu.memory_space<vmem>>
        %dma_start3A_445 = tpu.memref_squeeze %dma_start3A_444 : memref<1x1x128xi32, #tpu.memory_space<vmem>> -> memref<1x128xi32, #tpu.memory_space<vmem>>
        %dma_start3A_446 = tpu.memref_slice %arg2[%add3A_435, %multiple_of3A] : memref<200x4096xi32, #tpu.memory_space<hbm>> -> memref<1x128xi32, #tpu.memory_space<hbm>>
        tpu.enqueue_dma source(%dma_start3A_446 : memref<1x128xi32, #tpu.memory_space<hbm>>) target(%dma_start3A_445 : memref<1x128xi32, #tpu.memory_space<vmem>>) target_semaphore(%arg8 : memref<!tpu.dma_semaphore, #tpu.memory_space<semaphore_mem>>)
      } else {
      }
      %parallel_loop3A_384 = arith.constant 0 : i32
      %parallel_loop3A_385 = arith.constant 128 : i32
      %parallel_loop3A_386 = arith.constant 1 : i32
      %parallel_loop3A_387 = arith.constant 0 : i32
      %parallel_loop3A_388 = arith.constant 0 : i32
      %parallel_loop3A_389 = scf.for %parallel_loop3A_434 = %parallel_loop3A_384 to %parallel_loop3A_385 step %parallel_loop3A_386 iter_args(%parallel_loop3A_435 = %broadcast_in_dim3A_19) -> (vector<16xi32>)  : i32 {
        %parallel_loop3A_436 = arith.constant 0 : i32
        %parallel_loop3A_437 = arith.constant 0 : i32
        %parallel_loop3A_438 = tpu.memref_slice %arg6[%parallel_loop3A_387, %parallel_loop3A_436, %parallel_loop3A_437] : memref<2x128x64xf32, #tpu.memory_space<vmem>> -> memref<1x128x64xf32, #tpu.memory_space<vmem>>
        %parallel_loop3A_439 = tpu.memref_squeeze %parallel_loop3A_438 : memref<1x128x64xf32, #tpu.memory_space<vmem>> -> memref<128x64xf32, #tpu.memory_space<vmem>>
        %parallel_loop3A_440 = arith.index_cast %parallel_loop3A_434 : i32 to index
        %parallel_loop3A_441 = arith.constant 0 : index
        %parallel_loop3A_442 = tpu.vector_load %parallel_loop3A_439[%parallel_loop3A_440, %parallel_loop3A_441] {strides = array<i32>} : memref<128x64xf32, #tpu.memory_space<vmem>>, vector<16xf32>,
        %parallel_loop3A_443 = arith.constant 8.000000e+00 : f32
        %parallel_loop3A_444 = vector.broadcast %parallel_loop3A_443 : f32 to vector<16xf32>
        %parallel_loop3A_445 = arith.mulf %parallel_loop3A_442, %parallel_loop3A_444 : vector<16xf32>
        %parallel_loop3A_446 = arith.constant 0 : i32
        %parallel_loop3A_447 = arith.constant 0 : i32
        %parallel_loop3A_448 = arith.constant 0 : i32
        %parallel_loop3A_449 = tpu.memref_slice %arg7[%parallel_loop3A_388, %parallel_loop3A_446, %parallel_loop3A_447, %parallel_loop3A_448] : memref<2x8x8x129xf32, #tpu.memory_space<vmem>> -> memref<1x8x8x129xf32, #tpu.memory_space<vmem>>
        %parallel_loop3A_450 = tpu.memref_squeeze %parallel_loop3A_449 : memref<1x8x8x129xf32, #tpu.memory_space<vmem>> -> memref<8x8x129xf32, #tpu.memory_space<vmem>>
        tpu.vector_store_idx %parallel_loop3A_450[%add3A_9, %and3A_4, %parallel_loop3A_435], %parallel_loop3A_445 : memref<8x8x129xf32, #tpu.memory_space<vmem>>[vector<16xi32>, vector<16xi32>, vector<16xi32>], vector<16xf32>,
        %parallel_loop3A_451 = arith.constant 0 : i32
        %parallel_loop3A_452 = arith.constant 0 : i32
        %parallel_loop3A_453 = tpu.memref_slice %arg6[%parallel_loop3A_387, %parallel_loop3A_451, %parallel_loop3A_452] : memref<2x128x64xf32, #tpu.memory_space<vmem>> -> memref<1x128x64xf32, #tpu.memory_space<vmem>>
        %parallel_loop3A_454 = tpu.memref_squeeze %parallel_loop3A_453 : memref<1x128x64xf32, #tpu.memory_space<vmem>> -> memref<128x64xf32, #tpu.memory_space<vmem>>
        %parallel_loop3A_455 = arith.index_cast %parallel_loop3A_434 : i32 to index
        %parallel_loop3A_456 = arith.constant 16 : index
        %parallel_loop3A_457 = tpu.vector_load %parallel_loop3A_454[%parallel_loop3A_455, %parallel_loop3A_456] {strides = array<i32>} : memref<128x64xf32, #tpu.memory_space<vmem>>, vector<16xf32>,
        %parallel_loop3A_458 = arith.constant 8.000000e+00 : f32
        %parallel_loop3A_459 = vector.broadcast %parallel_loop3A_458 : f32 to vector<16xf32>
        %parallel_loop3A_460 = arith.mulf %parallel_loop3A_457, %parallel_loop3A_459 : vector<16xf32>
        %parallel_loop3A_461 = arith.constant 0 : i32
        %parallel_loop3A_462 = arith.constant 0 : i32
        %parallel_loop3A_463 = arith.constant 0 : i32
        %parallel_loop3A_464 = tpu.memref_slice %arg7[%parallel_loop3A_388, %parallel_loop3A_461, %parallel_loop3A_462, %parallel_loop3A_463] : memref<2x8x8x129xf32, #tpu.memory_space<vmem>> -> memref<1x8x8x129xf32, #tpu.memory_space<vmem>>
        %parallel_loop3A_465 = tpu.memref_squeeze %parallel_loop3A_464 : memref<1x8x8x129xf32, #tpu.memory_space<vmem>> -> memref<8x8x129xf32, #tpu.memory_space<vmem>>
        tpu.vector_store_idx %parallel_loop3A_465[%add3A_12, %and3A_4, %parallel_loop3A_435], %parallel_loop3A_460 : memref<8x8x129xf32, #tpu.memory_space<vmem>>[vector<16xi32>, vector<16xi32>, vector<16xi32>], vector<16xf32>,
        %parallel_loop3A_466 = arith.constant 0 : i32
        %parallel_loop3A_467 = arith.constant 0 : i32
        %parallel_loop3A_468 = tpu.memref_slice %arg6[%parallel_loop3A_387, %parallel_loop3A_466, %parallel_loop3A_467] : memref<2x128x64xf32, #tpu.memory_space<vmem>> -> memref<1x128x64xf32, #tpu.memory_space<vmem>>
        %parallel_loop3A_469 = tpu.memref_squeeze %parallel_loop3A_468 : memref<1x128x64xf32, #tpu.memory_space<vmem>> -> memref<128x64xf32, #tpu.memory_space<vmem>>
        %parallel_loop3A_470 = arith.index_cast %parallel_loop3A_434 : i32 to index
        %parallel_loop3A_471 = arith.constant 32 : index
        %parallel_loop3A_472 = tpu.vector_load %parallel_loop3A_469[%parallel_loop3A_470, %parallel_loop3A_471] {strides = array<i32>} : memref<128x64xf32, #tpu.memory_space<vmem>>, vector<16xf32>,
        %parallel_loop3A_473 = arith.constant 8.000000e+00 : f32
        %parallel_loop3A_474 = vector.broadcast %parallel_loop3A_473 : f32 to vector<16xf32>
        %parallel_loop3A_475 = arith.mulf %parallel_loop3A_472, %parallel_loop3A_474 : vector<16xf32>
        %parallel_loop3A_476 = arith.constant 0 : i32
        %parallel_loop3A_477 = arith.constant 0 : i32
        %parallel_loop3A_478 = arith.constant 0 : i32
        %parallel_loop3A_479 = tpu.memref_slice %arg7[%parallel_loop3A_388, %parallel_loop3A_476, %parallel_loop3A_477, %parallel_loop3A_478] : memref<2x8x8x129xf32, #tpu.memory_space<vmem>> -> memref<1x8x8x129xf32, #tpu.memory_space<vmem>>
        %parallel_loop3A_480 = tpu.memref_squeeze %parallel_loop3A_479 : memref<1x8x8x129xf32, #tpu.memory_space<vmem>> -> memref<8x8x129xf32, #tpu.memory_space<vmem>>
        tpu.vector_store_idx %parallel_loop3A_480[%add3A_15, %and3A_4, %parallel_loop3A_435], %parallel_loop3A_475 : memref<8x8x129xf32, #tpu.memory_space<vmem>>[vector<16xi32>, vector<16xi32>, vector<16xi32>], vector<16xf32>,
        %parallel_loop3A_481 = arith.constant 0 : i32
        %parallel_loop3A_482 = arith.constant 0 : i32
        %parallel_loop3A_483 = tpu.memref_slice %arg6[%parallel_loop3A_387, %parallel_loop3A_481, %parallel_loop3A_482] : memref<2x128x64xf32, #tpu.memory_space<vmem>> -> memref<1x128x64xf32, #tpu.memory_space<vmem>>
        %parallel_loop3A_484 = tpu.memref_squeeze %parallel_loop3A_483 : memref<1x128x64xf32, #tpu.memory_space<vmem>> -> memref<128x64xf32, #tpu.memory_space<vmem>>
        %parallel_loop3A_485 = arith.index_cast %parallel_loop3A_434 : i32 to index
        %parallel_loop3A_486 = arith.constant 48 : index
        %parallel_loop3A_487 = tpu.vector_load %parallel_loop3A_484[%parallel_loop3A_485, %parallel_loop3A_486] {strides = array<i32>} : memref<128x64xf32, #tpu.memory_space<vmem>>, vector<16xf32>,
        %parallel_loop3A_488 = arith.constant 8.000000e+00 : f32
        %parallel_loop3A_489 = vector.broadcast %parallel_loop3A_488 : f32 to vector<16xf32>
        %parallel_loop3A_490 = arith.mulf %parallel_loop3A_487, %parallel_loop3A_489 : vector<16xf32>
        %parallel_loop3A_491 = arith.constant 0 : i32
        %parallel_loop3A_492 = arith.constant 0 : i32
        %parallel_loop3A_493 = arith.constant 0 : i32
        %parallel_loop3A_494 = tpu.memref_slice %arg7[%parallel_loop3A_388, %parallel_loop3A_491, %parallel_loop3A_492, %parallel_loop3A_493] : memref<2x8x8x129xf32, #tpu.memory_space<vmem>> -> memref<1x8x8x129xf32, #tpu.memory_space<vmem>>
        %parallel_loop3A_495 = tpu.memref_squeeze %parallel_loop3A_494 : memref<1x8x8x129xf32, #tpu.memory_space<vmem>> -> memref<8x8x129xf32, #tpu.memory_space<vmem>>
        tpu.vector_store_idx %parallel_loop3A_495[%add3A_18, %and3A_4, %parallel_loop3A_435], %parallel_loop3A_490 : memref<8x8x129xf32, #tpu.memory_space<vmem>>[vector<16xi32>, vector<16xi32>, vector<16xi32>], vector<16xf32>,
        %parallel_loop3A_496 = arith.constant 1 : i32
        %parallel_loop3A_497 = vector.broadcast %parallel_loop3A_496 : i32 to vector<16xi32>
        %parallel_loop3A_498 = arith.addi %parallel_loop3A_435, %parallel_loop3A_497 : vector<16xi32>
        scf.yield %parallel_loop3A_498 : vector<16xi32>
      } {sc.loop_unroll_factor = 8 : i64, sc.parallel_access}
      %sub3A_390 = arith.constant 1 : i32
      %sub3A_391 = arith.subi %add3A_337, %sub3A_390 : i32
      %dma_wait3A_392 = arith.constant 1 : i32
      %dma_wait3A_393 = arith.constant 0 : i32
      %dma_wait3A_394 = arith.constant 0 : i32
      %dma_wait3A_395 = arith.constant 0 : i32
      %dma_wait3A_396 = tpu.memref_slice %arg7[%dma_wait3A_392, %dma_wait3A_393, %dma_wait3A_394, %dma_wait3A_395] : memref<2x8x8x129xf32, #tpu.memory_space<vmem>> -> memref<1x8x8x128xf32, #tpu.memory_space<vmem>>
      %dma_wait3A_397 = tpu.memref_squeeze %dma_wait3A_396 : memref<1x8x8x128xf32, #tpu.memory_space<vmem>> -> memref<8x8x128xf32, #tpu.memory_space<vmem>>
      %dma_wait3A_398 = arith.constant 0 : i32
      %dma_wait3A_399 = arith.constant 0 : i32
      %dma_wait3A_400 = arith.constant 0 : i32
      %dma_wait3A_401 = tpu.memref_slice %arg4[%sub3A_391, %dma_wait3A_398, %add3A, %dma_wait3A_399, %dma_wait3A_400] : memref<200x8x32x8x128xf32, #tpu.memory_space<hbm>> -> memref<1x8x1x8x128xf32, #tpu.memory_space<hbm>>
      %dma_wait3A_402 = tpu.memref_squeeze %dma_wait3A_401 : memref<1x8x1x8x128xf32, #tpu.memory_space<hbm>> -> memref<8x8x128xf32, #tpu.memory_space<hbm>>
      %dma_wait3A_403 = arith.constant 0 : i32
      %dma_wait3A_404 = arith.constant 0 : i32
      %dma_wait3A_405 = arith.constant 0 : i32
      %dma_wait3A_406 = tpu.memref_slice %arg4[%sub3A_391, %dma_wait3A_403, %add3A, %dma_wait3A_404, %dma_wait3A_405] : memref<200x8x32x8x128xf32, #tpu.memory_space<hbm>> -> memref<1x8x1x8x128xf32, #tpu.memory_space<hbm>>
      %dma_wait3A_407 = tpu.memref_squeeze %dma_wait3A_406 : memref<1x8x1x8x128xf32, #tpu.memory_space<hbm>> -> memref<8x8x128xf32, #tpu.memory_space<hbm>>
      %dma_wait3A_408 = arith.constant 0 : i32
      %dma_wait3A_409 = arith.constant 0 : i32
      %dma_wait3A_410 = arith.constant 0 : i32
      %dma_wait3A_411 = tpu.memref_slice %arg7[%dma_wait3A_392, %dma_wait3A_408, %dma_wait3A_409, %dma_wait3A_410] : memref<2x8x8x129xf32, #tpu.memory_space<vmem>> -> memref<1x8x8x128xf32, #tpu.memory_space<vmem>>
      %dma_wait3A_412 = tpu.memref_squeeze %dma_wait3A_411 : memref<1x8x8x128xf32, #tpu.memory_space<vmem>> -> memref<8x8x128xf32, #tpu.memory_space<vmem>>
      tpu.wait_dma2 semaphore(%arg10 : memref<!tpu.dma_semaphore, #tpu.memory_space<semaphore_mem>>) src(%dma_wait3A_412 : memref<8x8x128xf32, #tpu.memory_space<vmem>>) dst(%dma_wait3A_407 : memref<8x8x128xf32, #tpu.memory_space<hbm>>)
      %dma_start3A_413 = arith.constant 0 : i32
      %dma_start3A_414 = arith.constant 0 : i32
      %dma_start3A_415 = arith.constant 0 : i32
      %dma_start3A_416 = arith.constant 0 : i32
      %dma_start3A_417 = tpu.memref_slice %arg7[%dma_start3A_413, %dma_start3A_414, %dma_start3A_415, %dma_start3A_416] : memref<2x8x8x129xf32, #tpu.memory_space<vmem>> -> memref<1x8x8x128xf32, #tpu.memory_space<vmem>>
      %dma_start3A_418 = tpu.memref_squeeze %dma_start3A_417 : memref<1x8x8x128xf32, #tpu.memory_space<vmem>> -> memref<8x8x128xf32, #tpu.memory_space<vmem>>
      %dma_start3A_419 = arith.constant 0 : i32
      %dma_start3A_420 = arith.constant 0 : i32
      %dma_start3A_421 = arith.constant 0 : i32
      %dma_start3A_422 = tpu.memref_slice %arg4[%add3A_337, %dma_start3A_419, %add3A, %dma_start3A_420, %dma_start3A_421] : memref<200x8x32x8x128xf32, #tpu.memory_space<hbm>> -> memref<1x8x1x8x128xf32, #tpu.memory_space<hbm>>
      %dma_start3A_423 = tpu.memref_squeeze %dma_start3A_422 : memref<1x8x1x8x128xf32, #tpu.memory_space<hbm>> -> memref<8x8x128xf32, #tpu.memory_space<hbm>>
      %dma_start3A_424 = arith.constant 0 : i32
      %dma_start3A_425 = arith.constant 0 : i32
      %dma_start3A_426 = arith.constant 0 : i32
      %dma_start3A_427 = tpu.memref_slice %arg4[%add3A_337, %dma_start3A_424, %add3A, %dma_start3A_425, %dma_start3A_426] : memref<200x8x32x8x128xf32, #tpu.memory_space<hbm>> -> memref<1x8x1x8x128xf32, #tpu.memory_space<hbm>>
      %dma_start3A_428 = tpu.memref_squeeze %dma_start3A_427 : memref<1x8x1x8x128xf32, #tpu.memory_space<hbm>> -> memref<8x8x128xf32, #tpu.memory_space<hbm>>
      %dma_start3A_429 = arith.constant 0 : i32
      %dma_start3A_430 = arith.constant 0 : i32
      %dma_start3A_431 = arith.constant 0 : i32
      %dma_start3A_432 = tpu.memref_slice %arg7[%dma_start3A_413, %dma_start3A_429, %dma_start3A_430, %dma_start3A_431] : memref<2x8x8x129xf32, #tpu.memory_space<vmem>> -> memref<1x8x8x128xf32, #tpu.memory_space<vmem>>
      %dma_start3A_433 = tpu.memref_squeeze %dma_start3A_432 : memref<1x8x8x128xf32, #tpu.memory_space<vmem>> -> memref<8x8x128xf32, #tpu.memory_space<vmem>>
      tpu.enqueue_dma source(%dma_start3A_433 : memref<8x8x128xf32, #tpu.memory_space<vmem>>) target(%dma_start3A_428 : memref<8x8x128xf32, #tpu.memory_space<hbm>>) target_semaphore(%arg10 : memref<!tpu.dma_semaphore, #tpu.memory_space<semaphore_mem>>)
    }
    %scan3A_153 = arith.constant 99 : i32
    %dma_wait3A_154 = arith.constant 1 : i32
    %dma_wait3A_155 = arith.constant 0 : i32
    %dma_wait3A_156 = arith.constant 1 : i32
    %dma_wait3A_157 = arith.constant 0 : i32
    %dma_wait3A_158 = arith.constant 0 : i32
    %dma_wait3A_159 = tpu.memref_slice %arg6[%dma_wait3A_156, %dma_wait3A_157, %dma_wait3A_158] : memref<2x128x64xf32, #tpu.memory_space<vmem>> -> memref<1x128x64xf32, #tpu.memory_space<vmem>>
    %dma_wait3A_160 = tpu.memref_squeeze %dma_wait3A_159 : memref<1x128x64xf32, #tpu.memory_space<vmem>> -> memref<128x64xf32, #tpu.memory_space<vmem>>
    %dma_wait3A_161 = arith.constant 0 : i32
    %dma_wait3A_162 = tpu.memref_slice %arg5[%dma_wait3A_154, %dma_wait3A_155, %dma_wait3A_161] : memref<2x1x128xi32, #tpu.memory_space<vmem>> -> memref<1x1x128xi32, #tpu.memory_space<vmem>>
    %dma_wait3A_163 = tpu.memref_squeeze %dma_wait3A_162 : memref<1x1x128xi32, #tpu.memory_space<vmem>> -> memref<128xi32, #tpu.memory_space<vmem>>
    %dma_wait3A_164 = arith.constant 0 : i32
    %dma_wait3A_165 = arith.constant 0 : i32
    %dma_wait3A_166 = tpu.memref_slice %arg3[%dma_wait3A_164, %dma_wait3A_165] : memref<1000000x64xf32, #tpu.memory_space<hbm>> -> memref<1000000x64xf32, #tpu.memory_space<hbm>>
    tpu.wait_indirect_dma semaphore(%arg9 : memref<!tpu.dma_semaphore, #tpu.memory_space<semaphore_mem>>) src(%dma_wait3A_166 : memref<1000000x64xf32, #tpu.memory_space<hbm>>) dst(%dma_wait3A_160 : memref<128x64xf32, #tpu.memory_space<vmem>>)
    %parallel_loop3A_167 = arith.constant 0 : i32
    %parallel_loop3A_168 = arith.constant 128 : i32
    %parallel_loop3A_169 = arith.constant 1 : i32
    %parallel_loop3A_170 = arith.constant 1 : i32
    %parallel_loop3A_171 = arith.constant 1 : i32
    %parallel_loop3A_172 = scf.for %parallel_loop3A_239 = %parallel_loop3A_167 to %parallel_loop3A_168 step %parallel_loop3A_169 iter_args(%parallel_loop3A_240 = %broadcast_in_dim3A_19) -> (vector<16xi32>)  : i32 {
      %parallel_loop3A_241 = arith.constant 0 : i32
      %parallel_loop3A_242 = arith.constant 0 : i32
      %parallel_loop3A_243 = tpu.memref_slice %arg6[%parallel_loop3A_170, %parallel_loop3A_241, %parallel_loop3A_242] : memref<2x128x64xf32, #tpu.memory_space<vmem>> -> memref<1x128x64xf32, #tpu.memory_space<vmem>>
      %parallel_loop3A_244 = tpu.memref_squeeze %parallel_loop3A_243 : memref<1x128x64xf32, #tpu.memory_space<vmem>> -> memref<128x64xf32, #tpu.memory_space<vmem>>
      %parallel_loop3A_245 = arith.index_cast %parallel_loop3A_239 : i32 to index
      %parallel_loop3A_246 = arith.constant 0 : index
      %parallel_loop3A_247 = tpu.vector_load %parallel_loop3A_244[%parallel_loop3A_245, %parallel_loop3A_246] {strides = array<i32>} : memref<128x64xf32, #tpu.memory_space<vmem>>, vector<16xf32>,
      %parallel_loop3A_248 = arith.constant 8.000000e+00 : f32
      %parallel_loop3A_249 = vector.broadcast %parallel_loop3A_248 : f32 to vector<16xf32>
      %parallel_loop3A_250 = arith.mulf %parallel_loop3A_247, %parallel_loop3A_249 : vector<16xf32>
      %parallel_loop3A_251 = arith.constant 0 : i32
      %parallel_loop3A_252 = arith.constant 0 : i32
      %parallel_loop3A_253 = arith.constant 0 : i32
      %parallel_loop3A_254 = tpu.memref_slice %arg7[%parallel_loop3A_171, %parallel_loop3A_251, %parallel_loop3A_252, %parallel_loop3A_253] : memref<2x8x8x129xf32, #tpu.memory_space<vmem>> -> memref<1x8x8x129xf32, #tpu.memory_space<vmem>>
      %parallel_loop3A_255 = tpu.memref_squeeze %parallel_loop3A_254 : memref<1x8x8x129xf32, #tpu.memory_space<vmem>> -> memref<8x8x129xf32, #tpu.memory_space<vmem>>
      tpu.vector_store_idx %parallel_loop3A_255[%add3A_9, %and3A_4, %parallel_loop3A_240], %parallel_loop3A_250 : memref<8x8x129xf32, #tpu.memory_space<vmem>>[vector<16xi32>, vector<16xi32>, vector<16xi32>], vector<16xf32>,
      %parallel_loop3A_256 = arith.constant 0 : i32
      %parallel_loop3A_257 = arith.constant 0 : i32
      %parallel_loop3A_258 = tpu.memref_slice %arg6[%parallel_loop3A_170, %parallel_loop3A_256, %parallel_loop3A_257] : memref<2x128x64xf32, #tpu.memory_space<vmem>> -> memref<1x128x64xf32, #tpu.memory_space<vmem>>
      %parallel_loop3A_259 = tpu.memref_squeeze %parallel_loop3A_258 : memref<1x128x64xf32, #tpu.memory_space<vmem>> -> memref<128x64xf32, #tpu.memory_space<vmem>>
      %parallel_loop3A_260 = arith.index_cast %parallel_loop3A_239 : i32 to index
      %parallel_loop3A_261 = arith.constant 16 : index
      %parallel_loop3A_262 = tpu.vector_load %parallel_loop3A_259[%parallel_loop3A_260, %parallel_loop3A_261] {strides = array<i32>} : memref<128x64xf32, #tpu.memory_space<vmem>>, vector<16xf32>,
      %parallel_loop3A_263 = arith.constant 8.000000e+00 : f32
      %parallel_loop3A_264 = vector.broadcast %parallel_loop3A_263 : f32 to vector<16xf32>
      %parallel_loop3A_265 = arith.mulf %parallel_loop3A_262, %parallel_loop3A_264 : vector<16xf32>
      %parallel_loop3A_266 = arith.constant 0 : i32
      %parallel_loop3A_267 = arith.constant 0 : i32
      %parallel_loop3A_268 = arith.constant 0 : i32
      %parallel_loop3A_269 = tpu.memref_slice %arg7[%parallel_loop3A_171, %parallel_loop3A_266, %parallel_loop3A_267, %parallel_loop3A_268] : memref<2x8x8x129xf32, #tpu.memory_space<vmem>> -> memref<1x8x8x129xf32, #tpu.memory_space<vmem>>
      %parallel_loop3A_270 = tpu.memref_squeeze %parallel_loop3A_269 : memref<1x8x8x129xf32, #tpu.memory_space<vmem>> -> memref<8x8x129xf32, #tpu.memory_space<vmem>>
      tpu.vector_store_idx %parallel_loop3A_270[%add3A_12, %and3A_4, %parallel_loop3A_240], %parallel_loop3A_265 : memref<8x8x129xf32, #tpu.memory_space<vmem>>[vector<16xi32>, vector<16xi32>, vector<16xi32>], vector<16xf32>,
      %parallel_loop3A_271 = arith.constant 0 : i32
      %parallel_loop3A_272 = arith.constant 0 : i32
      %parallel_loop3A_273 = tpu.memref_slice %arg6[%parallel_loop3A_170, %parallel_loop3A_271, %parallel_loop3A_272] : memref<2x128x64xf32, #tpu.memory_space<vmem>> -> memref<1x128x64xf32, #tpu.memory_space<vmem>>
      %parallel_loop3A_274 = tpu.memref_squeeze %parallel_loop3A_273 : memref<1x128x64xf32, #tpu.memory_space<vmem>> -> memref<128x64xf32, #tpu.memory_space<vmem>>
      %parallel_loop3A_275 = arith.index_cast %parallel_loop3A_239 : i32 to index
      %parallel_loop3A_276 = arith.constant 32 : index
      %parallel_loop3A_277 = tpu.vector_load %parallel_loop3A_274[%parallel_loop3A_275, %parallel_loop3A_276] {strides = array<i32>} : memref<128x64xf32, #tpu.memory_space<vmem>>, vector<16xf32>,
      %parallel_loop3A_278 = arith.constant 8.000000e+00 : f32
      %parallel_loop3A_279 = vector.broadcast %parallel_loop3A_278 : f32 to vector<16xf32>
      %parallel_loop3A_280 = arith.mulf %parallel_loop3A_277, %parallel_loop3A_279 : vector<16xf32>
      %parallel_loop3A_281 = arith.constant 0 : i32
      %parallel_loop3A_282 = arith.constant 0 : i32
      %parallel_loop3A_283 = arith.constant 0 : i32
      %parallel_loop3A_284 = tpu.memref_slice %arg7[%parallel_loop3A_171, %parallel_loop3A_281, %parallel_loop3A_282, %parallel_loop3A_283] : memref<2x8x8x129xf32, #tpu.memory_space<vmem>> -> memref<1x8x8x129xf32, #tpu.memory_space<vmem>>
      %parallel_loop3A_285 = tpu.memref_squeeze %parallel_loop3A_284 : memref<1x8x8x129xf32, #tpu.memory_space<vmem>> -> memref<8x8x129xf32, #tpu.memory_space<vmem>>
      tpu.vector_store_idx %parallel_loop3A_285[%add3A_15, %and3A_4, %parallel_loop3A_240], %parallel_loop3A_280 : memref<8x8x129xf32, #tpu.memory_space<vmem>>[vector<16xi32>, vector<16xi32>, vector<16xi32>], vector<16xf32>,
      %parallel_loop3A_286 = arith.constant 0 : i32
      %parallel_loop3A_287 = arith.constant 0 : i32
      %parallel_loop3A_288 = tpu.memref_slice %arg6[%parallel_loop3A_170, %parallel_loop3A_286, %parallel_loop3A_287] : memref<2x128x64xf32, #tpu.memory_space<vmem>> -> memref<1x128x64xf32, #tpu.memory_space<vmem>>
      %parallel_loop3A_289 = tpu.memref_squeeze %parallel_loop3A_288 : memref<1x128x64xf32, #tpu.memory_space<vmem>> -> memref<128x64xf32, #tpu.memory_space<vmem>>
      %parallel_loop3A_290 = arith.index_cast %parallel_loop3A_239 : i32 to index
      %parallel_loop3A_291 = arith.constant 48 : index
      %parallel_loop3A_292 = tpu.vector_load %parallel_loop3A_289[%parallel_loop3A_290, %parallel_loop3A_291] {strides = array<i32>} : memref<128x64xf32, #tpu.memory_space<vmem>>, vector<16xf32>,
      %parallel_loop3A_293 = arith.constant 8.000000e+00 : f32
      %parallel_loop3A_294 = vector.broadcast %parallel_loop3A_293 : f32 to vector<16xf32>
      %parallel_loop3A_295 = arith.mulf %parallel_loop3A_292, %parallel_loop3A_294 : vector<16xf32>
      %parallel_loop3A_296 = arith.constant 0 : i32
      %parallel_loop3A_297 = arith.constant 0 : i32
      %parallel_loop3A_298 = arith.constant 0 : i32
      %parallel_loop3A_299 = tpu.memref_slice %arg7[%parallel_loop3A_171, %parallel_loop3A_296, %parallel_loop3A_297, %parallel_loop3A_298] : memref<2x8x8x129xf32, #tpu.memory_space<vmem>> -> memref<1x8x8x129xf32, #tpu.memory_space<vmem>>
      %parallel_loop3A_300 = tpu.memref_squeeze %parallel_loop3A_299 : memref<1x8x8x129xf32, #tpu.memory_space<vmem>> -> memref<8x8x129xf32, #tpu.memory_space<vmem>>
      tpu.vector_store_idx %parallel_loop3A_300[%add3A_18, %and3A_4, %parallel_loop3A_240], %parallel_loop3A_295 : memref<8x8x129xf32, #tpu.memory_space<vmem>>[vector<16xi32>, vector<16xi32>, vector<16xi32>], vector<16xf32>,
      %parallel_loop3A_301 = arith.constant 1 : i32
      %parallel_loop3A_302 = vector.broadcast %parallel_loop3A_301 : i32 to vector<16xi32>
      %parallel_loop3A_303 = arith.addi %parallel_loop3A_240, %parallel_loop3A_302 : vector<16xi32>
      scf.yield %parallel_loop3A_303 : vector<16xi32>
    } {sc.loop_unroll_factor = 8 : i64, sc.parallel_access}
    %dma_wait3A_173 = arith.constant 0 : i32
    %dma_wait3A_174 = arith.constant 198 : i32
    %dma_wait3A_175 = arith.constant 0 : i32
    %dma_wait3A_176 = arith.constant 0 : i32
    %dma_wait3A_177 = arith.constant 0 : i32
    %dma_wait3A_178 = tpu.memref_slice %arg7[%dma_wait3A_173, %dma_wait3A_175, %dma_wait3A_176, %dma_wait3A_177] : memref<2x8x8x129xf32, #tpu.memory_space<vmem>> -> memref<1x8x8x128xf32, #tpu.memory_space<vmem>>
    %dma_wait3A_179 = tpu.memref_squeeze %dma_wait3A_178 : memref<1x8x8x128xf32, #tpu.memory_space<vmem>> -> memref<8x8x128xf32, #tpu.memory_space<vmem>>
    %dma_wait3A_180 = arith.constant 0 : i32
    %dma_wait3A_181 = arith.constant 0 : i32
    %dma_wait3A_182 = arith.constant 0 : i32
    %dma_wait3A_183 = tpu.memref_slice %arg4[%dma_wait3A_174, %dma_wait3A_180, %add3A, %dma_wait3A_181, %dma_wait3A_182] : memref<200x8x32x8x128xf32, #tpu.memory_space<hbm>> -> memref<1x8x1x8x128xf32, #tpu.memory_space<hbm>>
    %dma_wait3A_184 = tpu.memref_squeeze %dma_wait3A_183 : memref<1x8x1x8x128xf32, #tpu.memory_space<hbm>> -> memref<8x8x128xf32, #tpu.memory_space<hbm>>
    %dma_wait3A_185 = arith.constant 0 : i32
    %dma_wait3A_186 = arith.constant 0 : i32
    %dma_wait3A_187 = arith.constant 0 : i32
    %dma_wait3A_188 = tpu.memref_slice %arg4[%dma_wait3A_174, %dma_wait3A_185, %add3A, %dma_wait3A_186, %dma_wait3A_187] : memref<200x8x32x8x128xf32, #tpu.memory_space<hbm>> -> memref<1x8x1x8x128xf32, #tpu.memory_space<hbm>>
    %dma_wait3A_189 = tpu.memref_squeeze %dma_wait3A_188 : memref<1x8x1x8x128xf32, #tpu.memory_space<hbm>> -> memref<8x8x128xf32, #tpu.memory_space<hbm>>
    %dma_wait3A_190 = arith.constant 0 : i32
    %dma_wait3A_191 = arith.constant 0 : i32
    %dma_wait3A_192 = arith.constant 0 : i32
    %dma_wait3A_193 = tpu.memref_slice %arg7[%dma_wait3A_173, %dma_wait3A_190, %dma_wait3A_191, %dma_wait3A_192] : memref<2x8x8x129xf32, #tpu.memory_space<vmem>> -> memref<1x8x8x128xf32, #tpu.memory_space<vmem>>
    %dma_wait3A_194 = tpu.memref_squeeze %dma_wait3A_193 : memref<1x8x8x128xf32, #tpu.memory_space<vmem>> -> memref<8x8x128xf32, #tpu.memory_space<vmem>>
    tpu.wait_dma2 semaphore(%arg10 : memref<!tpu.dma_semaphore, #tpu.memory_space<semaphore_mem>>) src(%dma_wait3A_194 : memref<8x8x128xf32, #tpu.memory_space<vmem>>) dst(%dma_wait3A_189 : memref<8x8x128xf32, #tpu.memory_space<hbm>>)
    %dma_start3A_195 = arith.constant 1 : i32
    %dma_start3A_196 = arith.constant 199 : i32
    %dma_start3A_197 = arith.constant 0 : i32
    %dma_start3A_198 = arith.constant 0 : i32
    %dma_start3A_199 = arith.constant 0 : i32
    %dma_start3A_200 = tpu.memref_slice %arg7[%dma_start3A_195, %dma_start3A_197, %dma_start3A_198, %dma_start3A_199] : memref<2x8x8x129xf32, #tpu.memory_space<vmem>> -> memref<1x8x8x128xf32, #tpu.memory_space<vmem>>
    %dma_start3A_201 = tpu.memref_squeeze %dma_start3A_200 : memref<1x8x8x128xf32, #tpu.memory_space<vmem>> -> memref<8x8x128xf32, #tpu.memory_space<vmem>>
    %dma_start3A_202 = arith.constant 0 : i32
    %dma_start3A_203 = arith.constant 0 : i32
    %dma_start3A_204 = arith.constant 0 : i32
    %dma_start3A_205 = tpu.memref_slice %arg4[%dma_start3A_196, %dma_start3A_202, %add3A, %dma_start3A_203, %dma_start3A_204] : memref<200x8x32x8x128xf32, #tpu.memory_space<hbm>> -> memref<1x8x1x8x128xf32, #tpu.memory_space<hbm>>
    %dma_start3A_206 = tpu.memref_squeeze %dma_start3A_205 : memref<1x8x1x8x128xf32, #tpu.memory_space<hbm>> -> memref<8x8x128xf32, #tpu.memory_space<hbm>>
    %dma_start3A_207 = arith.constant 0 : i32
    %dma_start3A_208 = arith.constant 0 : i32
    %dma_start3A_209 = arith.constant 0 : i32
    %dma_start3A_210 = tpu.memref_slice %arg4[%dma_start3A_196, %dma_start3A_207, %add3A, %dma_start3A_208, %dma_start3A_209] : memref<200x8x32x8x128xf32, #tpu.memory_space<hbm>> -> memref<1x8x1x8x128xf32, #tpu.memory_space<hbm>>
    %dma_start3A_211 = tpu.memref_squeeze %dma_start3A_210 : memref<1x8x1x8x128xf32, #tpu.memory_space<hbm>> -> memref<8x8x128xf32, #tpu.memory_space<hbm>>
    %dma_start3A_212 = arith.constant 0 : i32
    %dma_start3A_213 = arith.constant 0 : i32
    %dma_start3A_214 = arith.constant 0 : i32
    %dma_start3A_215 = tpu.memref_slice %arg7[%dma_start3A_195, %dma_start3A_212, %dma_start3A_213, %dma_start3A_214] : memref<2x8x8x129xf32, #tpu.memory_space<vmem>> -> memref<1x8x8x128xf32, #tpu.memory_space<vmem>>
    %dma_start3A_216 = tpu.memref_squeeze %dma_start3A_215 : memref<1x8x8x128xf32, #tpu.memory_space<vmem>> -> memref<8x8x128xf32, #tpu.memory_space<vmem>>
    tpu.enqueue_dma source(%dma_start3A_216 : memref<8x8x128xf32, #tpu.memory_space<vmem>>) target(%dma_start3A_211 : memref<8x8x128xf32, #tpu.memory_space<hbm>>) target_semaphore(%arg10 : memref<!tpu.dma_semaphore, #tpu.memory_space<semaphore_mem>>)
    %dma_wait3A_217 = arith.constant 1 : i32
    %dma_wait3A_218 = arith.constant 199 : i32
    %dma_wait3A_219 = arith.constant 0 : i32
    %dma_wait3A_220 = arith.constant 0 : i32
    %dma_wait3A_221 = arith.constant 0 : i32
    %dma_wait3A_222 = tpu.memref_slice %arg7[%dma_wait3A_217, %dma_wait3A_219, %dma_wait3A_220, %dma_wait3A_221] : memref<2x8x8x129xf32, #tpu.memory_space<vmem>> -> memref<1x8x8x128xf32, #tpu.memory_space<vmem>>
    %dma_wait3A_223 = tpu.memref_squeeze %dma_wait3A_222 : memref<1x8x8x128xf32, #tpu.memory_space<vmem>> -> memref<8x8x128xf32, #tpu.memory_space<vmem>>
    %dma_wait3A_224 = arith.constant 0 : i32
    %dma_wait3A_225 = arith.constant 0 : i32
    %dma_wait3A_226 = arith.constant 0 : i32
    %dma_wait3A_227 = tpu.memref_slice %arg4[%dma_wait3A_218, %dma_wait3A_224, %add3A, %dma_wait3A_225, %dma_wait3A_226] : memref<200x8x32x8x128xf32, #tpu.memory_space<hbm>> -> memref<1x8x1x8x128xf32, #tpu.memory_space<hbm>>
    %dma_wait3A_228 = tpu.memref_squeeze %dma_wait3A_227 : memref<1x8x1x8x128xf32, #tpu.memory_space<hbm>> -> memref<8x8x128xf32, #tpu.memory_space<hbm>>
    %dma_wait3A_229 = arith.constant 0 : i32
    %dma_wait3A_230 = arith.constant 0 : i32
    %dma_wait3A_231 = arith.constant 0 : i32
    %dma_wait3A_232 = tpu.memref_slice %arg4[%dma_wait3A_218, %dma_wait3A_229, %add3A, %dma_wait3A_230, %dma_wait3A_231] : memref<200x8x32x8x128xf32, #tpu.memory_space<hbm>> -> memref<1x8x1x8x128xf32, #tpu.memory_space<hbm>>
    %dma_wait3A_233 = tpu.memref_squeeze %dma_wait3A_232 : memref<1x8x1x8x128xf32, #tpu.memory_space<hbm>> -> memref<8x8x128xf32, #tpu.memory_space<hbm>>
    %dma_wait3A_234 = arith.constant 0 : i32
    %dma_wait3A_235 = arith.constant 0 : i32
    %dma_wait3A_236 = arith.constant 0 : i32
    %dma_wait3A_237 = tpu.memref_slice %arg7[%dma_wait3A_217, %dma_wait3A_234, %dma_wait3A_235, %dma_wait3A_236] : memref<2x8x8x129xf32, #tpu.memory_space<vmem>> -> memref<1x8x8x128xf32, #tpu.memory_space<vmem>>
    %dma_wait3A_238 = tpu.memref_squeeze %dma_wait3A_237 : memref<1x8x8x128xf32, #tpu.memory_space<vmem>> -> memref<8x8x128xf32, #tpu.memory_space<vmem>>
    tpu.wait_dma2 semaphore(%arg10 : memref<!tpu.dma_semaphore, #tpu.memory_space<semaphore_mem>>) src(%dma_wait3A_238 : memref<8x8x128xf32, #tpu.memory_space<vmem>>) dst(%dma_wait3A_233 : memref<8x8x128xf32, #tpu.memory_space<hbm>>)
    return
  }
}

</mosaic_0001>

<sc_bundles>
// kernel: kernel.3.cloned.1.call-start
scs
__scs_entry_jumppad:
0x0: {  	(pc) =	sbr.rel $0x88, $3  }
0x1: {  	(tag) =	ssettag $0x0;
	lr =	simm.s32 $0x1  }
0x2: {  	[smem:$0x3F9F] =	sst lr;
	_ =	strace $0xD0000000  }
0x3: {  	_ = 	snop  }
0x4: {  	_ = 	snop  }
0x5: {  	_ = 	snop  }
0x6: {  	_ = 	snop  }
0x7: {  	_ = 	snop  }
__scs_overlays_trampoline_lowered:
0x8: {  	[smem:$0x3FAE] =	sst s0  }
0x9: {  	[smem:$0x3FAF] =	sst s1  }
0xa: {  	[smem:$0x3FB0] =	sst s2  }
0xb: {  	[smem:$0x3FB1] =	sst s3  }
0xc: {  	[smem:$0x3FB2] =	sst s4  }
0xd: {  	[smem:$0x3FB3] =	sst s5  }
0xe: {  	[smem:$0x3FB4] =	sst s6  }
0xf: {  	[smem:$0x3FB5] =	sst s7  }
0x10: {  	[smem:$0x3FB6] =	sst s8  }
0x11: {  	[smem:$0x3FB7] =	sst s9;
	s0 =	simm.s32 @!p0 $0x0  }
0x12: {  	s1 =	sld [smem:$0x3F9D];
	s0 =	simm.s32 @p0 $0x1  }
0x13: {  	[smem:$0x3FB8] =	sst s0;
	s0 =	simm.s32 @!p1 $0x0  }
0x14: {  	s2 =	sld [smem:$0x3F9C];
	s0 =	simm.s32 @p1 $0x1  }
0x15: {  	[smem:$0x3FB9] =	sst s0;
	s0 =	simm.s32 @!p2 $0x0  }
0x16: {  	s3 =	sld [smem:$0x3FDB];
	s0 =	simm.s32 @p2 $0x1  }
0x17: {  	s4 =	simm.s32 $0x1BF5;
	[smem:$0x3FBB] =	sst s0  }
0x18: {  	s0 =	sld [smem:$0x3F9E];
	_ =	swait.ge [sflag:s4], $0x0  }
0x19: {  	s7 =	sld [smem:$0x3F9F]  }
0x1a: {  	s8 =	sadd.s32 $0xFFFFE003, lr  }
0x1b: {  	s9 =	sadd.s32 $0xFFFFFEF7, lr;
	s5 =	simm.s32 $0xFFFFFFFF;
	p2 =	slt.u32 s8, $0xFFFFF086  }
0x1c: {  	p1 =	slt.u32 s9, $0xF7A;
	s5 =	simm.s32 @!p2 $0x0  }
0x1d: {  	s5 =	simm.s32 @p1 $0x1;
	p0 =	seq.s32 s7, s2  }
0x1e: {  	s7 =	smul.u32 @!p0 $0xF7A, s2;
	p2 =	seq.s32 @!p0 s5, $0x0  }
0x1f: {  	s9 =	smul.u32 $0xF7A, s1;
	s8 =	simm.s32 @!p0 $0x1BF5;
	p2 =	por !p2, p0  }
0x20: {  	[sflag:s8] =	ssyncset.s32 @!p0 $0xFFFFF086;
	s6 =	sadd.s32 @!p0 s3, s7;
	s7 =	simm.s32 @!p0 $0x108  }
0x21: {  	s3 =	sadd.s32 s3, s9;
	s6 =	sadd.s32 @!p0 $0x88, s6;
	s7 =	simm.s32 @p2 $0x1082  }
0x22: {  	[simem:s7], [sflag:s8] =	dma.local @!p0 [hbm:s6], $0xF7A  }
0x23: {  	s9 =	sor.u32 $0xD0000000, s2;
	s6 =	simm.s32 $0x108;
	_ =	swait.ge @!p0 [sflag:s8], $0x0  }
0x24: {  	s3 =	sadd.s32 $0x88, s3;
	s6 =	simm.s32 @!p1 $0x1082;
	[sflag:s4] =	ssyncset.s32 $0xFFFFF086  }
0x25: {  	[simem:s6], [sflag:s4] =	dma.local [hbm:s3], $0xF7A  }
0x26: {  	[smem:$0x3F9F] =	sst s1;
	(tag) =	ssettag s2;
	_ =	strace s9  }
0x27: {  	s1 =	sld [smem:$0x3FAF]  }
0x28: {  	s2 =	sld [smem:$0x3FB0]  }
0x29: {  	s4 =	sld [smem:$0x3FB2]  }
0x2a: {  	p0 =	seq.s32 s5, $0x0;
	s5 =	sld [smem:$0x3FB3]  }
0x2b: {  	s6 =	sld [smem:$0x3FB4]  }
0x2c: {  	s7 =	sld [smem:$0x3FB5]  }
0x2d: {  	s3 =	simm.s32 $0x108;
	s8 =	sld [smem:$0x3FB6]  }
0x2e: {  	s3 =	simm.s32 @!p0 $0x1082;
	s9 =	sld [smem:$0x3FB7]  }
0x2f: {  	lr =	sadd.s32 s0, s3;
	s0 =	sld [smem:$0x3FAE]  }
0x30: {  	s3 =	sld [smem:$0x3FB1]  }
0x31: {  	[smem:$0x3FBA] =	sst s10  }
0x32: {  	s10 =	sld [smem:$0x3FB8];
	_ =	sdelay $0x3  }
0x33: {  	p0 =	seq.s32 s10, $0x1;
	s10 =	sld [smem:$0x3FBA];
	_ =	sdelay $0x3  }
0x34: {  	[smem:$0x3FBA] =	sst s10  }
0x35: {  	s10 =	sld [smem:$0x3FB9];
	_ =	sdelay $0x3  }
0x36: {  	p1 =	seq.s32 s10, $0x1;
	s10 =	sld [smem:$0x3FBA];
	_ =	sdelay $0x3  }
0x37: {  	[smem:$0x3FBA] =	sst s10  }
0x38: {  	s10 =	sld [smem:$0x3FBB]  }
0x39: {  	_ = 	snop;
	(pc) =	sbr.ind lr, $3  }
0x3a: {  	_ = 	snop  }
0x3b: {  	_ = 	snop  }
0x3c: {  	p2 =	seq.s32 s10, $0x1;
	s10 =	sld [smem:$0x3FBA]  }
0x3d: {  	_ =	shalt  }
0x3e: {  	_ =	shalt  }
0x3f: {  	_ =	shalt  }
0x40: {  	_ =	shalt  }
0x41: {  	_ =	shalt  }
0x42: {  	_ =	shalt  }
0x43: {  	_ =	shalt  }
0x44: {  	_ =	shalt  }
0x45: {  	_ =	shalt  }
0x46: {  	_ =	shalt  }
0x47: {  	_ =	shalt  }
0x48: {  	_ =	shalt  }
0x49: {  	_ =	shalt  }
0x4a: {  	_ =	shalt  }
0x4b: {  	_ =	shalt  }
0x4c: {  	_ =	shalt  }
0x4d: {  	_ =	shalt  }
0x4e: {  	_ =	shalt  }
0x4f: {  	_ =	shalt  }
0x50: {  	_ =	shalt  }
0x51: {  	_ =	shalt  }
0x52: {  	_ =	shalt  }
0x53: {  	_ =	shalt  }
0x54: {  	_ =	shalt  }
0x55: {  	_ =	shalt  }
0x56: {  	_ =	shalt  }
0x57: {  	_ =	shalt  }
0x58: {  	_ =	shalt  }
0x59: {  	_ =	shalt  }
0x5a: {  	_ =	shalt  }
0x5b: {  	_ =	shalt  }
0x5c: {  	_ =	shalt  }
0x5d: {  	_ =	shalt  }
0x5e: {  	_ =	shalt  }
0x5f: {  	_ =	shalt  }
0x60: {  	_ =	shalt  }
0x61: {  	_ =	shalt  }
0x62: {  	_ =	shalt  }
0x63: {  	_ =	shalt  }
0x64: {  	_ =	shalt  }
0x65: {  	_ =	shalt  }
0x66: {  	_ =	shalt  }
0x67: {  	_ =	shalt  }
0x68: {  	_ =	shalt  }
0x69: {  	_ =	shalt  }
0x6a: {  	_ =	shalt  }
0x6b: {  	_ =	shalt  }
0x6c: {  	_ =	shalt  }
0x6d: {  	_ =	shalt  }
0x6e: {  	_ =	shalt  }
0x6f: {  	_ =	shalt  }
0x70: {  	_ =	shalt  }
0x71: {  	_ =	shalt  }
0x72: {  	_ =	shalt  }
0x73: {  	_ =	shalt  }
0x74: {  	_ =	shalt  }
0x75: {  	_ =	shalt  }
0x76: {  	_ =	shalt  }
0x77: {  	_ =	shalt  }
0x78: {  	_ =	shalt  }
0x79: {  	_ =	shalt  }
0x7a: {  	_ =	shalt  }
0x7b: {  	_ =	shalt  }
0x7c: {  	_ =	shalt  }
0x7d: {  	_ =	shalt  }
0x7e: {  	_ =	shalt  }
0x7f: {  	_ =	shalt  }
0x80: {  	_ =	shalt  }
0x81: {  	_ =	shalt  }
0x82: {  	_ =	shalt  }
0x83: {  	_ =	shalt  }
0x84: {  	_ =	shalt  }
0x85: {  	_ =	shalt  }
0x86: {  	_ =	shalt  }
0x87: {  	_ =	shalt  }
.Lfunc_end0:
.L_simem_size_0:
called_computation_lowered:
.L_overlay_start_0:
0x88: {  	s2 =	sld [smem:$0x3FD9]  }
0x89: {  	s3 =	sld [smem:$0x3FFE];
	_ =	sdelay $0x1  }
0x8a: {  	s1 =	srdreg.scid  }
0x8b: {  	s0 =	sand.u32 $0x1, s1  }
0x8c: {  	s17 =	sshll.u32 s0, $0xA;
	s2 =	sadd.s32 s3, s2  }
0x8d: {  	s2 =	sadd.s32 s2, s17  }
0x8e: {  	[smem:$0x3FC6] =	sst s2  }
0x8f: {  	_ = 	snop  }
0x90: {  	s2 =	sld [smem:$0x3FD0];
	(tm) =	ssettm $0x1  }
0x91: {  	s18 =	sld [smem:$0x3FFB];
	_ =	sdelay $0x3  }
0x92: {  	_ =	strace s18  }
0x93: {  	s3 =	sld [smem:$0x3FFC];
	_ =	sdelay $0x3  }
0x94: {  	_ =	strace s3  }
0x95: {  	s3 =	sld [smem:$0x3FFD];
	_ =	sdelay $0x3  }
0x96: {  	_ =	strace s3  }
0x97: {  	_ =	strace $0x8FFFFFFF  }
0x98: {  	s19 =	sld [smem:$0x3FDB];
	_ =	sdelay $0x1  }
0x99: {  	s4 =	simm.s32 $_scs_section_size  }
0x9a: {  	s5 =	simm.s32 $_size__tile_overlayer_lowered;
	s6 =	simm.s32 $_tile_overlayer_lowered  }
0x9b: {  	s22 =	simm.s32 $0x1BFF;
	s21 =	sshll.u32 s6, $0x1;
	s3 =	sadd.s32 s4, s19  }
0x9c: {  	s7 =	simm.s32 $0x0;
	s20 =	sshll.u32 s5, $0x1;
	s5 =	sadd.s32 s21, s3  }
0x9d: {  	[timem:s7], [sflag:s22] =	dma.local [hbm:s5], s20  }
0x9e: {  	_ =	swait.ge [sflag:s22], s20  }
0x9f: {  	s4 =	ssub.s32 $0x0, s20;
	[sflag:s22] =	ssyncset.done $0x0  }
0xa0: {  	[sflag:s22] =	ssyncadd.s32 s4;
	_ =	sdelay $0x1  }
0xa1: {  	s23 =	simm.s32 $0x1B8B  }
0xa2: {  	_ =	swait.ge [sflag:s23], $0x1  }
0xa3: {  	[sflag:s23] =	ssyncset.done $0x0  }
0xa4: {  	s25 =	simm.s32 $0x1B8E;
	s24 =	sld [smem:$0x3FFE];
	[sflag:s23] =	ssyncadd.s32 $0xFFFFFFFF  }
0xa5: {  	s26 =	simm.s32 $execute0_lowered;
	[smem:$0x3FD2] =	sst s25  }
0xa6: {  	s5 =	sshll.u32 s26, $0x1;
	_ =	strace $0x80000046;
	[dreg:$0x1] =	wrdreg $0xFFFFFFFF  }
0xa7: {  	s28 =	simm.s32 $_size_execute0_lowered;
	s3 =	sadd.s32 s3, s5;
	[dreg:$0x0] =	wrdreg $0x0  }
0xa8: {  	s5 =	sshll.u32 s28, $0x1;
	[dreg:$0x2] =	wrdreg s3  }
0xa9: {  	[dreg:$0x3] =	wrdreg s5  }
0xaa: {  	[dreg:$0x4] =	wrdreg $0xC0  }
0xab: {  	_ =	task [dreg:s7], $0x5FFFF  }
0xac: {  	[dreg:$0x1] =	wrdreg $0xFFFFFFFF  }
0xad: {  	[dreg:$0x0] =	wrdreg $0x60  }
0xae: {  	[dreg:$0x2] =	wrdreg s24  }
0xaf: {  	[dreg:$0x3] =	wrdreg s2  }
0xb0: {  	[dreg:$0x4] =	wrdreg $0x9  }
0xb1: {  	_ =	task.clear_ibuf [dreg:s7], $0x5FFFF;
	_ =	strace $0x90000046  }
0xb2: {  	s29 =	simm.s32 $0x9;
	_ =	strace $0x80000048  }
0xb3: {  	_ =	swait.ge [sflag:s29], $0x1  }
0xb4: {  	[sflag:s29] =	ssyncadd.s32 $0xFFFFFFFF  }
0xb5: {  	_ =	strace $0x90000048  }
0xb6: {  	_ =	sfence  }
0xb7: {  	s30 =	sld [smem:$0x0];
	_ =	sdelay $0x2  }
0xb8: {  	s31 =	sshll.u32 s1, $0xD;
	s1 =	sshrl.u32 s1, $0x2  }
0xb9: {  	s3 =	sand.u32 $0x4000, s31;
	s1 =	sadd.s32 s1, s30  }
0xba: {  	s0 =	sor.u32 s3, s0;
	s1 =	sshll.u32 s1, $0x11  }
0xbb: {  	s0 =	sor.u32 s1, s0  }
0xbc: {  	s0 =	sadd.s32 $0x8F2B, s0  }
0xbd: {  	[sflag:s0] =	ssyncadd.remote.s32 $0x1  }
0xbe: {  	_ =	sfence.sel $0xFFFF  }
0xbf: {  	[dreg:$0x0] =	wrdreg $0xFFFFFFFF;
	(pc) =	sbr.abs _section_cstart, $3  }
0xc0: {  	[dreg:$0x1] =	wrdreg $0xFFFFFFFF  }
0xc1: {  	_ =	task.clear_ibuf [dreg:s7], $0x2FFFF;
	_ =	strace $0x9FFFFFFF  }
0xc2: {  	(tm) =	ssettm $0x7FFFFFFF  }
0xc3: {  	_ =	shalt  }
tec
execute0_lowered:
.L_overlay_start_1:
0x0: {  	(tag) =	ssettag $0x1  }
0x1: {  	s0 =	rddreg [dreg:$0x0];
	v0 =	vlaneseq.u32  }
0x2: {  	s1 =	rddreg [dreg:$0x1];
	s3 =	simm.s32 $0x0;
	v0 =	vmul.u32 $0x88, v0  }
0x3: {  	s2 =	srdreg.scid;
	s4 =	stileid.u32;
	s17 =	simm.s32 $0x1  }
0x4: {  	s18 =	simm.s32 $0x80;
	s19 =	simm.s32 $0x100;
	s20 =	simm.s32 $0x2;
	v1 =	vadd.s32 $0x880, v0  }
0x5: {  	s21 =	simm.s32 $0x2100;
	s22 =	simm.s32 $0x4100;
	s23 =	simm.s32 $0x6300;
	v2 =	vadd.s32 $0x1100, v0;
	v3 =	vadd.s32 $0x1980, v0;
	v4 =	vor.u32 $0x1, v0  }
0x6: {  	s24 =	simm.s32 $0x3;
	s25 =	simm.s32 $0x0;
	[smem:$0x7FF] =	sst s3;
	v5 =	vadd.s32 $0x881, v0;
	v6 =	vadd.s32 $0x1101, v0;
	v7 =	vadd.s32 $0x1981, v0  }
0x7: {  	s2 =	sand.u32 $0x1, s2;
	s4 =	sshll.u32 s4, $0x1;
	s5 =	sadd.s32 $0xF42A00, s0;
	v8 =	vor.u32 $0x2, v0;
	v9 =	vadd.s32 $0x882, v0;
	v10 =	vadd.s32 $0x1102, v0  }
0x8: {  	s14 =	sadd.s32 $0x8000, s1;
	_ =	strace $0x80000047;
	s7 =	sor.u32 s2, s4;
	v11 =	vadd.s32 $0x1982, v0;
	v12 =	vor.u32 $0x3, v0;
	v13 =	vadd.s32 $0x883, v0  }
0x9: {  	s4 =	sadd.s32 $0x600, s0;
	s2 =	ssub.s32 $0x2, s2;
	s6 =	sshll.u32 s7, $0x4;
	v14 =	vadd.s32 $0x1103, v0;
	v15 =	vadd.s32 $0x1983, v0;
	v16 =	vor.u32 $0x4, v0  }
0xa: {  	s29 =	sshrl.u32 s2, $0x1;
	s30 =	sshll.u32 s7, $0x7;
	s9 =	sshll.u32 s7, $0xA;
	v17 =	vadd.s32 $0x884, v0;
	v18 =	vadd.s32 $0x1104, v0;
	v19 =	vadd.s32 $0x1984, v0  }
0xb: {  	v20 =	vor.u32 $0x5, v0;
	v21 =	vadd.s32 $0x885, v0;
	v22 =	vadd.s32 $0x1105, v0;
	s6 =	sadd.s32 s4, s6;
	s0 =	ssub.s32 s2, s29;
	s10 =	sadd.s32 s1, s30  }
0xc: {  	v23 =	vadd.s32 $0x1985, v0;
	v24 =	vor.u32 $0x6, v0;
	v25 =	vadd.s32 $0x886, v0;
	s11 =	sor.u32 $0x3000, s30;
	s12 =	sor.u32 $0x4000, s30;
	s8 =	sadd.s32 $0x200, s6  }
0xd: {  	v26 =	vadd.s32 $0x1106, v0;
	v27 =	vadd.s32 $0x1986, v0;
	v28 =	vor.u32 $0x7, v0;
	s13 =	sor.u32 $0x80000, s9;
	s31 =	sadd.s32 $0x400, s6;
	[dreg:$0x3] =	wrdreg s8  }
0xe: {  	v29 =	vadd.s32 $0x887, v0;
	v30 =	vadd.s32 $0x1107, v0;
	v31 =	vadd.s32 $0x1987, v0;
	s15 =	sadd.s32 $0x638000, s10;
	s16 =	smax.u32 s0, $0x1;
	[dreg:$0x4] =	wrdreg s31  }
.LBB2_1:
0xf: {  	[tilespmem:s3], [sflag:$0x1] =	stream.linear.gather [hbm4b:s6+s3], $0x80, $0x38;
	[tilespmem:$0x8500] =	vst v63  }
0x10: {  	_ =	swait.ge [sflag:s17], $0x80  }
0x11: {  	[sflag:s17] =	ssyncset.done $0x0  }
0x12: {  	[sflag:s17] =	ssyncadd.s32 $0xFFFFFF80  }
0x13: {  	[tilespmem:s19], [sflag:$0x2] =	stream.indirect.gather [hbm4b:s5+s18], $0x40, s3, s18, $0xb8;
	[tilespmem:$0x8500] =	vst v63  }
0x14: {  	s0 =	rddreg [dreg:$0x3]  }
0x15: {  	[tilespmem:s18], [sflag:$0x1] =	stream.linear.gather [hbm4b:s0+s3], $0x80, $0x38;
	[tilespmem:$0x8500] =	vst v63  }
0x16: {  	_ =	swait.ge [sflag:s17], $0x80  }
0x17: {  	[sflag:s17] =	ssyncset.done $0x0  }
0x18: {  	[sflag:s17] =	ssyncadd.s32 $0xFFFFFF80  }
0x19: {  	_ =	swait.ge [sflag:s20], $0x2000  }
0x1a: {  	[sflag:s20] =	ssyncset.done $0x0  }
0x1b: {  	[sflag:s20] =	ssyncadd.s32 $0xFFFFE000  }
0x1c: {  	[tilespmem:s21], [sflag:$0x2] =	stream.indirect.gather [hbm4b:s5+s18], $0x40, s18, s18, $0xb8;
	[tilespmem:$0x8500] =	vst v63  }
0x1d: {  	s28 =	simm.s32 $0x200;
	s31 =	rddreg [dreg:$0x4]  }
0x1e: {  	[tilespmem:s3], [sflag:$0x1] =	stream.linear.gather [hbm4b:s31+s3], $0x80, $0x38;
	[tilespmem:$0x8500] =	vst v63  }
0x1f: {  	v32 =	vld [tilespmem:s28+$0xFFFFFF80]  }
0x20: {  	v34 =	vld [tilespmem:s28+$0x40]  }
0x21: {  	v36 =	vld [tilespmem:s28+$0xC0]  }
0x22: {  	v35 =	vimm.s32 $0x0;
	v37 =	vld [tilespmem:s28+$0x0]  }
0x23: {  	v33 =	vadd.s32 v8, v35;
	v41 =	vld [tilespmem:s28+$0xFFFFFF00]  }
0x24: {  	v42 =	vadd.s32 v16, v35;
	v39 =	vld [tilespmem:s28+$0xFFFFFFC0]  }
0x25: {  	v57 =	vadd.s32 v0, v35;
	v45 =	vld [tilespmem:s28+$0xFFFFFF40]  }
0x26: {  	s26 =	simm.s32 $0x400;
	v40 =	vadd.s32 v28, v35;
	v43 =	vld [tilespmem:s28+$0x80];
	v32 =	vmul.f32 $8.000000000e+00, v32  }
0x27: {  	v49 =	vld [tilespmem:s26+$0xFFFFFF80];
	v58 =	vmul.f32 $8.000000000e+00, v37  }
0x28: {  	v56 =	vadd.s32 v12, v35;
	v62 =	vmul.f32 $8.000000000e+00, v41;
	[tilespmem:v33+s22+$0x0] =	vst.idx.msk $0xffff, v32;
	v32 =	vld [tilespmem:s26+$0x80]  }
0x29: {  	v36 =	vmul.f32 $8.000000000e+00, v36;
	[tilespmem:v42+s22+$0x0] =	vst.idx.msk $0xffff, v58;
	v58 =	vld [tilespmem:s26+$0x40]  }
0x2a: {  	[tilespmem:v57+s22+$0x0] =	vst.idx.msk $0xffff, v62;
	v57 =	vmul.f32 $8.000000000e+00, v45;
	v45 =	vld [tilespmem:s26+$0x0]  }
0x2b: {  	v38 =	vadd.s32 v20, v35;
	v59 =	vmul.f32 $8.000000000e+00, v39;
	[tilespmem:v40+s22+$0x0] =	vst.idx.msk $0xffff, v36;
	v40 =	vld [tilespmem:s26+$0xC0]  }
0x2c: {  	v54 =	vadd.s32 v4, v35;
	v44 =	vld [tilespmem:s28+$0xFFFFFF90]  }
0x2d: {  	[tilespmem:v56+s22+$0x0] =	vst.idx.msk $0xffff, v59;
	v61 =	vld [tilespmem:s28+$0xD0]  }
0x2e: {  	v48 =	vadd.s32 v24, v35;
	v55 =	vmul.f32 $8.000000000e+00, v34;
	v53 =	vld [tilespmem:s28+$0xFFFFFFD0]  }
0x2f: {  	v60 =	vadd.s32 v9, v35;
	v63 =	vld [tilespmem:s28+$0x10]  }
0x30: {  	[tilespmem:v38+s22+$0x0] =	vst.idx.msk $0xffff, v55;
	v56 =	vadd.s32 v13, v35;
	v55 =	vld [tilespmem:s28+$0xFFFFFF10]  }
0x31: {  	v47 =	vadd.s32 v29, v35;
	v43 =	vmul.f32 $8.000000000e+00, v43;
	v38 =	vld [tilespmem:s28+$0x50];
	[tilespmem:v54+s22+$0x0] =	vst.idx.msk $0xffff, v57  }
0x32: {  	v46 =	vadd.s32 v1, v35;
	v42 =	vld [tilespmem:s28+$0xFFFFFF50];
	v52 =	vmul.f32 $8.000000000e+00, v44  }
0x33: {  	v59 =	vadd.s32 v21, v35;
	[tilespmem:v48+s22+$0x0] =	vst.idx.msk $0xffff, v43;
	v54 =	vmul.f32 $8.000000000e+00, v49;
	v49 =	vld [tilespmem:s26+$0xFFFFFF40];
	v34 =	vmul.f32 $8.000000000e+00, v53  }
0x34: {  	v50 =	vadd.s32 v5, v35;
	v39 =	vmul.f32 $8.000000000e+00, v61;
	v33 =	vmul.f32 $8.000000000e+00, v63;
	v63 =	vld [tilespmem:s28+$0x90];
	[tilespmem:v60+s22+$0x0] =	vst.idx.msk $0xffff, v52  }
0x35: {  	v41 =	vmul.f32 $8.000000000e+00, v55;
	[tilespmem:v56+s22+$0x0] =	vst.idx.msk $0xffff, v34;
	v52 =	vld [tilespmem:s26+$0xFFFFFF00];
	v60 =	vadd.s32 v17, v35  }
0x36: {  	v38 =	vmul.f32 $8.000000000e+00, v38;
	v34 =	vadd.s32 $0x8, v35;
	[tilespmem:v47+s22+$0x0] =	vst.idx.msk $0xffff, v39;
	v47 =	vld [tilespmem:s26+$0xFFFFFFC0];
	v56 =	vadd.s32 v25, v35  }
0x37: {  	[tilespmem:v46+s22+$0x0] =	vst.idx.msk $0xffff, v41;
	v42 =	vmul.f32 $8.000000000e+00, v42;
	v36 =	vld [tilespmem:s28+$0xFFFFFFA0];
	v61 =	vadd.s32 v8, v34  }
0x38: {  	[tilespmem:v59+s22+$0x0] =	vst.idx.msk $0xffff, v38;
	v51 =	vld [tilespmem:s28+$0xFFFFFFE0];
	v62 =	vadd.s32 v20, v34  }
0x39: {  	v46 =	vld [tilespmem:s28+$0xFFFFFF20];
	[tilespmem:v50+s22+$0x0] =	vst.idx.msk $0xffff, v42;
	v50 =	vadd.s32 v28, v34;
	v37 =	vmul.f32 $8.000000000e+00, v63  }
0x3a: {  	v53 =	vadd.s32 v10, v35;
	v42 =	vld [tilespmem:s28+$0xE0];
	[tilespmem:v60+s22+$0x0] =	vst.idx.msk $0xffff, v33  }
0x3b: {  	v58 =	vmul.f32 $8.000000000e+00, v58;
	v55 =	vadd.s32 v2, v35;
	v33 =	vld [tilespmem:s28+$0x60];
	[tilespmem:v56+s22+$0x0] =	vst.idx.msk $0xffff, v37  }
0x3c: {  	v40 =	vmul.f32 $8.000000000e+00, v40;
	v59 =	vadd.s32 v14, v35;
	[tilespmem:v61+s22+$0x0] =	vst.idx.msk $0xffff, v54;
	v63 =	vld [tilespmem:s28+$0x20]  }
0x3d: {  	v36 =	vmul.f32 $8.000000000e+00, v36;
	v61 =	vadd.s32 v22, v35;
	[tilespmem:v62+s22+$0x0] =	vst.idx.msk $0xffff, v58;
	v39 =	vld [tilespmem:s28+$0xA0]  }
0x3e: {  	v38 =	vadd.s32 v30, v35;
	v60 =	vmul.f32 $8.000000000e+00, v46;
	v46 =	vld [tilespmem:s26+$0xFFFFFF90];
	[tilespmem:v50+s22+$0x0] =	vst.idx.msk $0xffff, v40  }
0x3f: {  	v57 =	vadd.s32 v12, v34;
	v62 =	vmul.f32 $8.000000000e+00, v51;
	v54 =	vld [tilespmem:s26+$0x50];
	[tilespmem:v53+s22+$0x0] =	vst.idx.msk $0xffff, v36  }
0x40: {  	v58 =	vadd.s32 v16, v34;
	[tilespmem:v55+s22+$0x0] =	vst.idx.msk $0xffff, v60;
	v53 =	vld [tilespmem:s28+$0xFFFFFF60];
	v33 =	vmul.f32 $8.000000000e+00, v33  }
0x41: {  	v44 =	vadd.s32 v18, v35;
	[tilespmem:v59+s22+$0x0] =	vst.idx.msk $0xffff, v62;
	v59 =	vmul.f32 $8.000000000e+00, v42;
	v62 =	vmul.f32 $8.000000000e+00, v45;
	v45 =	vld [tilespmem:s26+$0xD0]  }
0x42: {  	v60 =	vmul.f32 $8.000000000e+00, v47;
	v43 =	vld [tilespmem:s28+$0xFFFFFFB0];
	[tilespmem:v61+s22+$0x0] =	vst.idx.msk $0xffff, v33;
	v61 =	vadd.s32 v26, v35  }
0x43: {  	v55 =	vadd.s32 v0, v34;
	v42 =	vld [tilespmem:s28+$0xFFFFFFF0];
	[tilespmem:v38+s22+$0x0] =	vst.idx.msk $0xffff, v59  }
0x44: {  	v51 =	vadd.s32 v6, v35;
	v38 =	vld [tilespmem:s28+$0xFFFFFF30];
	[tilespmem:v57+s22+$0x0] =	vst.idx.msk $0xffff, v60;
	v63 =	vmul.f32 $8.000000000e+00, v63  }
0x45: {  	v56 =	vadd.s32 v15, v35;
	[tilespmem:v58+s22+$0x0] =	vst.idx.msk $0xffff, v62;
	v48 =	vmul.f32 $8.000000000e+00, v39;
	v57 =	vld [tilespmem:s28+$0xF0]  }
0x46: {  	v41 =	vmul.f32 $8.000000000e+00, v49;
	v50 =	vmul.f32 $8.000000000e+00, v52;
	v52 =	vadd.s32 v9, v34;
	v40 =	vld [tilespmem:s26+$0x10];
	[tilespmem:v44+s22+$0x0] =	vst.idx.msk $0xffff, v63  }
0x47: {  	v49 =	vadd.s32 v19, v35;
	v58 =	vadd.s32 v11, v35;
	v60 =	vmul.f32 $8.000000000e+00, v53;
	v59 =	vld [tilespmem:s28+$0x30];
	[tilespmem:v61+s22+$0x0] =	vst.idx.msk $0xffff, v48  }
0x48: {  	v36 =	vadd.s32 v27, v35;
	[tilespmem:v55+s22+$0x0] =	vst.idx.msk $0xffff, v50;
	v50 =	vadd.s32 v4, v34;
	v62 =	vmul.f32 $8.000000000e+00, v42;
	v47 =	vld [tilespmem:s28+$0xB0]  }
0x49: {  	v39 =	vadd.s32 v23, v35;
	[tilespmem:v51+s22+$0x0] =	vst.idx.msk $0xffff, v60;
	v61 =	vmul.f32 $8.000000000e+00, v46;
	v46 =	vld [tilespmem:s26+$0xFFFFFFD0];
	v48 =	vadd.s32 v29, v34  }
0x4a: {  	v33 =	vadd.s32 v27, v34;
	v37 =	vmul.f32 $8.000000000e+00, v54;
	v63 =	vmul.f32 $8.000000000e+00, v43;
	v44 =	vld [tilespmem:s28+$0xFFFFFF70];
	[tilespmem:v56+s22+$0x0] =	vst.idx.msk $0xffff, v62  }
0x4b: {  	v53 =	vmul.f32 $8.000000000e+00, v45;
	v42 =	vadd.s32 v7, v35;
	v43 =	vld [tilespmem:s28+$0x70];
	[tilespmem:v52+s22+$0x0] =	vst.idx.msk $0xffff, v61;
	v52 =	vadd.s32 v31, v35  }
0x4c: {  	s29 =	simm.s32 $0x600;
	v45 =	vld [tilespmem:s26+$0xFFFFFF10];
	v51 =	vadd.s32 v3, v35;
	[tilespmem:v58+s22+$0x0] =	vst.idx.msk $0xffff, v63;
	v54 =	vmul.f32 $8.000000000e+00, v57;
	s28 =	simm.s32 $0x8;
	v55 =	vmul.f32 $8.000000000e+00, v59;
	v35 =	vmovc v34  }
.LBB2_2:
0x4d: {  	s28 =	sadd.s32 $0x8, s28;
	[tilespmem:v50+s22+$0x0] =	vst.idx.msk $0xffff, v41;
	v41 =	vmul.f32 $8.000000000e+00, v32;
	v32 =	vld [tilespmem:s29+$0x80];
	v34 =	vadd.s32 $0x8, v34;
	v47 =	vmul.f32 $8.000000000e+00, v47  }
0x4e: {  	v56 =	vadd.s32 v13, v35;
	v40 =	vmul.f32 $8.000000000e+00, v40;
	p0 =	slt.u32 s28, $0x78;
	v50 =	vld [tilespmem:s26+$0xFFFFFFA0];
	v46 =	vmul.f32 $8.000000000e+00, v46;
	[tilespmem:v48+s22+$0x0] =	vst.idx.msk $0xffff, v53  }
0x4f: {  	v38 =	vmul.f32 $8.000000000e+00, v38;
	v48 =	vadd.s32 v8, v34;
	v53 =	vld [tilespmem:s29+$0x40];
	v44 =	vmul.f32 $8.000000000e+00, v44;
	[tilespmem:v49+s22+$0x0] =	vst.idx.msk $0xffff, v55  }
0x50: {  	v57 =	vadd.s32 v1, v35;
	v49 =	vadd.s32 v0, v34;
	v55 =	vld [tilespmem:s29+$0x0];
	v43 =	vmul.f32 $8.000000000e+00, v43;
	[tilespmem:v52+s22+$0x0] =	vst.idx.msk $0xffff, v54  }
0x51: {  	v52 =	vadd.s32 v27, v34;
	v54 =	vld [tilespmem:s29+$0xC0];
	[tilespmem:v51+s22+$0x0] =	vst.idx.msk $0xffff, v38  }
0x52: {  	v38 =	vmul.f32 $8.000000000e+00, v45;
	v51 =	vadd.s32 v24, v35;
	v45 =	vld [tilespmem:s26+$0xFFFFFF50];
	[tilespmem:v36+s22+$0x0] =	vst.idx.msk $0xffff, v47;
	v36 =	vmovc v33;
	v33 =	vmov v52  }
0x53: {  	v47 =	vld [tilespmem:s29+$0xFFFFFF80];
	[tilespmem:v56+s22+$0x0] =	vst.idx.msk $0xffff, v46;
	v46 =	vadd.s32 v21, v35  }
0x54: {  	v52 =	vadd.s32 v5, v35;
	v50 =	vmul.f32 $8.000000000e+00, v50;
	v56 =	vld [tilespmem:s26+$0xFFFFFFE0];
	[tilespmem:v42+s22+$0x0] =	vst.idx.msk $0xffff, v44  }
0x55: {  	v42 =	vld [tilespmem:s29+$0xFFFFFF00];
	[tilespmem:v57+s22+$0x0] =	vst.idx.msk $0xffff, v38;
	v38 =	vadd.s32 v17, v35  }
0x56: {  	v44 =	vld [tilespmem:s26+$0xFFFFFF20];
	[tilespmem:v39+s22+$0x0] =	vst.idx.msk $0xffff, v43  }
0x57: {  	v39 =	vld [tilespmem:s29+$0xFFFFFFC0];
	v43 =	vmul.f32 $8.000000000e+00, v45;
	v45 =	vadd.s32 v10, v35;
	[tilespmem:v51+s22+$0x0] =	vst.idx.msk $0xffff, v41  }
0x58: {  	v41 =	vmul.f32 $8.000000000e+00, v47;
	v47 =	vadd.s32 v20, v34;
	[tilespmem:v46+s22+$0x0] =	vst.idx.msk $0xffff, v37;
	v37 =	vld [tilespmem:s26+$0x90]  }
0x59: {  	v51 =	vadd.s32 v2, v35;
	v46 =	vadd.s32 v28, v34;
	[tilespmem:v52+s22+$0x0] =	vst.idx.msk $0xffff, v43;
	v43 =	vld [tilespmem:s26+$0xE0]  }
0x5a: {  	[tilespmem:v38+s22+$0x0] =	vst.idx.msk $0xffff, v40;
	v38 =	vld [tilespmem:s26+$0x60];
	v40 =	vadd.s32 v25, v35  }
0x5b: {  	v52 =	vld [tilespmem:s29+$0xFFFFFF40];
	[tilespmem:v48+s22+$0x0] =	vst.idx.msk $0xffff, v41;
	v41 =	vmul.f32 $8.000000000e+00, v53;
	v44 =	vmul.f32 $8.000000000e+00, v44;
	v48 =	vadd.s32 v14, v35  }
0x5c: {  	v54 =	vmul.f32 $8.000000000e+00, v54;
	v53 =	vld [tilespmem:s29+$0xFFFFFF90];
	[tilespmem:v45+s22+$0x0] =	vst.idx.msk $0xffff, v50;
	v45 =	vadd.s32 v22, v35  }
0x5d: {  	v39 =	vmul.f32 $8.000000000e+00, v39;
	v50 =	vadd.s32 v30, v35;
	[tilespmem:v47+s22+$0x0] =	vst.idx.msk $0xffff, v41;
	v47 =	vld [tilespmem:s26+$0xFFFFFFB0];
	v37 =	vmul.f32 $8.000000000e+00, v37  }
0x5e: {  	v55 =	vmul.f32 $8.000000000e+00, v55;
	v41 =	vmul.f32 $8.000000000e+00, v56;
	[tilespmem:v51+s22+$0x0] =	vst.idx.msk $0xffff, v44;
	v44 =	vld [tilespmem:s26+$0x20]  }
0x5f: {  	v51 =	vadd.s32 v12, v34;
	v56 =	vld [tilespmem:s26+$0xFFFFFF60];
	v38 =	vmul.f32 $8.000000000e+00, v38;
	[tilespmem:v40+s22+$0x0] =	vst.idx.msk $0xffff, v37  }
0x60: {  	v43 =	vmul.f32 $8.000000000e+00, v43;
	v37 =	vadd.s32 v16, v34;
	[tilespmem:v48+s22+$0x0] =	vst.idx.msk $0xffff, v41;
	v40 =	vld [tilespmem:s26+$0xA0]  }
0x61: {  	v57 =	vadd.s32 v18, v35;
	v48 =	vld [tilespmem:s26+$0xFFFFFFF0];
	[tilespmem:v45+s22+$0x0] =	vst.idx.msk $0xffff, v38  }
0x62: {  	v41 =	vmul.f32 $8.000000000e+00, v52;
	v52 =	vadd.s32 v26, v35;
	v45 =	vld [tilespmem:s29+$0x50];
	[tilespmem:v50+s22+$0x0] =	vst.idx.msk $0xffff, v43  }
0x63: {  	[tilespmem:v46+s22+$0x0] =	vst.idx.msk $0xffff, v54;
	v38 =	vld [tilespmem:s26+$0xFFFFFF30]  }
0x64: {  	v44 =	vmul.f32 $8.000000000e+00, v44;
	[tilespmem:v51+s22+$0x0] =	vst.idx.msk $0xffff, v39;
	v43 =	vld [tilespmem:s29+$0xD0];
	v39 =	vmul.f32 $8.000000000e+00, v56;
	v51 =	vadd.s32 v6, v35  }
0x65: {  	v53 =	vmul.f32 $8.000000000e+00, v53;
	v54 =	vadd.s32 v15, v35;
	[tilespmem:v37+s22+$0x0] =	vst.idx.msk $0xffff, v55;
	v37 =	vmul.f32 $8.000000000e+00, v40;
	v56 =	vld [tilespmem:s26+$0xF0]  }
0x66: {  	v42 =	vmul.f32 $8.000000000e+00, v42;
	v55 =	vadd.s32 v9, v34;
	v40 =	vld [tilespmem:s29+$0x10];
	[tilespmem:v57+s22+$0x0] =	vst.idx.msk $0xffff, v44  }
0x67: {  	v58 =	vadd.s32 v11, v35;
	v57 =	vmul.f32 $8.000000000e+00, v47;
	v59 =	vld [tilespmem:s26+$0x30];
	[tilespmem:v52+s22+$0x0] =	vst.idx.msk $0xffff, v37  }
.Ltmp0:
0x68: {  	v50 =	vadd.s32 v4, v34;
	v37 =	vmul.f32 $8.000000000e+00, v45;
	[tilespmem:v49+s22+$0x0] =	vst.idx.msk $0xffff, v42;
	v42 =	vmul.f32 $8.000000000e+00, v48;
	v47 =	vld [tilespmem:s26+$0xB0];
	(pc) =	sbr.rel @p0 .LBB2_2-.Ltmp0, $4  }
0x69: {  	v48 =	vadd.s32 v29, v34;
	v46 =	vld [tilespmem:s29+$0xFFFFFFD0];
	[tilespmem:v51+s22+$0x0] =	vst.idx.msk $0xffff, v39  }
0x6a: {  	v49 =	vadd.s32 v19, v35;
	v39 =	vadd.s32 v23, v35;
	v44 =	vld [tilespmem:s26+$0xFFFFFF70];
	[tilespmem:v54+s22+$0x0] =	vst.idx.msk $0xffff, v42  }
0x6b: {  	v52 =	vadd.s32 v31, v35;
	v42 =	vadd.s32 v7, v35;
	[tilespmem:v55+s22+$0x0] =	vst.idx.msk $0xffff, v53;
	v53 =	vmul.f32 $8.000000000e+00, v43;
	v43 =	vld [tilespmem:s26+$0x70];
	s26 =	smov.u32 s29  }
0x6c: {  	v51 =	vadd.s32 v3, v35;
	v54 =	vmul.f32 $8.000000000e+00, v56;
	v35 =	vmovc v34;
	s29 =	sadd.s32 $0x200, s29;
	v45 =	vld [tilespmem:s26+$0xFFFFFF10];
	[tilespmem:v58+s22+$0x0] =	vst.idx.msk $0xffff, v57;
	v55 =	vmul.f32 $8.000000000e+00, v59  }
0x6d: {  	_ =	sdelay $0x3  }
0x6e: {  	v34 =	vadd.s32 v24, v35;
	[tilespmem:v50+s22+$0x0] =	vst.idx.msk $0xffff, v41  }
0x6f: {  	[tilespmem:v48+s22+$0x0] =	vst.idx.msk $0xffff, v53  }
0x70: {  	v57 =	vadd.s32 v13, v35;
	v38 =	vmul.f32 $8.000000000e+00, v38;
	[tilespmem:v49+s22+$0x0] =	vst.idx.msk $0xffff, v55  }
0x71: {  	v32 =	vmul.f32 $8.000000000e+00, v32;
	v58 =	vadd.s32 v17, v35;
	[tilespmem:v52+s22+$0x0] =	vst.idx.msk $0xffff, v54  }
0x72: {  	v62 =	vld [tilespmem:s26+$0xFFFFFF50];
	[tilespmem:v51+s22+$0x0] =	vst.idx.msk $0xffff, v38;
	v44 =	vmul.f32 $8.000000000e+00, v44  }
0x73: {  	v60 =	vadd.s32 v1, v35;
	v59 =	vmul.f32 $8.000000000e+00, v46;
	[tilespmem:v34+s22+$0x0] =	vst.idx.msk $0xffff, v32  }
0x74: {  	v63 =	vmul.f32 $8.000000000e+00, v40;
	v51 =	vadd.s32 v5, v35;
	[tilespmem:v42+s22+$0x0] =	vst.idx.msk $0xffff, v44;
	v61 =	vld [tilespmem:s26+$0x90]  }
0x75: {  	v53 =	vld [tilespmem:s26+$0xFFFFFFA0];
	v54 =	vadd.s32 v21, v35;
	v43 =	vmul.f32 $8.000000000e+00, v43;
	[tilespmem:v57+s22+$0x0] =	vst.idx.msk $0xffff, v59  }
0x76: {  	v49 =	vadd.s32 v25, v35;
	v50 =	vmul.f32 $8.000000000e+00, v45;
	[tilespmem:v58+s22+$0x0] =	vst.idx.msk $0xffff, v63;
	v52 =	vld [tilespmem:s26+$0xFFFFFFE0]  }
0x77: {  	[tilespmem:v39+s22+$0x0] =	vst.idx.msk $0xffff, v43;
	v59 =	vadd.s32 v10, v35;
	v57 =	vld [tilespmem:s26+$0x20];
	v58 =	vmul.f32 $8.000000000e+00, v62  }
0x78: {  	v55 =	vadd.s32 v14, v35;
	[tilespmem:v60+s22+$0x0] =	vst.idx.msk $0xffff, v50;
	v60 =	vld [tilespmem:s26+$0xE0]  }
0x79: {  	v62 =	vadd.s32 v18, v35;
	[tilespmem:v51+s22+$0x0] =	vst.idx.msk $0xffff, v58;
	v56 =	vmul.f32 $8.000000000e+00, v61;
	v61 =	vld [tilespmem:s26+$0xFFFFFF20]  }
0x7a: {  	v63 =	vadd.s32 v30, v35;
	v42 =	vmul.f32 $8.000000000e+00, v53;
	[tilespmem:v54+s22+$0x0] =	vst.idx.msk $0xffff, v37;
	v51 =	vld [tilespmem:s26+$0xFFFFFF60]  }
0x7b: {  	v50 =	vadd.s32 v2, v35;
	v48 =	vmul.f32 $8.000000000e+00, v52;
	v52 =	vld [tilespmem:s26+$0x60];
	[tilespmem:v49+s22+$0x0] =	vst.idx.msk $0xffff, v56  }
0x7c: {  	[tilespmem:v59+s22+$0x0] =	vst.idx.msk $0xffff, v42;
	v38 =	vmul.f32 $8.000000000e+00, v57;
	v56 =	vadd.s32 v6, v35;
	v49 =	vld [tilespmem:s26+$0xA0]  }
0x7d: {  	v58 =	vadd.s32 v22, v35;
	v54 =	vmul.f32 $8.000000000e+00, v60;
	v59 =	vld [tilespmem:s26+$0xFFFFFFB0];
	[tilespmem:v55+s22+$0x0] =	vst.idx.msk $0xffff, v48  }
0x7e: {  	v53 =	vadd.s32 v26, v35;
	[tilespmem:v62+s22+$0x0] =	vst.idx.msk $0xffff, v38;
	v55 =	vld [tilespmem:s26+$0xFFFFFFF0];
	v57 =	vmul.f32 $8.000000000e+00, v61  }
0x7f: {  	[tilespmem:v63+s22+$0x0] =	vst.idx.msk $0xffff, v54;
	v62 =	vmul.f32 $8.000000000e+00, v51  }
0x80: {  	v63 =	vadd.s32 v11, v35;
	v38 =	vld [tilespmem:s26+$0x30];
	v48 =	vmul.f32 $8.000000000e+00, v52;
	[tilespmem:v50+s22+$0x0] =	vst.idx.msk $0xffff, v57  }
0x81: {  	v60 =	vadd.s32 v15, v35;
	v39 =	vld [tilespmem:s26+$0xF0];
	[tilespmem:v56+s22+$0x0] =	vst.idx.msk $0xffff, v62;
	v61 =	vmul.f32 $8.000000000e+00, v49  }
0x82: {  	v47 =	vmul.f32 $8.000000000e+00, v47;
	v50 =	vadd.s32 v19, v35;
	[tilespmem:v58+s22+$0x0] =	vst.idx.msk $0xffff, v48;
	v49 =	vld [tilespmem:s26+$0xFFFFFF30]  }
0x83: {  	v54 =	vmul.f32 $8.000000000e+00, v59;
	v51 =	vmul.f32 $8.000000000e+00, v55;
	v55 =	vld [tilespmem:s26+$0xFFFFFF70];
	[tilespmem:v53+s22+$0x0] =	vst.idx.msk $0xffff, v61;
	v53 =	vadd.s32 v31, v35  }
0x84: {  	[tilespmem:v36+s22+$0x0] =	vst.idx.msk $0xffff, v47;
	v56 =	vadd.s32 v3, v35;
	v57 =	vld [tilespmem:s26+$0x70]  }
0x85: {  	v59 =	vadd.s32 v7, v35;
	[tilespmem:v63+s22+$0x0] =	vst.idx.msk $0xffff, v54;
	v58 =	vmul.f32 $8.000000000e+00, v38;
	v52 =	vld [tilespmem:s26+$0xB0]  }
0x86: {  	v39 =	vmul.f32 $8.000000000e+00, v39;
	[tilespmem:v60+s22+$0x0] =	vst.idx.msk $0xffff, v51;
	v60 =	vadd.s32 v23, v35  }
0x87: {  	[tilespmem:v50+s22+$0x0] =	vst.idx.msk $0xffff, v58;
	v61 =	vmul.f32 $8.000000000e+00, v49  }
0x88: {  	v63 =	vmul.f32 $8.000000000e+00, v55;
	[tilespmem:v53+s22+$0x0] =	vst.idx.msk $0xffff, v39  }
0x89: {  	v32 =	vmul.f32 $8.000000000e+00, v57;
	[tilespmem:v56+s22+$0x0] =	vst.idx.msk $0xffff, v61  }
0x8a: {  	[tilespmem:v59+s22+$0x0] =	vst.idx.msk $0xffff, v63;
	v62 =	vmul.f32 $8.000000000e+00, v52  }
0x8b: {  	[tilespmem:v60+s22+$0x0] =	vst.idx.msk $0xffff, v32  }
0x8c: {  	s0 =	simm.s32 $0x4100;
	s26 =	simm.s32 $0x0;
	[tilespmem:v33+s22+$0x0] =	vst.idx.msk $0xffff, v62  }
0x8d: {  	[hbm4b:s10+s26] =	stream.linear.scatter [tilespmem:s0], [sflag:$0x3], $0x80, $0x38;
	[tilespmem:$0x8500] =	vst v63  }
0x8e: {  	s7 =	simm.s32 $0x4188;
	s2 =	sadd.s32 $0x10, s10  }
0x8f: {  	[hbm4b:s2+s26] =	stream.linear.scatter [tilespmem:s7], [sflag:$0x3], $0x80, $0x38;
	[tilespmem:$0x8500] =	vst v63  }
0x90: {  	s8 =	simm.s32 $0x4210;
	s31 =	sadd.s32 $0x20, s10;
	s28 =	simm.s32 $0x440  }
0x91: {  	[hbm4b:s31+s26] =	stream.linear.scatter [tilespmem:s8], [sflag:$0x3], $0x80, $0x38;
	[tilespmem:$0x8500] =	vst v63  }
0x92: {  	s30 =	simm.s32 $0x2200;
	s2 =	simm.s32 $0x4298;
	s7 =	sadd.s32 $0x30, s10  }
0x93: {  	[hbm4b:s7+s26] =	stream.linear.scatter [tilespmem:s2], [sflag:$0x3], $0x80, $0x38;
	[tilespmem:$0x8500] =	vst v63  }
0x94: {  	s29 =	sadd.s32 $0x1000, s10;
	s8 =	simm.s32 $0x4320;
	s31 =	sadd.s32 $0x40, s10  }
0x95: {  	[hbm4b:s31+s26] =	stream.linear.scatter [tilespmem:s8], [sflag:$0x3], $0x80, $0x38;
	[tilespmem:$0x8500] =	vst v63  }
0x96: {  	s0 =	simm.s32 $0x44B8;
	s2 =	simm.s32 $0x43A8;
	s7 =	sadd.s32 $0x50, s10  }
0x97: {  	[hbm4b:s7+s26] =	stream.linear.scatter [tilespmem:s2], [sflag:$0x3], $0x80, $0x38;
	[tilespmem:$0x8500] =	vst v63  }
0x98: {  	s8 =	simm.s32 $0x4430;
	s31 =	sadd.s32 $0x60, s10;
	s2 =	sadd.s32 $0x70, s10  }
0x99: {  	[hbm4b:s31+s26] =	stream.linear.scatter [tilespmem:s8], [sflag:$0x3], $0x80, $0x38;
	[tilespmem:$0x8500] =	vst v63  }
.LBB2_4:
0x9a: {  	[hbm4b:s2+s26] =	stream.linear.scatter [tilespmem:s0], [sflag:$0x3], $0x80, $0x38;
	[tilespmem:$0x8500] =	vst v63  }
0x9b: {  	s0 =	smov.u32 s28;
	s2 =	smov.u32 s30  }
0x9c: {  	s7 =	sadd.s32 $0x1100, s30;
	s28 =	sshra.s32 s2, $0x2;
	s2 =	sadd.s32 $0x4100, s0  }
0x9d: {  	[hbm4b:s29+s26] =	stream.linear.scatter [tilespmem:s2], [sflag:$0x3], $0x80, $0x38;
	[tilespmem:$0x8500] =	vst v63  }
0x9e: {  	p0 =	sne.s32 s30, $0x7700;
	s30 =	sadd.s32 $0x10, s29;
	s2 =	sadd.s32 $0x4188, s0  }
0x9f: {  	[hbm4b:s30+s26] =	stream.linear.scatter [tilespmem:s2], [sflag:$0x3], $0x80, $0x38;
	[tilespmem:$0x8500] =	vst v63  }
0xa0: {  	s2 =	sadd.s32 $0x4210, s0;
	s30 =	sadd.s32 $0x20, s29  }
0xa1: {  	[hbm4b:s30+s26] =	stream.linear.scatter [tilespmem:s2], [sflag:$0x3], $0x80, $0x38;
	[tilespmem:$0x8500] =	vst v63  }
0xa2: {  	s2 =	sadd.s32 $0x4298, s0;
	s30 =	sadd.s32 $0x30, s29  }
0xa3: {  	[hbm4b:s30+s26] =	stream.linear.scatter [tilespmem:s2], [sflag:$0x3], $0x80, $0x38;
	[tilespmem:$0x8500] =	vst v63  }
0xa4: {  	s2 =	sadd.s32 $0x4320, s0;
	s30 =	sadd.s32 $0x40, s29  }
0xa5: {  	[hbm4b:s30+s26] =	stream.linear.scatter [tilespmem:s2], [sflag:$0x3], $0x80, $0x38;
	[tilespmem:$0x8500] =	vst v63  }
.Ltmp1:
0xa6: {  	s2 =	sadd.s32 $0x43A8, s0;
	s30 =	sadd.s32 $0x50, s29;
	(pc) =	sbr.rel @p0 .LBB2_4-.Ltmp1, $4  }
0xa7: {  	[hbm4b:s30+s26] =	stream.linear.scatter [tilespmem:s2], [sflag:$0x3], $0x80, $0x38;
	[tilespmem:$0x8500] =	vst v63  }
0xa8: {  	s2 =	sadd.s32 $0x4430, s0;
	s30 =	sadd.s32 $0x60, s29;
	s0 =	sadd.s32 $0x44B8, s0  }
0xa9: {  	[hbm4b:s30+s26] =	stream.linear.scatter [tilespmem:s2], [sflag:$0x3], $0x80, $0x38;
	[tilespmem:$0x8500] =	vst v63  }
0xaa: {  	s2 =	sadd.s32 $0x70, s29;
	s29 =	sadd.s32 $0x1000, s29;
	s30 =	smov.u32 s7  }
0xab: {  	[hbm4b:s2+s26] =	stream.linear.scatter [tilespmem:s0], [sflag:$0x3], $0x80, $0x38;
	[tilespmem:$0x8500] =	vst v63  }
0xac: {  	s8 =	sadd.s32 $0x4100, s28  }
0xad: {  	[hbm4b:s29+s26] =	stream.linear.scatter [tilespmem:s8], [sflag:$0x3], $0x80, $0x38;
	[tilespmem:$0x8500] =	vst v63  }
0xae: {  	s30 =	sadd.s32 $0x4188, s28;
	s31 =	sadd.s32 $0x10, s29  }
0xaf: {  	[hbm4b:s31+s26] =	stream.linear.scatter [tilespmem:s30], [sflag:$0x3], $0x80, $0x38;
	[tilespmem:$0x8500] =	vst v63  }
0xb0: {  	s7 =	sadd.s32 $0x4210, s28;
	s8 =	sadd.s32 $0x20, s29  }
0xb1: {  	[hbm4b:s8+s26] =	stream.linear.scatter [tilespmem:s7], [sflag:$0x3], $0x80, $0x38;
	[tilespmem:$0x8500] =	vst v63  }
0xb2: {  	s30 =	sadd.s32 $0x4298, s28;
	s31 =	sadd.s32 $0x30, s29  }
0xb3: {  	[hbm4b:s31+s26] =	stream.linear.scatter [tilespmem:s30], [sflag:$0x3], $0x80, $0x38;
	[tilespmem:$0x8500] =	vst v63  }
0xb4: {  	s7 =	sadd.s32 $0x4320, s28;
	s8 =	sadd.s32 $0x40, s29  }
0xb5: {  	[hbm4b:s8+s26] =	stream.linear.scatter [tilespmem:s7], [sflag:$0x3], $0x80, $0x38;
	[tilespmem:$0x8500] =	vst v63  }
0xb6: {  	s30 =	sadd.s32 $0x43A8, s28;
	s31 =	sadd.s32 $0x50, s29  }
0xb7: {  	[hbm4b:s31+s26] =	stream.linear.scatter [tilespmem:s30], [sflag:$0x3], $0x80, $0x38;
	[tilespmem:$0x8500] =	vst v63  }
0xb8: {  	s7 =	sadd.s32 $0x4430, s28;
	s8 =	sadd.s32 $0x60, s29  }
0xb9: {  	[hbm4b:s8+s26] =	stream.linear.scatter [tilespmem:s7], [sflag:$0x3], $0x80, $0x38;
	[tilespmem:$0x8500] =	vst v63  }
0xba: {  	s30 =	sadd.s32 $0x44B8, s28;
	s31 =	sadd.s32 $0x70, s29  }
0xbb: {  	[hbm4b:s31+s26] =	stream.linear.scatter [tilespmem:s30], [sflag:$0x3], $0x80, $0x38;
	[tilespmem:$0x8500] =	vst v63  }
.LBB2_6:
0xbc: {  	_ =	swait.ge [sflag:s17], $0x80  }
0xbd: {  	[sflag:s17] =	ssyncset.done $0x0  }
0xbe: {  	[sflag:s17] =	ssyncadd.s32 $0xFFFFFF80  }
0xbf: {  	s29 =	sshll.u32 s26, $0xD;
	_ =	swait.ge [sflag:s20], $0x2000  }
0xc0: {  	s0 =	sadd.s32 s11, s29;
	[sflag:s20] =	ssyncset.done $0x0  }
0xc1: {  	s0 =	sshrl.u32 s0, $0x3;
	[sflag:s20] =	ssyncadd.s32 $0xFFFFE000  }
0xc2: {  	[tilespmem:s19], [sflag:$0x2] =	stream.indirect.gather [hbm4b:s5+s18], $0x40, s3, s18, $0xb8;
	[tilespmem:$0x8500] =	vst v63  }
0xc3: {  	s30 =	simm.s32 $0x22F0;
	s0 =	sadd.s32 s4, s0  }
0xc4: {  	[tilespmem:s18], [sflag:$0x1] =	stream.linear.gather [hbm4b:s0+s3], $0x80, $0x38;
	[tilespmem:$0x8500] =	vst v63  }
0xc5: {  	v32 =	vld [tilespmem:s30+$0xFFFFFE90]  }
0xc6: {  	v34 =	vld [tilespmem:s30+$0xFFFFFF50]  }
0xc7: {  	v36 =	vld [tilespmem:s30+$0xFFFFFFD0]  }
0xc8: {  	v35 =	vimm.s32 $0x0;
	v37 =	vld [tilespmem:s30+$0xFFFFFF10]  }
0xc9: {  	v33 =	vadd.s32 v8, v35;
	v41 =	vld [tilespmem:s30+$0xFFFFFE10]  }
0xca: {  	v42 =	vadd.s32 v16, v35;
	v39 =	vld [tilespmem:s30+$0xFFFFFED0]  }
0xcb: {  	v57 =	vadd.s32 v0, v35;
	v45 =	vld [tilespmem:s30+$0xFFFFFE50]  }
0xcc: {  	s28 =	simm.s32 $0x24F0;
	v40 =	vadd.s32 v28, v35;
	v43 =	vld [tilespmem:s30+$0xFFFFFF90];
	v32 =	vmul.f32 $8.000000000e+00, v32  }
0xcd: {  	v49 =	vld [tilespmem:s28+$0xFFFFFE90];
	v58 =	vmul.f32 $8.000000000e+00, v37  }
0xce: {  	v56 =	vadd.s32 v12, v35;
	v62 =	vmul.f32 $8.000000000e+00, v41;
	[tilespmem:v33+s23+$0x0] =	vst.idx.msk $0xffff, v32;
	v32 =	vld [tilespmem:s28+$0xFFFFFF90]  }
0xcf: {  	v36 =	vmul.f32 $8.000000000e+00, v36;
	[tilespmem:v42+s23+$0x0] =	vst.idx.msk $0xffff, v58;
	v58 =	vld [tilespmem:s28+$0xFFFFFF50]  }
0xd0: {  	[tilespmem:v57+s23+$0x0] =	vst.idx.msk $0xffff, v62;
	v57 =	vmul.f32 $8.000000000e+00, v45;
	v45 =	vld [tilespmem:s28+$0xFFFFFF10]  }
0xd1: {  	v38 =	vadd.s32 v20, v35;
	v59 =	vmul.f32 $8.000000000e+00, v39;
	[tilespmem:v40+s23+$0x0] =	vst.idx.msk $0xffff, v36;
	v40 =	vld [tilespmem:s28+$0xFFFFFFD0]  }
0xd2: {  	v54 =	vadd.s32 v4, v35;
	v44 =	vld [tilespmem:s30+$0xFFFFFEA0]  }
0xd3: {  	[tilespmem:v56+s23+$0x0] =	vst.idx.msk $0xffff, v59;
	v61 =	vld [tilespmem:s30+$0xFFFFFFE0]  }
0xd4: {  	v48 =	vadd.s32 v24, v35;
	v55 =	vmul.f32 $8.000000000e+00, v34;
	v53 =	vld [tilespmem:s30+$0xFFFFFEE0]  }
0xd5: {  	v60 =	vadd.s32 v9, v35;
	v63 =	vld [tilespmem:s30+$0xFFFFFF20]  }
0xd6: {  	[tilespmem:v38+s23+$0x0] =	vst.idx.msk $0xffff, v55;
	v56 =	vadd.s32 v13, v35;
	v55 =	vld [tilespmem:s30+$0xFFFFFE20]  }
0xd7: {  	v47 =	vadd.s32 v29, v35;
	v43 =	vmul.f32 $8.000000000e+00, v43;
	v38 =	vld [tilespmem:s30+$0xFFFFFF60];
	[tilespmem:v54+s23+$0x0] =	vst.idx.msk $0xffff, v57  }
0xd8: {  	v46 =	vadd.s32 v1, v35;
	v42 =	vld [tilespmem:s30+$0xFFFFFE60];
	v52 =	vmul.f32 $8.000000000e+00, v44  }
0xd9: {  	v59 =	vadd.s32 v21, v35;
	[tilespmem:v48+s23+$0x0] =	vst.idx.msk $0xffff, v43;
	v54 =	vmul.f32 $8.000000000e+00, v49;
	v49 =	vld [tilespmem:s28+$0xFFFFFE50];
	v34 =	vmul.f32 $8.000000000e+00, v53  }
0xda: {  	v50 =	vadd.s32 v5, v35;
	v39 =	vmul.f32 $8.000000000e+00, v61;
	v33 =	vmul.f32 $8.000000000e+00, v63;
	v63 =	vld [tilespmem:s30+$0xFFFFFFA0];
	[tilespmem:v60+s23+$0x0] =	vst.idx.msk $0xffff, v52  }
0xdb: {  	v41 =	vmul.f32 $8.000000000e+00, v55;
	[tilespmem:v56+s23+$0x0] =	vst.idx.msk $0xffff, v34;
	v52 =	vld [tilespmem:s28+$0xFFFFFE10];
	v60 =	vadd.s32 v17, v35  }
0xdc: {  	v38 =	vmul.f32 $8.000000000e+00, v38;
	v34 =	vadd.s32 $0x8, v35;
	[tilespmem:v47+s23+$0x0] =	vst.idx.msk $0xffff, v39;
	v47 =	vld [tilespmem:s28+$0xFFFFFED0];
	v56 =	vadd.s32 v25, v35  }
0xdd: {  	[tilespmem:v46+s23+$0x0] =	vst.idx.msk $0xffff, v41;
	v42 =	vmul.f32 $8.000000000e+00, v42;
	v36 =	vld [tilespmem:s30+$0xFFFFFEB0];
	v61 =	vadd.s32 v8, v34  }
0xde: {  	[tilespmem:v59+s23+$0x0] =	vst.idx.msk $0xffff, v38;
	v51 =	vld [tilespmem:s30+$0xFFFFFEF0];
	v62 =	vadd.s32 v20, v34  }
0xdf: {  	v46 =	vld [tilespmem:s30+$0xFFFFFE30];
	[tilespmem:v50+s23+$0x0] =	vst.idx.msk $0xffff, v42;
	v50 =	vadd.s32 v28, v34;
	v37 =	vmul.f32 $8.000000000e+00, v63  }
0xe0: {  	v53 =	vadd.s32 v10, v35;
	v42 =	vld [tilespmem:s30+$0xFFFFFFF0];
	[tilespmem:v60+s23+$0x0] =	vst.idx.msk $0xffff, v33  }
0xe1: {  	v58 =	vmul.f32 $8.000000000e+00, v58;
	v55 =	vadd.s32 v2, v35;
	v33 =	vld [tilespmem:s30+$0xFFFFFF70];
	[tilespmem:v56+s23+$0x0] =	vst.idx.msk $0xffff, v37  }
0xe2: {  	v40 =	vmul.f32 $8.000000000e+00, v40;
	v59 =	vadd.s32 v14, v35;
	[tilespmem:v61+s23+$0x0] =	vst.idx.msk $0xffff, v54;
	v63 =	vld [tilespmem:s30+$0xFFFFFF30]  }
0xe3: {  	v36 =	vmul.f32 $8.000000000e+00, v36;
	v61 =	vadd.s32 v22, v35;
	[tilespmem:v62+s23+$0x0] =	vst.idx.msk $0xffff, v58;
	v39 =	vld [tilespmem:s30+$0xFFFFFFB0]  }
0xe4: {  	v38 =	vadd.s32 v30, v35;
	v60 =	vmul.f32 $8.000000000e+00, v46;
	v46 =	vld [tilespmem:s28+$0xFFFFFEA0];
	[tilespmem:v50+s23+$0x0] =	vst.idx.msk $0xffff, v40  }
0xe5: {  	v57 =	vadd.s32 v12, v34;
	v62 =	vmul.f32 $8.000000000e+00, v51;
	v54 =	vld [tilespmem:s28+$0xFFFFFF60];
	[tilespmem:v53+s23+$0x0] =	vst.idx.msk $0xffff, v36  }
0xe6: {  	v58 =	vadd.s32 v16, v34;
	[tilespmem:v55+s23+$0x0] =	vst.idx.msk $0xffff, v60;
	v53 =	vld [tilespmem:s30+$0xFFFFFE70];
	v33 =	vmul.f32 $8.000000000e+00, v33  }
0xe7: {  	v44 =	vadd.s32 v18, v35;
	[tilespmem:v59+s23+$0x0] =	vst.idx.msk $0xffff, v62;
	v59 =	vmul.f32 $8.000000000e+00, v42;
	v62 =	vmul.f32 $8.000000000e+00, v45;
	v45 =	vld [tilespmem:s28+$0xFFFFFFE0]  }
0xe8: {  	v60 =	vmul.f32 $8.000000000e+00, v47;
	v43 =	vld [tilespmem:s30+$0xFFFFFEC0];
	[tilespmem:v61+s23+$0x0] =	vst.idx.msk $0xffff, v33;
	v61 =	vadd.s32 v26, v35  }
0xe9: {  	v55 =	vadd.s32 v0, v34;
	v42 =	vld [tilespmem:s30+$0xFFFFFF00];
	[tilespmem:v38+s23+$0x0] =	vst.idx.msk $0xffff, v59  }
0xea: {  	v51 =	vadd.s32 v6, v35;
	v38 =	vld [tilespmem:s30+$0xFFFFFE40];
	[tilespmem:v57+s23+$0x0] =	vst.idx.msk $0xffff, v60;
	v63 =	vmul.f32 $8.000000000e+00, v63  }
0xeb: {  	v56 =	vadd.s32 v15, v35;
	[tilespmem:v58+s23+$0x0] =	vst.idx.msk $0xffff, v62;
	v48 =	vmul.f32 $8.000000000e+00, v39;
	v57 =	vld [tilespmem:s30+$0x0]  }
0xec: {  	v41 =	vmul.f32 $8.000000000e+00, v49;
	v50 =	vmul.f32 $8.000000000e+00, v52;
	v52 =	vadd.s32 v9, v34;
	v40 =	vld [tilespmem:s28+$0xFFFFFF20];
	[tilespmem:v44+s23+$0x0] =	vst.idx.msk $0xffff, v63  }
0xed: {  	v49 =	vadd.s32 v19, v35;
	v58 =	vadd.s32 v11, v35;
	v60 =	vmul.f32 $8.000000000e+00, v53;
	v59 =	vld [tilespmem:s30+$0xFFFFFF40];
	[tilespmem:v61+s23+$0x0] =	vst.idx.msk $0xffff, v48  }
0xee: {  	v36 =	vadd.s32 v27, v35;
	[tilespmem:v55+s23+$0x0] =	vst.idx.msk $0xffff, v50;
	v50 =	vadd.s32 v4, v34;
	v62 =	vmul.f32 $8.000000000e+00, v42;
	v47 =	vld [tilespmem:s30+$0xFFFFFFC0]  }
0xef: {  	v39 =	vadd.s32 v23, v35;
	[tilespmem:v51+s23+$0x0] =	vst.idx.msk $0xffff, v60;
	v61 =	vmul.f32 $8.000000000e+00, v46;
	v46 =	vld [tilespmem:s28+$0xFFFFFEE0];
	v48 =	vadd.s32 v29, v34  }
0xf0: {  	v33 =	vadd.s32 v27, v34;
	v37 =	vmul.f32 $8.000000000e+00, v54;
	v63 =	vmul.f32 $8.000000000e+00, v43;
	v44 =	vld [tilespmem:s30+$0xFFFFFE80];
	[tilespmem:v56+s23+$0x0] =	vst.idx.msk $0xffff, v62  }
0xf1: {  	v53 =	vmul.f32 $8.000000000e+00, v45;
	v42 =	vadd.s32 v7, v35;
	v43 =	vld [tilespmem:s30+$0xFFFFFF80];
	[tilespmem:v52+s23+$0x0] =	vst.idx.msk $0xffff, v61;
	v52 =	vadd.s32 v31, v35  }
0xf2: {  	s31 =	simm.s32 $0x26F0;
	v45 =	vld [tilespmem:s28+$0xFFFFFE20];
	v51 =	vadd.s32 v3, v35;
	[tilespmem:v58+s23+$0x0] =	vst.idx.msk $0xffff, v63;
	v54 =	vmul.f32 $8.000000000e+00, v57;
	s30 =	simm.s32 $0x8;
	v55 =	vmul.f32 $8.000000000e+00, v59;
	v35 =	vmovc v34  }
.LBB2_7:
0xf3: {  	s30 =	sadd.s32 $0x8, s30;
	[tilespmem:v50+s23+$0x0] =	vst.idx.msk $0xffff, v41;
	v41 =	vmul.f32 $8.000000000e+00, v32;
	v32 =	vld [tilespmem:s31+$0xFFFFFF90];
	v34 =	vadd.s32 $0x8, v34;
	v47 =	vmul.f32 $8.000000000e+00, v47  }
0xf4: {  	v56 =	vadd.s32 v13, v35;
	v40 =	vmul.f32 $8.000000000e+00, v40;
	p0 =	slt.u32 s30, $0x78;
	v50 =	vld [tilespmem:s28+$0xFFFFFEB0];
	v46 =	vmul.f32 $8.000000000e+00, v46;
	[tilespmem:v48+s23+$0x0] =	vst.idx.msk $0xffff, v53  }
0xf5: {  	v38 =	vmul.f32 $8.000000000e+00, v38;
	v48 =	vadd.s32 v8, v34;
	v53 =	vld [tilespmem:s31+$0xFFFFFF50];
	v44 =	vmul.f32 $8.000000000e+00, v44;
	[tilespmem:v49+s23+$0x0] =	vst.idx.msk $0xffff, v55  }
0xf6: {  	v57 =	vadd.s32 v1, v35;
	v49 =	vadd.s32 v0, v34;
	v55 =	vld [tilespmem:s31+$0xFFFFFF10];
	v43 =	vmul.f32 $8.000000000e+00, v43;
	[tilespmem:v52+s23+$0x0] =	vst.idx.msk $0xffff, v54  }
0xf7: {  	v52 =	vadd.s32 v27, v34;
	v54 =	vld [tilespmem:s31+$0xFFFFFFD0];
	[tilespmem:v51+s23+$0x0] =	vst.idx.msk $0xffff, v38  }
0xf8: {  	v38 =	vmul.f32 $8.000000000e+00, v45;
	v51 =	vadd.s32 v24, v35;
	v45 =	vld [tilespmem:s28+$0xFFFFFE60];
	[tilespmem:v36+s23+$0x0] =	vst.idx.msk $0xffff, v47;
	v36 =	vmovc v33;
	v33 =	vmov v52  }
0xf9: {  	v47 =	vld [tilespmem:s31+$0xFFFFFE90];
	[tilespmem:v56+s23+$0x0] =	vst.idx.msk $0xffff, v46;
	v46 =	vadd.s32 v21, v35  }
0xfa: {  	v52 =	vadd.s32 v5, v35;
	v50 =	vmul.f32 $8.000000000e+00, v50;
	v56 =	vld [tilespmem:s28+$0xFFFFFEF0];
	[tilespmem:v42+s23+$0x0] =	vst.idx.msk $0xffff, v44  }
0xfb: {  	v42 =	vld [tilespmem:s31+$0xFFFFFE10];
	[tilespmem:v57+s23+$0x0] =	vst.idx.msk $0xffff, v38;
	v38 =	vadd.s32 v17, v35  }
0xfc: {  	v44 =	vld [tilespmem:s28+$0xFFFFFE30];
	[tilespmem:v39+s23+$0x0] =	vst.idx.msk $0xffff, v43  }
0xfd: {  	v39 =	vld [tilespmem:s31+$0xFFFFFED0];
	v43 =	vmul.f32 $8.000000000e+00, v45;
	v45 =	vadd.s32 v10, v35;
	[tilespmem:v51+s23+$0x0] =	vst.idx.msk $0xffff, v41  }
0xfe: {  	v41 =	vmul.f32 $8.000000000e+00, v47;
	v47 =	vadd.s32 v20, v34;
	[tilespmem:v46+s23+$0x0] =	vst.idx.msk $0xffff, v37;
	v37 =	vld [tilespmem:s28+$0xFFFFFFA0]  }
0xff: {  	v51 =	vadd.s32 v2, v35;
	v46 =	vadd.s32 v28, v34;
	[tilespmem:v52+s23+$0x0] =	vst.idx.msk $0xffff, v43;
	v43 =	vld [tilespmem:s28+$0xFFFFFFF0]  }
0x100: {  	[tilespmem:v38+s23+$0x0] =	vst.idx.msk $0xffff, v40;
	v38 =	vld [tilespmem:s28+$0xFFFFFF70];
	v40 =	vadd.s32 v25, v35  }
0x101: {  	v52 =	vld [tilespmem:s31+$0xFFFFFE50];
	[tilespmem:v48+s23+$0x0] =	vst.idx.msk $0xffff, v41;
	v41 =	vmul.f32 $8.000000000e+00, v53;
	v44 =	vmul.f32 $8.000000000e+00, v44;
	v48 =	vadd.s32 v14, v35  }
0x102: {  	v54 =	vmul.f32 $8.000000000e+00, v54;
	v53 =	vld [tilespmem:s31+$0xFFFFFEA0];
	[tilespmem:v45+s23+$0x0] =	vst.idx.msk $0xffff, v50;
	v45 =	vadd.s32 v22, v35  }
0x103: {  	v39 =	vmul.f32 $8.000000000e+00, v39;
	v50 =	vadd.s32 v30, v35;
	[tilespmem:v47+s23+$0x0] =	vst.idx.msk $0xffff, v41;
	v47 =	vld [tilespmem:s28+$0xFFFFFEC0];
	v37 =	vmul.f32 $8.000000000e+00, v37  }
0x104: {  	v55 =	vmul.f32 $8.000000000e+00, v55;
	v41 =	vmul.f32 $8.000000000e+00, v56;
	[tilespmem:v51+s23+$0x0] =	vst.idx.msk $0xffff, v44;
	v44 =	vld [tilespmem:s28+$0xFFFFFF30]  }
0x105: {  	v51 =	vadd.s32 v12, v34;
	v56 =	vld [tilespmem:s28+$0xFFFFFE70];
	v38 =	vmul.f32 $8.000000000e+00, v38;
	[tilespmem:v40+s23+$0x0] =	vst.idx.msk $0xffff, v37  }
0x106: {  	v43 =	vmul.f32 $8.000000000e+00, v43;
	v37 =	vadd.s32 v16, v34;
	[tilespmem:v48+s23+$0x0] =	vst.idx.msk $0xffff, v41;
	v40 =	vld [tilespmem:s28+$0xFFFFFFB0]  }
0x107: {  	v57 =	vadd.s32 v18, v35;
	v48 =	vld [tilespmem:s28+$0xFFFFFF00];
	[tilespmem:v45+s23+$0x0] =	vst.idx.msk $0xffff, v38  }
0x108: {  	v41 =	vmul.f32 $8.000000000e+00, v52;
	v52 =	vadd.s32 v26, v35;
	v45 =	vld [tilespmem:s31+$0xFFFFFF60];
	[tilespmem:v50+s23+$0x0] =	vst.idx.msk $0xffff, v43  }
0x109: {  	[tilespmem:v46+s23+$0x0] =	vst.idx.msk $0xffff, v54;
	v38 =	vld [tilespmem:s28+$0xFFFFFE40]  }
0x10a: {  	v44 =	vmul.f32 $8.000000000e+00, v44;
	[tilespmem:v51+s23+$0x0] =	vst.idx.msk $0xffff, v39;
	v43 =	vld [tilespmem:s31+$0xFFFFFFE0];
	v39 =	vmul.f32 $8.000000000e+00, v56;
	v51 =	vadd.s32 v6, v35  }
0x10b: {  	v53 =	vmul.f32 $8.000000000e+00, v53;
	v54 =	vadd.s32 v15, v35;
	[tilespmem:v37+s23+$0x0] =	vst.idx.msk $0xffff, v55;
	v37 =	vmul.f32 $8.000000000e+00, v40;
	v56 =	vld [tilespmem:s28+$0x0]  }
0x10c: {  	v42 =	vmul.f32 $8.000000000e+00, v42;
	v55 =	vadd.s32 v9, v34;
	v40 =	vld [tilespmem:s31+$0xFFFFFF20];
	[tilespmem:v57+s23+$0x0] =	vst.idx.msk $0xffff, v44  }
0x10d: {  	v58 =	vadd.s32 v11, v35;
	v57 =	vmul.f32 $8.000000000e+00, v47;
	v59 =	vld [tilespmem:s28+$0xFFFFFF40];
	[tilespmem:v52+s23+$0x0] =	vst.idx.msk $0xffff, v37  }
.Ltmp2:
0x10e: {  	v50 =	vadd.s32 v4, v34;
	v37 =	vmul.f32 $8.000000000e+00, v45;
	[tilespmem:v49+s23+$0x0] =	vst.idx.msk $0xffff, v42;
	v42 =	vmul.f32 $8.000000000e+00, v48;
	v47 =	vld [tilespmem:s28+$0xFFFFFFC0];
	(pc) =	sbr.rel @p0 .LBB2_7-.Ltmp2, $4  }
0x10f: {  	v48 =	vadd.s32 v29, v34;
	v46 =	vld [tilespmem:s31+$0xFFFFFEE0];
	[tilespmem:v51+s23+$0x0] =	vst.idx.msk $0xffff, v39  }
0x110: {  	v49 =	vadd.s32 v19, v35;
	v39 =	vadd.s32 v23, v35;
	v44 =	vld [tilespmem:s28+$0xFFFFFE80];
	[tilespmem:v54+s23+$0x0] =	vst.idx.msk $0xffff, v42  }
0x111: {  	v52 =	vadd.s32 v31, v35;
	v42 =	vadd.s32 v7, v35;
	[tilespmem:v55+s23+$0x0] =	vst.idx.msk $0xffff, v53;
	v53 =	vmul.f32 $8.000000000e+00, v43;
	v43 =	vld [tilespmem:s28+$0xFFFFFF80];
	s28 =	smov.u32 s31  }
0x112: {  	v51 =	vadd.s32 v3, v35;
	v54 =	vmul.f32 $8.000000000e+00, v56;
	v35 =	vmovc v34;
	s31 =	sadd.s32 $0x200, s31;
	v45 =	vld [tilespmem:s28+$0xFFFFFE20];
	[tilespmem:v58+s23+$0x0] =	vst.idx.msk $0xffff, v57;
	v55 =	vmul.f32 $8.000000000e+00, v59  }
0x113: {  	_ =	sdelay $0x3  }
0x114: {  	v34 =	vadd.s32 v24, v35;
	[tilespmem:v50+s23+$0x0] =	vst.idx.msk $0xffff, v41  }
0x115: {  	[tilespmem:v48+s23+$0x0] =	vst.idx.msk $0xffff, v53  }
0x116: {  	v57 =	vadd.s32 v13, v35;
	v38 =	vmul.f32 $8.000000000e+00, v38;
	[tilespmem:v49+s23+$0x0] =	vst.idx.msk $0xffff, v55  }
0x117: {  	v32 =	vmul.f32 $8.000000000e+00, v32;
	v58 =	vadd.s32 v17, v35;
	[tilespmem:v52+s23+$0x0] =	vst.idx.msk $0xffff, v54  }
0x118: {  	v62 =	vld [tilespmem:s28+$0xFFFFFE60];
	[tilespmem:v51+s23+$0x0] =	vst.idx.msk $0xffff, v38;
	v44 =	vmul.f32 $8.000000000e+00, v44  }
0x119: {  	v60 =	vadd.s32 v1, v35;
	v59 =	vmul.f32 $8.000000000e+00, v46;
	[tilespmem:v34+s23+$0x0] =	vst.idx.msk $0xffff, v32  }
0x11a: {  	v63 =	vmul.f32 $8.000000000e+00, v40;
	v51 =	vadd.s32 v5, v35;
	[tilespmem:v42+s23+$0x0] =	vst.idx.msk $0xffff, v44;
	v61 =	vld [tilespmem:s28+$0xFFFFFFA0]  }
0x11b: {  	v53 =	vld [tilespmem:s28+$0xFFFFFEB0];
	v54 =	vadd.s32 v21, v35;
	v43 =	vmul.f32 $8.000000000e+00, v43;
	[tilespmem:v57+s23+$0x0] =	vst.idx.msk $0xffff, v59  }
0x11c: {  	v49 =	vadd.s32 v25, v35;
	v50 =	vmul.f32 $8.000000000e+00, v45;
	[tilespmem:v58+s23+$0x0] =	vst.idx.msk $0xffff, v63;
	v52 =	vld [tilespmem:s28+$0xFFFFFEF0]  }
0x11d: {  	[tilespmem:v39+s23+$0x0] =	vst.idx.msk $0xffff, v43;
	v59 =	vadd.s32 v10, v35;
	v57 =	vld [tilespmem:s28+$0xFFFFFF30];
	v58 =	vmul.f32 $8.000000000e+00, v62  }
0x11e: {  	v55 =	vadd.s32 v14, v35;
	[tilespmem:v60+s23+$0x0] =	vst.idx.msk $0xffff, v50;
	v60 =	vld [tilespmem:s28+$0xFFFFFFF0]  }
0x11f: {  	v62 =	vadd.s32 v18, v35;
	[tilespmem:v51+s23+$0x0] =	vst.idx.msk $0xffff, v58;
	v56 =	vmul.f32 $8.000000000e+00, v61;
	v61 =	vld [tilespmem:s28+$0xFFFFFE30]  }
0x120: {  	v63 =	vadd.s32 v30, v35;
	v42 =	vmul.f32 $8.000000000e+00, v53;
	[tilespmem:v54+s23+$0x0] =	vst.idx.msk $0xffff, v37;
	v51 =	vld [tilespmem:s28+$0xFFFFFE70]  }
0x121: {  	v50 =	vadd.s32 v2, v35;
	v48 =	vmul.f32 $8.000000000e+00, v52;
	v52 =	vld [tilespmem:s28+$0xFFFFFF70];
	[tilespmem:v49+s23+$0x0] =	vst.idx.msk $0xffff, v56  }
0x122: {  	[tilespmem:v59+s23+$0x0] =	vst.idx.msk $0xffff, v42;
	v38 =	vmul.f32 $8.000000000e+00, v57;
	v56 =	vadd.s32 v6, v35;
	v49 =	vld [tilespmem:s28+$0xFFFFFFB0]  }
0x123: {  	v58 =	vadd.s32 v22, v35;
	v54 =	vmul.f32 $8.000000000e+00, v60;
	v59 =	vld [tilespmem:s28+$0xFFFFFEC0];
	[tilespmem:v55+s23+$0x0] =	vst.idx.msk $0xffff, v48  }
0x124: {  	v53 =	vadd.s32 v26, v35;
	[tilespmem:v62+s23+$0x0] =	vst.idx.msk $0xffff, v38;
	v55 =	vld [tilespmem:s28+$0xFFFFFF00];
	v57 =	vmul.f32 $8.000000000e+00, v61  }
0x125: {  	[tilespmem:v63+s23+$0x0] =	vst.idx.msk $0xffff, v54;
	v62 =	vmul.f32 $8.000000000e+00, v51  }
0x126: {  	v63 =	vadd.s32 v11, v35;
	v38 =	vld [tilespmem:s28+$0xFFFFFF40];
	v48 =	vmul.f32 $8.000000000e+00, v52;
	[tilespmem:v50+s23+$0x0] =	vst.idx.msk $0xffff, v57  }
0x127: {  	v60 =	vadd.s32 v15, v35;
	v39 =	vld [tilespmem:s28+$0x0];
	[tilespmem:v56+s23+$0x0] =	vst.idx.msk $0xffff, v62;
	v61 =	vmul.f32 $8.000000000e+00, v49  }
0x128: {  	v47 =	vmul.f32 $8.000000000e+00, v47;
	v50 =	vadd.s32 v19, v35;
	[tilespmem:v58+s23+$0x0] =	vst.idx.msk $0xffff, v48;
	v49 =	vld [tilespmem:s28+$0xFFFFFE40]  }
0x129: {  	v54 =	vmul.f32 $8.000000000e+00, v59;
	v51 =	vmul.f32 $8.000000000e+00, v55;
	v55 =	vld [tilespmem:s28+$0xFFFFFE80];
	[tilespmem:v53+s23+$0x0] =	vst.idx.msk $0xffff, v61;
	v53 =	vadd.s32 v31, v35  }
0x12a: {  	[tilespmem:v36+s23+$0x0] =	vst.idx.msk $0xffff, v47;
	v56 =	vadd.s32 v3, v35;
	v57 =	vld [tilespmem:s28+$0xFFFFFF80]  }
0x12b: {  	v59 =	vadd.s32 v7, v35;
	[tilespmem:v63+s23+$0x0] =	vst.idx.msk $0xffff, v54;
	v58 =	vmul.f32 $8.000000000e+00, v38;
	v52 =	vld [tilespmem:s28+$0xFFFFFFC0]  }
0x12c: {  	v39 =	vmul.f32 $8.000000000e+00, v39;
	[tilespmem:v60+s23+$0x0] =	vst.idx.msk $0xffff, v51;
	v60 =	vadd.s32 v23, v35  }
0x12d: {  	[tilespmem:v50+s23+$0x0] =	vst.idx.msk $0xffff, v58;
	v61 =	vmul.f32 $8.000000000e+00, v49  }
0x12e: {  	v63 =	vmul.f32 $8.000000000e+00, v55;
	[tilespmem:v53+s23+$0x0] =	vst.idx.msk $0xffff, v39  }
0x12f: {  	v32 =	vmul.f32 $8.000000000e+00, v57;
	[tilespmem:v56+s23+$0x0] =	vst.idx.msk $0xffff, v61  }
0x130: {  	[tilespmem:v59+s23+$0x0] =	vst.idx.msk $0xffff, v63;
	v62 =	vmul.f32 $8.000000000e+00, v52  }
0x131: {  	[tilespmem:v60+s23+$0x0] =	vst.idx.msk $0xffff, v32  }
0x132: {  	s28 =	sshll.u32 s26, $0x13;
	[tilespmem:v33+s23+$0x0] =	vst.idx.msk $0xffff, v62  }
0x133: {  	s0 =	sor.u32 s9, s28;
	_ =	swait.ge [sflag:s24], $0x2000  }
0x134: {  	s0 =	sshrl.u32 s0, $0x3;
	[sflag:s24] =	ssyncset.done $0x0  }
0x135: {  	s7 =	simm.s32 $0x6300;
	s31 =	sadd.s32 s0, s14;
	[sflag:s24] =	ssyncadd.s32 $0xFFFFE000  }
0x136: {  	[hbm4b:s31+s3] =	stream.linear.scatter [tilespmem:s7], [sflag:$0x3], $0x80, $0x38;
	[tilespmem:$0x8500] =	vst v63  }
0x137: {  	s8 =	simm.s32 $0x6388;
	s2 =	sadd.s32 $0x10, s31  }
0x138: {  	[hbm4b:s2+s3] =	stream.linear.scatter [tilespmem:s8], [sflag:$0x3], $0x80, $0x38;
	[tilespmem:$0x8500] =	vst v63  }
0x139: {  	s7 =	simm.s32 $0x6410;
	s8 =	sadd.s32 $0x20, s31  }
0x13a: {  	[hbm4b:s8+s3] =	stream.linear.scatter [tilespmem:s7], [sflag:$0x3], $0x80, $0x38;
	[tilespmem:$0x8500] =	vst v63  }
0x13b: {  	s7 =	simm.s32 $0x6498;
	s8 =	sadd.s32 $0x30, s31  }
0x13c: {  	[hbm4b:s8+s3] =	stream.linear.scatter [tilespmem:s7], [sflag:$0x3], $0x80, $0x38;
	[tilespmem:$0x8500] =	vst v63  }
0x13d: {  	s7 =	simm.s32 $0x6520;
	s8 =	sadd.s32 $0x40, s31  }
0x13e: {  	[hbm4b:s8+s3] =	stream.linear.scatter [tilespmem:s7], [sflag:$0x3], $0x80, $0x38;
	[tilespmem:$0x8500] =	vst v63  }
0x13f: {  	s30 =	simm.s32 $0x440;
	s7 =	simm.s32 $0x65A8;
	s8 =	sadd.s32 $0x50, s31  }
0x140: {  	[hbm4b:s8+s3] =	stream.linear.scatter [tilespmem:s7], [sflag:$0x3], $0x80, $0x38;
	[tilespmem:$0x8500] =	vst v63  }
0x141: {  	s0 =	simm.s32 $0x2200;
	s7 =	simm.s32 $0x6630;
	s8 =	sadd.s32 $0x60, s31  }
0x142: {  	[hbm4b:s8+s3] =	stream.linear.scatter [tilespmem:s7], [sflag:$0x3], $0x80, $0x38;
	[tilespmem:$0x8500] =	vst v63  }
0x143: {  	s2 =	simm.s32 $0x66B8;
	s7 =	sadd.s32 $0x70, s31;
	s31 =	sadd.s32 $0x1000, s31  }
.LBB2_9:
0x144: {  	[hbm4b:s7+s3] =	stream.linear.scatter [tilespmem:s2], [sflag:$0x3], $0x80, $0x38;
	[tilespmem:$0x8500] =	vst v63  }
0x145: {  	s2 =	smov.u32 s30;
	s7 =	smov.u32 s0  }
0x146: {  	s8 =	sadd.s32 $0x1100, s0;
	s30 =	sshra.s32 s7, $0x2;
	s7 =	sadd.s32 $0x6300, s2  }
0x147: {  	[hbm4b:s31+s3] =	stream.linear.scatter [tilespmem:s7], [sflag:$0x3], $0x80, $0x38;
	[tilespmem:$0x8500] =	vst v63  }
0x148: {  	p0 =	sne.s32 s0, $0x7700;
	s0 =	sadd.s32 $0x6388, s2;
	s7 =	sadd.s32 $0x10, s31  }
0x149: {  	[hbm4b:s7+s3] =	stream.linear.scatter [tilespmem:s0], [sflag:$0x3], $0x80, $0x38;
	[tilespmem:$0x8500] =	vst v63  }
0x14a: {  	s0 =	sadd.s32 $0x6410, s2;
	s7 =	sadd.s32 $0x20, s31  }
0x14b: {  	[hbm4b:s7+s3] =	stream.linear.scatter [tilespmem:s0], [sflag:$0x3], $0x80, $0x38;
	[tilespmem:$0x8500] =	vst v63  }
0x14c: {  	s0 =	sadd.s32 $0x6498, s2;
	s7 =	sadd.s32 $0x30, s31  }
0x14d: {  	[hbm4b:s7+s3] =	stream.linear.scatter [tilespmem:s0], [sflag:$0x3], $0x80, $0x38;
	[tilespmem:$0x8500] =	vst v63  }
0x14e: {  	s0 =	sadd.s32 $0x6520, s2;
	s7 =	sadd.s32 $0x40, s31  }
0x14f: {  	[hbm4b:s7+s3] =	stream.linear.scatter [tilespmem:s0], [sflag:$0x3], $0x80, $0x38;
	[tilespmem:$0x8500] =	vst v63  }
.Ltmp3:
0x150: {  	s0 =	sadd.s32 $0x65A8, s2;
	s7 =	sadd.s32 $0x50, s31;
	(pc) =	sbr.rel @p0 .LBB2_9-.Ltmp3, $4  }
0x151: {  	[hbm4b:s7+s3] =	stream.linear.scatter [tilespmem:s0], [sflag:$0x3], $0x80, $0x38;
	[tilespmem:$0x8500] =	vst v63  }
0x152: {  	s0 =	sadd.s32 $0x6630, s2;
	s7 =	sadd.s32 $0x60, s31;
	s2 =	sadd.s32 $0x66B8, s2  }
0x153: {  	[hbm4b:s7+s3] =	stream.linear.scatter [tilespmem:s0], [sflag:$0x3], $0x80, $0x38;
	[tilespmem:$0x8500] =	vst v63  }
0x154: {  	s7 =	sadd.s32 $0x70, s31;
	s31 =	sadd.s32 $0x1000, s31;
	s0 =	smov.u32 s8  }
0x155: {  	[hbm4b:s7+s3] =	stream.linear.scatter [tilespmem:s2], [sflag:$0x3], $0x80, $0x38;
	[tilespmem:$0x8500] =	vst v63  }
0x156: {  	s0 =	sadd.s32 $0x6300, s30  }
0x157: {  	[hbm4b:s31+s3] =	stream.linear.scatter [tilespmem:s0], [sflag:$0x3], $0x80, $0x38;
	[tilespmem:$0x8500] =	vst v63  }
0x158: {  	s7 =	sadd.s32 $0x6388, s30;
	s8 =	sadd.s32 $0x10, s31  }
0x159: {  	[hbm4b:s8+s3] =	stream.linear.scatter [tilespmem:s7], [sflag:$0x3], $0x80, $0x38;
	[tilespmem:$0x8500] =	vst v63  }
0x15a: {  	s7 =	sadd.s32 $0x6410, s30;
	s8 =	sadd.s32 $0x20, s31  }
0x15b: {  	[hbm4b:s8+s3] =	stream.linear.scatter [tilespmem:s7], [sflag:$0x3], $0x80, $0x38;
	[tilespmem:$0x8500] =	vst v63  }
0x15c: {  	s7 =	sadd.s32 $0x6498, s30;
	s8 =	sadd.s32 $0x30, s31  }
0x15d: {  	[hbm4b:s8+s3] =	stream.linear.scatter [tilespmem:s7], [sflag:$0x3], $0x80, $0x38;
	[tilespmem:$0x8500] =	vst v63  }
0x15e: {  	s7 =	sadd.s32 $0x6520, s30;
	s8 =	sadd.s32 $0x40, s31  }
0x15f: {  	[hbm4b:s8+s3] =	stream.linear.scatter [tilespmem:s7], [sflag:$0x3], $0x80, $0x38;
	[tilespmem:$0x8500] =	vst v63  }
0x160: {  	s7 =	sadd.s32 $0x65A8, s30;
	s8 =	sadd.s32 $0x50, s31  }
0x161: {  	[hbm4b:s8+s3] =	stream.linear.scatter [tilespmem:s7], [sflag:$0x3], $0x80, $0x38;
	[tilespmem:$0x8500] =	vst v63  }
0x162: {  	s7 =	sadd.s32 $0x6630, s30;
	s8 =	sadd.s32 $0x60, s31  }
0x163: {  	[hbm4b:s8+s3] =	stream.linear.scatter [tilespmem:s7], [sflag:$0x3], $0x80, $0x38;
	[tilespmem:$0x8500] =	vst v63  }
0x164: {  	s7 =	sadd.s32 $0x66B8, s30;
	s8 =	sadd.s32 $0x70, s31  }
0x165: {  	[hbm4b:s8+s3] =	stream.linear.scatter [tilespmem:s7], [sflag:$0x3], $0x80, $0x38;
	[tilespmem:$0x8500] =	vst v63  }
0x166: {  	_ =	swait.ge [sflag:s17], $0x80  }
0x167: {  	[sflag:s17] =	ssyncset.done $0x0  }
0x168: {  	[sflag:s17] =	ssyncadd.s32 $0xFFFFFF80  }
0x169: {  	p0 =	seq.s32 s26, $0x62;
	_ =	swait.ge [sflag:s20], $0x2000  }
0x16a: {  	s0 =	sadd.s32 @!p0 s12, s29;
	[sflag:s20] =	ssyncset.done $0x0  }
0x16b: {  	s0 =	sshrl.u32 @!p0 s0, $0x3;
	[sflag:s20] =	ssyncadd.s32 $0xFFFFE000  }
0x16c: {  	[tilespmem:s21], [sflag:$0x2] =	stream.indirect.gather [hbm4b:s5+s18], $0x40, s18, s18, $0xb8;
	[tilespmem:$0x8500] =	vst v63  }
0x16d: {  	s2 =	simm.s32 @!p0 $0x0;
	s0 =	sadd.s32 @!p0 s4, s0;
	s30 =	simm.s32 $0x200  }
0x16e: {  	[tilespmem:s2], [sflag:$0x1] =	stream.linear.gather @!p0 [hbm4b:s0+s2], $0x80, $0x38;
	[tilespmem:$0x8500] =	vst v63  }
0x16f: {  	v32 =	vld [tilespmem:s30+$0xFFFFFF80]  }
0x170: {  	v34 =	vld [tilespmem:s30+$0x40]  }
0x171: {  	v36 =	vld [tilespmem:s30+$0xC0]  }
0x172: {  	v35 =	vimm.s32 $0x0;
	v37 =	vld [tilespmem:s30+$0x0]  }
0x173: {  	v33 =	vadd.s32 v8, v35;
	v41 =	vld [tilespmem:s30+$0xFFFFFF00]  }
0x174: {  	v42 =	vadd.s32 v16, v35;
	v39 =	vld [tilespmem:s30+$0xFFFFFFC0]  }
0x175: {  	v57 =	vadd.s32 v0, v35;
	v45 =	vld [tilespmem:s30+$0xFFFFFF40]  }
0x176: {  	v40 =	vadd.s32 v28, v35;
	s29 =	simm.s32 $0x400;
	v43 =	vld [tilespmem:s30+$0x80];
	v32 =	vmul.f32 $8.000000000e+00, v32  }
0x177: {  	v49 =	vld [tilespmem:s29+$0xFFFFFF80];
	v58 =	vmul.f32 $8.000000000e+00, v37  }
0x178: {  	v56 =	vadd.s32 v12, v35;
	v62 =	vmul.f32 $8.000000000e+00, v41;
	[tilespmem:v33+s22+$0x0] =	vst.idx.msk $0xffff, v32;
	v32 =	vld [tilespmem:s29+$0x80]  }
0x179: {  	v36 =	vmul.f32 $8.000000000e+00, v36;
	[tilespmem:v42+s22+$0x0] =	vst.idx.msk $0xffff, v58;
	v58 =	vld [tilespmem:s29+$0x40]  }
0x17a: {  	[tilespmem:v57+s22+$0x0] =	vst.idx.msk $0xffff, v62;
	v57 =	vmul.f32 $8.000000000e+00, v45;
	v45 =	vld [tilespmem:s29+$0x0]  }
0x17b: {  	v38 =	vadd.s32 v20, v35;
	v59 =	vmul.f32 $8.000000000e+00, v39;
	[tilespmem:v40+s22+$0x0] =	vst.idx.msk $0xffff, v36;
	v40 =	vld [tilespmem:s29+$0xC0]  }
0x17c: {  	v54 =	vadd.s32 v4, v35;
	v44 =	vld [tilespmem:s30+$0xFFFFFF90]  }
0x17d: {  	[tilespmem:v56+s22+$0x0] =	vst.idx.msk $0xffff, v59;
	v61 =	vld [tilespmem:s30+$0xD0]  }
0x17e: {  	v48 =	vadd.s32 v24, v35;
	v55 =	vmul.f32 $8.000000000e+00, v34;
	v53 =	vld [tilespmem:s30+$0xFFFFFFD0]  }
0x17f: {  	v60 =	vadd.s32 v9, v35;
	v63 =	vld [tilespmem:s30+$0x10]  }
0x180: {  	[tilespmem:v38+s22+$0x0] =	vst.idx.msk $0xffff, v55;
	v56 =	vadd.s32 v13, v35;
	v55 =	vld [tilespmem:s30+$0xFFFFFF10]  }
0x181: {  	v47 =	vadd.s32 v29, v35;
	v43 =	vmul.f32 $8.000000000e+00, v43;
	v38 =	vld [tilespmem:s30+$0x50];
	[tilespmem:v54+s22+$0x0] =	vst.idx.msk $0xffff, v57  }
0x182: {  	v46 =	vadd.s32 v1, v35;
	v42 =	vld [tilespmem:s30+$0xFFFFFF50];
	v52 =	vmul.f32 $8.000000000e+00, v44  }
0x183: {  	v59 =	vadd.s32 v21, v35;
	[tilespmem:v48+s22+$0x0] =	vst.idx.msk $0xffff, v43;
	v54 =	vmul.f32 $8.000000000e+00, v49;
	v49 =	vld [tilespmem:s29+$0xFFFFFF40];
	v34 =	vmul.f32 $8.000000000e+00, v53  }
0x184: {  	v50 =	vadd.s32 v5, v35;
	v39 =	vmul.f32 $8.000000000e+00, v61;
	v33 =	vmul.f32 $8.000000000e+00, v63;
	v63 =	vld [tilespmem:s30+$0x90];
	[tilespmem:v60+s22+$0x0] =	vst.idx.msk $0xffff, v52  }
0x185: {  	v41 =	vmul.f32 $8.000000000e+00, v55;
	[tilespmem:v56+s22+$0x0] =	vst.idx.msk $0xffff, v34;
	v52 =	vld [tilespmem:s29+$0xFFFFFF00];
	v60 =	vadd.s32 v17, v35  }
0x186: {  	v38 =	vmul.f32 $8.000000000e+00, v38;
	v34 =	vadd.s32 $0x8, v35;
	[tilespmem:v47+s22+$0x0] =	vst.idx.msk $0xffff, v39;
	v47 =	vld [tilespmem:s29+$0xFFFFFFC0];
	v56 =	vadd.s32 v25, v35  }
0x187: {  	[tilespmem:v46+s22+$0x0] =	vst.idx.msk $0xffff, v41;
	v42 =	vmul.f32 $8.000000000e+00, v42;
	v36 =	vld [tilespmem:s30+$0xFFFFFFA0];
	v61 =	vadd.s32 v8, v34  }
0x188: {  	[tilespmem:v59+s22+$0x0] =	vst.idx.msk $0xffff, v38;
	v51 =	vld [tilespmem:s30+$0xFFFFFFE0];
	v62 =	vadd.s32 v20, v34  }
0x189: {  	v46 =	vld [tilespmem:s30+$0xFFFFFF20];
	[tilespmem:v50+s22+$0x0] =	vst.idx.msk $0xffff, v42;
	v50 =	vadd.s32 v28, v34;
	v37 =	vmul.f32 $8.000000000e+00, v63  }
0x18a: {  	v53 =	vadd.s32 v10, v35;
	v42 =	vld [tilespmem:s30+$0xE0];
	[tilespmem:v60+s22+$0x0] =	vst.idx.msk $0xffff, v33  }
0x18b: {  	v58 =	vmul.f32 $8.000000000e+00, v58;
	v55 =	vadd.s32 v2, v35;
	v33 =	vld [tilespmem:s30+$0x60];
	[tilespmem:v56+s22+$0x0] =	vst.idx.msk $0xffff, v37  }
0x18c: {  	v40 =	vmul.f32 $8.000000000e+00, v40;
	v59 =	vadd.s32 v14, v35;
	[tilespmem:v61+s22+$0x0] =	vst.idx.msk $0xffff, v54;
	v63 =	vld [tilespmem:s30+$0x20]  }
0x18d: {  	v36 =	vmul.f32 $8.000000000e+00, v36;
	v61 =	vadd.s32 v22, v35;
	[tilespmem:v62+s22+$0x0] =	vst.idx.msk $0xffff, v58;
	v39 =	vld [tilespmem:s30+$0xA0]  }
0x18e: {  	v38 =	vadd.s32 v30, v35;
	v60 =	vmul.f32 $8.000000000e+00, v46;
	v46 =	vld [tilespmem:s29+$0xFFFFFF90];
	[tilespmem:v50+s22+$0x0] =	vst.idx.msk $0xffff, v40  }
0x18f: {  	v57 =	vadd.s32 v12, v34;
	v62 =	vmul.f32 $8.000000000e+00, v51;
	v54 =	vld [tilespmem:s29+$0x50];
	[tilespmem:v53+s22+$0x0] =	vst.idx.msk $0xffff, v36  }
0x190: {  	v58 =	vadd.s32 v16, v34;
	[tilespmem:v55+s22+$0x0] =	vst.idx.msk $0xffff, v60;
	v53 =	vld [tilespmem:s30+$0xFFFFFF60];
	v33 =	vmul.f32 $8.000000000e+00, v33  }
0x191: {  	v44 =	vadd.s32 v18, v35;
	[tilespmem:v59+s22+$0x0] =	vst.idx.msk $0xffff, v62;
	v59 =	vmul.f32 $8.000000000e+00, v42;
	v62 =	vmul.f32 $8.000000000e+00, v45;
	v45 =	vld [tilespmem:s29+$0xD0]  }
0x192: {  	v60 =	vmul.f32 $8.000000000e+00, v47;
	v43 =	vld [tilespmem:s30+$0xFFFFFFB0];
	[tilespmem:v61+s22+$0x0] =	vst.idx.msk $0xffff, v33;
	v61 =	vadd.s32 v26, v35  }
0x193: {  	v55 =	vadd.s32 v0, v34;
	v42 =	vld [tilespmem:s30+$0xFFFFFFF0];
	[tilespmem:v38+s22+$0x0] =	vst.idx.msk $0xffff, v59  }
0x194: {  	v51 =	vadd.s32 v6, v35;
	v38 =	vld [tilespmem:s30+$0xFFFFFF30];
	[tilespmem:v57+s22+$0x0] =	vst.idx.msk $0xffff, v60;
	v63 =	vmul.f32 $8.000000000e+00, v63  }
0x195: {  	v56 =	vadd.s32 v15, v35;
	[tilespmem:v58+s22+$0x0] =	vst.idx.msk $0xffff, v62;
	v48 =	vmul.f32 $8.000000000e+00, v39;
	v57 =	vld [tilespmem:s30+$0xF0]  }
0x196: {  	v41 =	vmul.f32 $8.000000000e+00, v49;
	v50 =	vmul.f32 $8.000000000e+00, v52;
	v52 =	vadd.s32 v9, v34;
	v40 =	vld [tilespmem:s29+$0x10];
	[tilespmem:v44+s22+$0x0] =	vst.idx.msk $0xffff, v63  }
0x197: {  	v49 =	vadd.s32 v19, v35;
	v58 =	vadd.s32 v11, v35;
	v60 =	vmul.f32 $8.000000000e+00, v53;
	v59 =	vld [tilespmem:s30+$0x30];
	[tilespmem:v61+s22+$0x0] =	vst.idx.msk $0xffff, v48  }
0x198: {  	v36 =	vadd.s32 v27, v35;
	[tilespmem:v55+s22+$0x0] =	vst.idx.msk $0xffff, v50;
	v50 =	vadd.s32 v4, v34;
	v62 =	vmul.f32 $8.000000000e+00, v42;
	v47 =	vld [tilespmem:s30+$0xB0]  }
0x199: {  	v39 =	vadd.s32 v23, v35;
	[tilespmem:v51+s22+$0x0] =	vst.idx.msk $0xffff, v60;
	v61 =	vmul.f32 $8.000000000e+00, v46;
	v46 =	vld [tilespmem:s29+$0xFFFFFFD0];
	v48 =	vadd.s32 v29, v34  }
0x19a: {  	v33 =	vadd.s32 v27, v34;
	v37 =	vmul.f32 $8.000000000e+00, v54;
	v63 =	vmul.f32 $8.000000000e+00, v43;
	v44 =	vld [tilespmem:s30+$0xFFFFFF70];
	[tilespmem:v56+s22+$0x0] =	vst.idx.msk $0xffff, v62  }
0x19b: {  	v53 =	vmul.f32 $8.000000000e+00, v45;
	v42 =	vadd.s32 v7, v35;
	v43 =	vld [tilespmem:s30+$0x70];
	[tilespmem:v52+s22+$0x0] =	vst.idx.msk $0xffff, v61;
	v52 =	vadd.s32 v31, v35  }
0x19c: {  	s31 =	simm.s32 $0x600;
	v45 =	vld [tilespmem:s29+$0xFFFFFF10];
	v51 =	vadd.s32 v3, v35;
	[tilespmem:v58+s22+$0x0] =	vst.idx.msk $0xffff, v63;
	v54 =	vmul.f32 $8.000000000e+00, v57;
	s30 =	simm.s32 $0x8;
	v55 =	vmul.f32 $8.000000000e+00, v59;
	v35 =	vmovc v34  }
.LBB2_11:
0x19d: {  	s30 =	sadd.s32 $0x8, s30;
	[tilespmem:v50+s22+$0x0] =	vst.idx.msk $0xffff, v41;
	v41 =	vmul.f32 $8.000000000e+00, v32;
	v32 =	vld [tilespmem:s31+$0x80];
	v34 =	vadd.s32 $0x8, v34;
	v47 =	vmul.f32 $8.000000000e+00, v47  }
0x19e: {  	v56 =	vadd.s32 v13, v35;
	v40 =	vmul.f32 $8.000000000e+00, v40;
	p0 =	slt.u32 s30, $0x78;
	v50 =	vld [tilespmem:s29+$0xFFFFFFA0];
	v46 =	vmul.f32 $8.000000000e+00, v46;
	[tilespmem:v48+s22+$0x0] =	vst.idx.msk $0xffff, v53  }
0x19f: {  	v38 =	vmul.f32 $8.000000000e+00, v38;
	v48 =	vadd.s32 v8, v34;
	v53 =	vld [tilespmem:s31+$0x40];
	v44 =	vmul.f32 $8.000000000e+00, v44;
	[tilespmem:v49+s22+$0x0] =	vst.idx.msk $0xffff, v55  }
0x1a0: {  	v57 =	vadd.s32 v1, v35;
	v49 =	vadd.s32 v0, v34;
	v55 =	vld [tilespmem:s31+$0x0];
	v43 =	vmul.f32 $8.000000000e+00, v43;
	[tilespmem:v52+s22+$0x0] =	vst.idx.msk $0xffff, v54  }
0x1a1: {  	v52 =	vadd.s32 v27, v34;
	v54 =	vld [tilespmem:s31+$0xC0];
	[tilespmem:v51+s22+$0x0] =	vst.idx.msk $0xffff, v38  }
0x1a2: {  	v38 =	vmul.f32 $8.000000000e+00, v45;
	v51 =	vadd.s32 v24, v35;
	v45 =	vld [tilespmem:s29+$0xFFFFFF50];
	[tilespmem:v36+s22+$0x0] =	vst.idx.msk $0xffff, v47;
	v36 =	vmovc v33;
	v33 =	vmov v52  }
0x1a3: {  	v47 =	vld [tilespmem:s31+$0xFFFFFF80];
	[tilespmem:v56+s22+$0x0] =	vst.idx.msk $0xffff, v46;
	v46 =	vadd.s32 v21, v35  }
0x1a4: {  	v52 =	vadd.s32 v5, v35;
	v50 =	vmul.f32 $8.000000000e+00, v50;
	v56 =	vld [tilespmem:s29+$0xFFFFFFE0];
	[tilespmem:v42+s22+$0x0] =	vst.idx.msk $0xffff, v44  }
0x1a5: {  	v42 =	vld [tilespmem:s31+$0xFFFFFF00];
	[tilespmem:v57+s22+$0x0] =	vst.idx.msk $0xffff, v38;
	v38 =	vadd.s32 v17, v35  }
0x1a6: {  	v44 =	vld [tilespmem:s29+$0xFFFFFF20];
	[tilespmem:v39+s22+$0x0] =	vst.idx.msk $0xffff, v43  }
0x1a7: {  	v39 =	vld [tilespmem:s31+$0xFFFFFFC0];
	v43 =	vmul.f32 $8.000000000e+00, v45;
	v45 =	vadd.s32 v10, v35;
	[tilespmem:v51+s22+$0x0] =	vst.idx.msk $0xffff, v41  }
0x1a8: {  	v41 =	vmul.f32 $8.000000000e+00, v47;
	v47 =	vadd.s32 v20, v34;
	[tilespmem:v46+s22+$0x0] =	vst.idx.msk $0xffff, v37;
	v37 =	vld [tilespmem:s29+$0x90]  }
0x1a9: {  	v51 =	vadd.s32 v2, v35;
	v46 =	vadd.s32 v28, v34;
	[tilespmem:v52+s22+$0x0] =	vst.idx.msk $0xffff, v43;
	v43 =	vld [tilespmem:s29+$0xE0]  }
0x1aa: {  	[tilespmem:v38+s22+$0x0] =	vst.idx.msk $0xffff, v40;
	v38 =	vld [tilespmem:s29+$0x60];
	v40 =	vadd.s32 v25, v35  }
0x1ab: {  	v52 =	vld [tilespmem:s31+$0xFFFFFF40];
	[tilespmem:v48+s22+$0x0] =	vst.idx.msk $0xffff, v41;
	v41 =	vmul.f32 $8.000000000e+00, v53;
	v44 =	vmul.f32 $8.000000000e+00, v44;
	v48 =	vadd.s32 v14, v35  }
0x1ac: {  	v54 =	vmul.f32 $8.000000000e+00, v54;
	v53 =	vld [tilespmem:s31+$0xFFFFFF90];
	[tilespmem:v45+s22+$0x0] =	vst.idx.msk $0xffff, v50;
	v45 =	vadd.s32 v22, v35  }
0x1ad: {  	v39 =	vmul.f32 $8.000000000e+00, v39;
	v50 =	vadd.s32 v30, v35;
	[tilespmem:v47+s22+$0x0] =	vst.idx.msk $0xffff, v41;
	v47 =	vld [tilespmem:s29+$0xFFFFFFB0];
	v37 =	vmul.f32 $8.000000000e+00, v37  }
0x1ae: {  	v55 =	vmul.f32 $8.000000000e+00, v55;
	v41 =	vmul.f32 $8.000000000e+00, v56;
	[tilespmem:v51+s22+$0x0] =	vst.idx.msk $0xffff, v44;
	v44 =	vld [tilespmem:s29+$0x20]  }
0x1af: {  	v51 =	vadd.s32 v12, v34;
	v56 =	vld [tilespmem:s29+$0xFFFFFF60];
	v38 =	vmul.f32 $8.000000000e+00, v38;
	[tilespmem:v40+s22+$0x0] =	vst.idx.msk $0xffff, v37  }
0x1b0: {  	v43 =	vmul.f32 $8.000000000e+00, v43;
	v37 =	vadd.s32 v16, v34;
	[tilespmem:v48+s22+$0x0] =	vst.idx.msk $0xffff, v41;
	v40 =	vld [tilespmem:s29+$0xA0]  }
0x1b1: {  	v57 =	vadd.s32 v18, v35;
	v48 =	vld [tilespmem:s29+$0xFFFFFFF0];
	[tilespmem:v45+s22+$0x0] =	vst.idx.msk $0xffff, v38  }
0x1b2: {  	v41 =	vmul.f32 $8.000000000e+00, v52;
	v52 =	vadd.s32 v26, v35;
	v45 =	vld [tilespmem:s31+$0x50];
	[tilespmem:v50+s22+$0x0] =	vst.idx.msk $0xffff, v43  }
0x1b3: {  	[tilespmem:v46+s22+$0x0] =	vst.idx.msk $0xffff, v54;
	v38 =	vld [tilespmem:s29+$0xFFFFFF30]  }
0x1b4: {  	v44 =	vmul.f32 $8.000000000e+00, v44;
	[tilespmem:v51+s22+$0x0] =	vst.idx.msk $0xffff, v39;
	v43 =	vld [tilespmem:s31+$0xD0];
	v39 =	vmul.f32 $8.000000000e+00, v56;
	v51 =	vadd.s32 v6, v35  }
0x1b5: {  	v53 =	vmul.f32 $8.000000000e+00, v53;
	v54 =	vadd.s32 v15, v35;
	[tilespmem:v37+s22+$0x0] =	vst.idx.msk $0xffff, v55;
	v37 =	vmul.f32 $8.000000000e+00, v40;
	v56 =	vld [tilespmem:s29+$0xF0]  }
0x1b6: {  	v42 =	vmul.f32 $8.000000000e+00, v42;
	v55 =	vadd.s32 v9, v34;
	v40 =	vld [tilespmem:s31+$0x10];
	[tilespmem:v57+s22+$0x0] =	vst.idx.msk $0xffff, v44  }
0x1b7: {  	v58 =	vadd.s32 v11, v35;
	v57 =	vmul.f32 $8.000000000e+00, v47;
	v59 =	vld [tilespmem:s29+$0x30];
	[tilespmem:v52+s22+$0x0] =	vst.idx.msk $0xffff, v37  }
.Ltmp4:
0x1b8: {  	v50 =	vadd.s32 v4, v34;
	v37 =	vmul.f32 $8.000000000e+00, v45;
	[tilespmem:v49+s22+$0x0] =	vst.idx.msk $0xffff, v42;
	v42 =	vmul.f32 $8.000000000e+00, v48;
	v47 =	vld [tilespmem:s29+$0xB0];
	(pc) =	sbr.rel @p0 .LBB2_11-.Ltmp4, $4  }
0x1b9: {  	v48 =	vadd.s32 v29, v34;
	v46 =	vld [tilespmem:s31+$0xFFFFFFD0];
	[tilespmem:v51+s22+$0x0] =	vst.idx.msk $0xffff, v39  }
0x1ba: {  	v49 =	vadd.s32 v19, v35;
	v39 =	vadd.s32 v23, v35;
	v44 =	vld [tilespmem:s29+$0xFFFFFF70];
	[tilespmem:v54+s22+$0x0] =	vst.idx.msk $0xffff, v42  }
0x1bb: {  	v52 =	vadd.s32 v31, v35;
	v42 =	vadd.s32 v7, v35;
	[tilespmem:v55+s22+$0x0] =	vst.idx.msk $0xffff, v53;
	v53 =	vmul.f32 $8.000000000e+00, v43;
	v43 =	vld [tilespmem:s29+$0x70];
	s29 =	smov.u32 s31  }
0x1bc: {  	v51 =	vadd.s32 v3, v35;
	v54 =	vmul.f32 $8.000000000e+00, v56;
	v35 =	vmovc v34;
	s31 =	sadd.s32 $0x200, s31;
	v45 =	vld [tilespmem:s29+$0xFFFFFF10];
	[tilespmem:v58+s22+$0x0] =	vst.idx.msk $0xffff, v57;
	v55 =	vmul.f32 $8.000000000e+00, v59  }
0x1bd: {  	_ =	sdelay $0x3  }
0x1be: {  	v34 =	vadd.s32 v24, v35;
	[tilespmem:v50+s22+$0x0] =	vst.idx.msk $0xffff, v41  }
0x1bf: {  	[tilespmem:v48+s22+$0x0] =	vst.idx.msk $0xffff, v53  }
0x1c0: {  	v57 =	vadd.s32 v13, v35;
	v38 =	vmul.f32 $8.000000000e+00, v38;
	[tilespmem:v49+s22+$0x0] =	vst.idx.msk $0xffff, v55  }
0x1c1: {  	v32 =	vmul.f32 $8.000000000e+00, v32;
	v58 =	vadd.s32 v17, v35;
	[tilespmem:v52+s22+$0x0] =	vst.idx.msk $0xffff, v54  }
0x1c2: {  	v62 =	vld [tilespmem:s29+$0xFFFFFF50];
	[tilespmem:v51+s22+$0x0] =	vst.idx.msk $0xffff, v38;
	v44 =	vmul.f32 $8.000000000e+00, v44  }
0x1c3: {  	v60 =	vadd.s32 v1, v35;
	v59 =	vmul.f32 $8.000000000e+00, v46;
	[tilespmem:v34+s22+$0x0] =	vst.idx.msk $0xffff, v32  }
0x1c4: {  	v63 =	vmul.f32 $8.000000000e+00, v40;
	v51 =	vadd.s32 v5, v35;
	[tilespmem:v42+s22+$0x0] =	vst.idx.msk $0xffff, v44;
	v61 =	vld [tilespmem:s29+$0x90]  }
0x1c5: {  	v53 =	vld [tilespmem:s29+$0xFFFFFFA0];
	v54 =	vadd.s32 v21, v35;
	v43 =	vmul.f32 $8.000000000e+00, v43;
	[tilespmem:v57+s22+$0x0] =	vst.idx.msk $0xffff, v59  }
0x1c6: {  	v49 =	vadd.s32 v25, v35;
	v50 =	vmul.f32 $8.000000000e+00, v45;
	[tilespmem:v58+s22+$0x0] =	vst.idx.msk $0xffff, v63;
	v52 =	vld [tilespmem:s29+$0xFFFFFFE0]  }
0x1c7: {  	[tilespmem:v39+s22+$0x0] =	vst.idx.msk $0xffff, v43;
	v59 =	vadd.s32 v10, v35;
	v57 =	vld [tilespmem:s29+$0x20];
	v58 =	vmul.f32 $8.000000000e+00, v62  }
0x1c8: {  	v55 =	vadd.s32 v14, v35;
	[tilespmem:v60+s22+$0x0] =	vst.idx.msk $0xffff, v50;
	v60 =	vld [tilespmem:s29+$0xE0]  }
0x1c9: {  	v62 =	vadd.s32 v18, v35;
	[tilespmem:v51+s22+$0x0] =	vst.idx.msk $0xffff, v58;
	v56 =	vmul.f32 $8.000000000e+00, v61;
	v61 =	vld [tilespmem:s29+$0xFFFFFF20]  }
0x1ca: {  	v63 =	vadd.s32 v30, v35;
	v42 =	vmul.f32 $8.000000000e+00, v53;
	[tilespmem:v54+s22+$0x0] =	vst.idx.msk $0xffff, v37;
	v51 =	vld [tilespmem:s29+$0xFFFFFF60]  }
0x1cb: {  	v50 =	vadd.s32 v2, v35;
	v48 =	vmul.f32 $8.000000000e+00, v52;
	v52 =	vld [tilespmem:s29+$0x60];
	[tilespmem:v49+s22+$0x0] =	vst.idx.msk $0xffff, v56  }
0x1cc: {  	[tilespmem:v59+s22+$0x0] =	vst.idx.msk $0xffff, v42;
	v38 =	vmul.f32 $8.000000000e+00, v57;
	v56 =	vadd.s32 v6, v35;
	v49 =	vld [tilespmem:s29+$0xA0]  }
0x1cd: {  	v58 =	vadd.s32 v22, v35;
	v54 =	vmul.f32 $8.000000000e+00, v60;
	v59 =	vld [tilespmem:s29+$0xFFFFFFB0];
	[tilespmem:v55+s22+$0x0] =	vst.idx.msk $0xffff, v48  }
0x1ce: {  	v53 =	vadd.s32 v26, v35;
	[tilespmem:v62+s22+$0x0] =	vst.idx.msk $0xffff, v38;
	v55 =	vld [tilespmem:s29+$0xFFFFFFF0];
	v57 =	vmul.f32 $8.000000000e+00, v61  }
0x1cf: {  	[tilespmem:v63+s22+$0x0] =	vst.idx.msk $0xffff, v54;
	v62 =	vmul.f32 $8.000000000e+00, v51  }
0x1d0: {  	v63 =	vadd.s32 v11, v35;
	v38 =	vld [tilespmem:s29+$0x30];
	v48 =	vmul.f32 $8.000000000e+00, v52;
	[tilespmem:v50+s22+$0x0] =	vst.idx.msk $0xffff, v57  }
0x1d1: {  	v60 =	vadd.s32 v15, v35;
	v39 =	vld [tilespmem:s29+$0xF0];
	[tilespmem:v56+s22+$0x0] =	vst.idx.msk $0xffff, v62;
	v61 =	vmul.f32 $8.000000000e+00, v49  }
0x1d2: {  	v47 =	vmul.f32 $8.000000000e+00, v47;
	v50 =	vadd.s32 v19, v35;
	[tilespmem:v58+s22+$0x0] =	vst.idx.msk $0xffff, v48;
	v49 =	vld [tilespmem:s29+$0xFFFFFF30]  }
0x1d3: {  	v54 =	vmul.f32 $8.000000000e+00, v59;
	v51 =	vmul.f32 $8.000000000e+00, v55;
	v55 =	vld [tilespmem:s29+$0xFFFFFF70];
	[tilespmem:v53+s22+$0x0] =	vst.idx.msk $0xffff, v61;
	v53 =	vadd.s32 v31, v35  }
0x1d4: {  	[tilespmem:v36+s22+$0x0] =	vst.idx.msk $0xffff, v47;
	v56 =	vadd.s32 v3, v35;
	v57 =	vld [tilespmem:s29+$0x70]  }
0x1d5: {  	v59 =	vadd.s32 v7, v35;
	[tilespmem:v63+s22+$0x0] =	vst.idx.msk $0xffff, v54;
	v58 =	vmul.f32 $8.000000000e+00, v38;
	v52 =	vld [tilespmem:s29+$0xB0]  }
0x1d6: {  	v39 =	vmul.f32 $8.000000000e+00, v39;
	[tilespmem:v60+s22+$0x0] =	vst.idx.msk $0xffff, v51;
	v60 =	vadd.s32 v23, v35  }
0x1d7: {  	[tilespmem:v50+s22+$0x0] =	vst.idx.msk $0xffff, v58;
	v61 =	vmul.f32 $8.000000000e+00, v49  }
0x1d8: {  	v63 =	vmul.f32 $8.000000000e+00, v55;
	[tilespmem:v53+s22+$0x0] =	vst.idx.msk $0xffff, v39  }
0x1d9: {  	v32 =	vmul.f32 $8.000000000e+00, v57;
	[tilespmem:v56+s22+$0x0] =	vst.idx.msk $0xffff, v61  }
0x1da: {  	[tilespmem:v59+s22+$0x0] =	vst.idx.msk $0xffff, v63;
	v62 =	vmul.f32 $8.000000000e+00, v52  }
0x1db: {  	[tilespmem:v60+s22+$0x0] =	vst.idx.msk $0xffff, v32  }
0x1dc: {  	[tilespmem:v33+s22+$0x0] =	vst.idx.msk $0xffff, v62  }
0x1dd: {  	s0 =	sadd.s32 s13, s28;
	_ =	swait.ge [sflag:s24], $0x2000  }
0x1de: {  	s0 =	sshrl.u32 s0, $0x3;
	[sflag:s24] =	ssyncset.done $0x0  }
0x1df: {  	s2 =	simm.s32 $0x4100;
	s8 =	sadd.s32 s1, s0;
	[sflag:s24] =	ssyncadd.s32 $0xFFFFE000  }
0x1e0: {  	[hbm4b:s8+s3] =	stream.linear.scatter [tilespmem:s2], [sflag:$0x3], $0x80, $0x38;
	[tilespmem:$0x8500] =	vst v63  }
0x1e1: {  	s7 =	simm.s32 $0x4188;
	s2 =	sadd.s32 $0x10, s8  }
0x1e2: {  	[hbm4b:s2+s3] =	stream.linear.scatter [tilespmem:s7], [sflag:$0x3], $0x80, $0x38;
	[tilespmem:$0x8500] =	vst v63  }
0x1e3: {  	s30 =	simm.s32 $0x4210;
	s28 =	simm.s32 $0x440;
	s31 =	sadd.s32 $0x20, s8  }
0x1e4: {  	[hbm4b:s31+s3] =	stream.linear.scatter [tilespmem:s30], [sflag:$0x3], $0x80, $0x38;
	[tilespmem:$0x8500] =	vst v63  }
0x1e5: {  	s0 =	simm.s32 $0x2200;
	s2 =	simm.s32 $0x4298;
	s7 =	sadd.s32 $0x30, s8  }
0x1e6: {  	[hbm4b:s7+s3] =	stream.linear.scatter [tilespmem:s2], [sflag:$0x3], $0x80, $0x38;
	[tilespmem:$0x8500] =	vst v63  }
0x1e7: {  	s29 =	sadd.s32 $0x1000, s8;
	s30 =	simm.s32 $0x4320;
	s31 =	sadd.s32 $0x40, s8  }
0x1e8: {  	[hbm4b:s31+s3] =	stream.linear.scatter [tilespmem:s30], [sflag:$0x3], $0x80, $0x38;
	[tilespmem:$0x8500] =	vst v63  }
0x1e9: {  	s2 =	simm.s32 $0x43A8;
	s7 =	sadd.s32 $0x50, s8;
	s30 =	simm.s32 $0x4430  }
0x1ea: {  	[hbm4b:s7+s3] =	stream.linear.scatter [tilespmem:s2], [sflag:$0x3], $0x80, $0x38;
	[tilespmem:$0x8500] =	vst v63  }
0x1eb: {  	s31 =	sadd.s32 $0x60, s8;
	s2 =	simm.s32 $0x44B8;
	s7 =	sadd.s32 $0x70, s8  }
0x1ec: {  	[hbm4b:s31+s3] =	stream.linear.scatter [tilespmem:s30], [sflag:$0x3], $0x80, $0x38;
	[tilespmem:$0x8500] =	vst v63  }
.LBB2_13:
0x1ed: {  	[hbm4b:s7+s3] =	stream.linear.scatter [tilespmem:s2], [sflag:$0x3], $0x80, $0x38;
	[tilespmem:$0x8500] =	vst v63  }
0x1ee: {  	s2 =	smov.u32 s28;
	s7 =	smov.u32 s0  }
0x1ef: {  	s8 =	sadd.s32 $0x1100, s0;
	s28 =	sshra.s32 s7, $0x2;
	s7 =	sadd.s32 $0x4100, s2  }
0x1f0: {  	[hbm4b:s29+s3] =	stream.linear.scatter [tilespmem:s7], [sflag:$0x3], $0x80, $0x38;
	[tilespmem:$0x8500] =	vst v63  }
0x1f1: {  	p0 =	sne.s32 s0, $0x7700;
	s0 =	sadd.s32 $0x4188, s2;
	s7 =	sadd.s32 $0x10, s29  }
0x1f2: {  	[hbm4b:s7+s3] =	stream.linear.scatter [tilespmem:s0], [sflag:$0x3], $0x80, $0x38;
	[tilespmem:$0x8500] =	vst v63  }
0x1f3: {  	s0 =	sadd.s32 $0x4210, s2;
	s7 =	sadd.s32 $0x20, s29  }
0x1f4: {  	[hbm4b:s7+s3] =	stream.linear.scatter [tilespmem:s0], [sflag:$0x3], $0x80, $0x38;
	[tilespmem:$0x8500] =	vst v63  }
0x1f5: {  	s0 =	sadd.s32 $0x4298, s2;
	s7 =	sadd.s32 $0x30, s29  }
0x1f6: {  	[hbm4b:s7+s3] =	stream.linear.scatter [tilespmem:s0], [sflag:$0x3], $0x80, $0x38;
	[tilespmem:$0x8500] =	vst v63  }
0x1f7: {  	s0 =	sadd.s32 $0x4320, s2;
	s7 =	sadd.s32 $0x40, s29  }
0x1f8: {  	[hbm4b:s7+s3] =	stream.linear.scatter [tilespmem:s0], [sflag:$0x3], $0x80, $0x38;
	[tilespmem:$0x8500] =	vst v63  }
.Ltmp5:
0x1f9: {  	s0 =	sadd.s32 $0x43A8, s2;
	s7 =	sadd.s32 $0x50, s29;
	(pc) =	sbr.rel @p0 .LBB2_13-.Ltmp5, $4  }
0x1fa: {  	[hbm4b:s7+s3] =	stream.linear.scatter [tilespmem:s0], [sflag:$0x3], $0x80, $0x38;
	[tilespmem:$0x8500] =	vst v63  }
0x1fb: {  	s0 =	sadd.s32 $0x4430, s2;
	s7 =	sadd.s32 $0x60, s29;
	s2 =	sadd.s32 $0x44B8, s2  }
0x1fc: {  	[hbm4b:s7+s3] =	stream.linear.scatter [tilespmem:s0], [sflag:$0x3], $0x80, $0x38;
	[tilespmem:$0x8500] =	vst v63  }
0x1fd: {  	s7 =	sadd.s32 $0x70, s29;
	s29 =	sadd.s32 $0x1000, s29;
	s0 =	smov.u32 s8  }
0x1fe: {  	[hbm4b:s7+s3] =	stream.linear.scatter [tilespmem:s2], [sflag:$0x3], $0x80, $0x38;
	[tilespmem:$0x8500] =	vst v63  }
0x1ff: {  	s0 =	sadd.s32 $0x4100, s28  }
0x200: {  	[hbm4b:s29+s3] =	stream.linear.scatter [tilespmem:s0], [sflag:$0x3], $0x80, $0x38;
	[tilespmem:$0x8500] =	vst v63  }
0x201: {  	s30 =	sadd.s32 $0x4188, s28;
	s31 =	sadd.s32 $0x10, s29  }
0x202: {  	[hbm4b:s31+s3] =	stream.linear.scatter [tilespmem:s30], [sflag:$0x3], $0x80, $0x38;
	[tilespmem:$0x8500] =	vst v63  }
0x203: {  	s7 =	sadd.s32 $0x4210, s28;
	s8 =	sadd.s32 $0x20, s29  }
0x204: {  	[hbm4b:s8+s3] =	stream.linear.scatter [tilespmem:s7], [sflag:$0x3], $0x80, $0x38;
	[tilespmem:$0x8500] =	vst v63  }
0x205: {  	s30 =	sadd.s32 $0x4298, s28;
	s31 =	sadd.s32 $0x30, s29  }
0x206: {  	[hbm4b:s31+s3] =	stream.linear.scatter [tilespmem:s30], [sflag:$0x3], $0x80, $0x38;
	[tilespmem:$0x8500] =	vst v63  }
0x207: {  	s26 =	sadd.s32 $0x1, s26;
	s7 =	sadd.s32 $0x4320, s28;
	s8 =	sadd.s32 $0x40, s29  }
0x208: {  	[hbm4b:s8+s3] =	stream.linear.scatter [tilespmem:s7], [sflag:$0x3], $0x80, $0x38;
	[tilespmem:$0x8500] =	vst v63  }
0x209: {  	p0 =	sne.s32 s26, $0x63;
	s30 =	sadd.s32 $0x43A8, s28;
	s31 =	sadd.s32 $0x50, s29  }
0x20a: {  	[hbm4b:s31+s3] =	stream.linear.scatter [tilespmem:s30], [sflag:$0x3], $0x80, $0x38;
	[tilespmem:$0x8500] =	vst v63  }
.Ltmp6:
0x20b: {  	_ = 	snop;
	(pc) =	sbr.rel @p0 .LBB2_6-.Ltmp6, $4  }
0x20c: {  	s7 =	sadd.s32 $0x4430, s28;
	s8 =	sadd.s32 $0x60, s29  }
0x20d: {  	[hbm4b:s8+s3] =	stream.linear.scatter [tilespmem:s7], [sflag:$0x3], $0x80, $0x38;
	[tilespmem:$0x8500] =	vst v63  }
0x20e: {  	s30 =	sadd.s32 $0x44B8, s28;
	s31 =	sadd.s32 $0x70, s29  }
0x20f: {  	[hbm4b:s31+s3] =	stream.linear.scatter [tilespmem:s30], [sflag:$0x3], $0x80, $0x38;
	[tilespmem:$0x8500] =	vst v63  }
0x210: {  	_ =	swait.ge [sflag:s20], $0x2000  }
0x211: {  	[sflag:s20] =	ssyncset.done $0x0  }
0x212: {  	s28 =	simm.s32 $0x22F0;
	[sflag:s20] =	ssyncadd.s32 $0xFFFFE000  }
0x213: {  	v32 =	vld [tilespmem:s28+$0xFFFFFE90]  }
0x214: {  	v34 =	vld [tilespmem:s28+$0xFFFFFF50]  }
0x215: {  	v36 =	vld [tilespmem:s28+$0xFFFFFFD0]  }
0x216: {  	v35 =	vimm.s32 $0x0;
	v37 =	vld [tilespmem:s28+$0xFFFFFF10]  }
0x217: {  	v33 =	vadd.s32 v8, v35;
	v41 =	vld [tilespmem:s28+$0xFFFFFE10]  }
0x218: {  	v42 =	vadd.s32 v16, v35;
	v39 =	vld [tilespmem:s28+$0xFFFFFED0]  }
0x219: {  	v57 =	vadd.s32 v0, v35;
	v45 =	vld [tilespmem:s28+$0xFFFFFE50]  }
0x21a: {  	s26 =	simm.s32 $0x24F0;
	v40 =	vadd.s32 v28, v35;
	v43 =	vld [tilespmem:s28+$0xFFFFFF90];
	v32 =	vmul.f32 $8.000000000e+00, v32  }
0x21b: {  	v49 =	vld [tilespmem:s26+$0xFFFFFE90];
	v58 =	vmul.f32 $8.000000000e+00, v37  }
0x21c: {  	v56 =	vadd.s32 v12, v35;
	v62 =	vmul.f32 $8.000000000e+00, v41;
	[tilespmem:v33+s23+$0x0] =	vst.idx.msk $0xffff, v32;
	v32 =	vld [tilespmem:s26+$0xFFFFFF90]  }
0x21d: {  	v36 =	vmul.f32 $8.000000000e+00, v36;
	[tilespmem:v42+s23+$0x0] =	vst.idx.msk $0xffff, v58;
	v58 =	vld [tilespmem:s26+$0xFFFFFF50]  }
0x21e: {  	[tilespmem:v57+s23+$0x0] =	vst.idx.msk $0xffff, v62;
	v57 =	vmul.f32 $8.000000000e+00, v45;
	v45 =	vld [tilespmem:s26+$0xFFFFFF10]  }
0x21f: {  	v38 =	vadd.s32 v20, v35;
	v59 =	vmul.f32 $8.000000000e+00, v39;
	[tilespmem:v40+s23+$0x0] =	vst.idx.msk $0xffff, v36;
	v40 =	vld [tilespmem:s26+$0xFFFFFFD0]  }
0x220: {  	v54 =	vadd.s32 v4, v35;
	v44 =	vld [tilespmem:s28+$0xFFFFFEA0]  }
0x221: {  	[tilespmem:v56+s23+$0x0] =	vst.idx.msk $0xffff, v59;
	v61 =	vld [tilespmem:s28+$0xFFFFFFE0]  }
0x222: {  	v48 =	vadd.s32 v24, v35;
	v55 =	vmul.f32 $8.000000000e+00, v34;
	v53 =	vld [tilespmem:s28+$0xFFFFFEE0]  }
0x223: {  	v60 =	vadd.s32 v9, v35;
	v63 =	vld [tilespmem:s28+$0xFFFFFF20]  }
0x224: {  	[tilespmem:v38+s23+$0x0] =	vst.idx.msk $0xffff, v55;
	v56 =	vadd.s32 v13, v35;
	v55 =	vld [tilespmem:s28+$0xFFFFFE20]  }
0x225: {  	v47 =	vadd.s32 v29, v35;
	v43 =	vmul.f32 $8.000000000e+00, v43;
	v38 =	vld [tilespmem:s28+$0xFFFFFF60];
	[tilespmem:v54+s23+$0x0] =	vst.idx.msk $0xffff, v57  }
0x226: {  	v46 =	vadd.s32 v1, v35;
	v42 =	vld [tilespmem:s28+$0xFFFFFE60];
	v52 =	vmul.f32 $8.000000000e+00, v44  }
0x227: {  	v59 =	vadd.s32 v21, v35;
	[tilespmem:v48+s23+$0x0] =	vst.idx.msk $0xffff, v43;
	v54 =	vmul.f32 $8.000000000e+00, v49;
	v49 =	vld [tilespmem:s26+$0xFFFFFE50];
	v34 =	vmul.f32 $8.000000000e+00, v53  }
0x228: {  	v50 =	vadd.s32 v5, v35;
	v39 =	vmul.f32 $8.000000000e+00, v61;
	v33 =	vmul.f32 $8.000000000e+00, v63;
	v63 =	vld [tilespmem:s28+$0xFFFFFFA0];
	[tilespmem:v60+s23+$0x0] =	vst.idx.msk $0xffff, v52  }
0x229: {  	v41 =	vmul.f32 $8.000000000e+00, v55;
	[tilespmem:v56+s23+$0x0] =	vst.idx.msk $0xffff, v34;
	v52 =	vld [tilespmem:s26+$0xFFFFFE10];
	v60 =	vadd.s32 v17, v35  }
0x22a: {  	v38 =	vmul.f32 $8.000000000e+00, v38;
	v34 =	vadd.s32 $0x8, v35;
	[tilespmem:v47+s23+$0x0] =	vst.idx.msk $0xffff, v39;
	v47 =	vld [tilespmem:s26+$0xFFFFFED0];
	v56 =	vadd.s32 v25, v35  }
0x22b: {  	[tilespmem:v46+s23+$0x0] =	vst.idx.msk $0xffff, v41;
	v42 =	vmul.f32 $8.000000000e+00, v42;
	v36 =	vld [tilespmem:s28+$0xFFFFFEB0];
	v61 =	vadd.s32 v8, v34  }
0x22c: {  	[tilespmem:v59+s23+$0x0] =	vst.idx.msk $0xffff, v38;
	v51 =	vld [tilespmem:s28+$0xFFFFFEF0];
	v62 =	vadd.s32 v20, v34  }
0x22d: {  	v46 =	vld [tilespmem:s28+$0xFFFFFE30];
	[tilespmem:v50+s23+$0x0] =	vst.idx.msk $0xffff, v42;
	v50 =	vadd.s32 v28, v34;
	v37 =	vmul.f32 $8.000000000e+00, v63  }
0x22e: {  	v53 =	vadd.s32 v10, v35;
	v42 =	vld [tilespmem:s28+$0xFFFFFFF0];
	[tilespmem:v60+s23+$0x0] =	vst.idx.msk $0xffff, v33  }
0x22f: {  	v58 =	vmul.f32 $8.000000000e+00, v58;
	v55 =	vadd.s32 v2, v35;
	v33 =	vld [tilespmem:s28+$0xFFFFFF70];
	[tilespmem:v56+s23+$0x0] =	vst.idx.msk $0xffff, v37  }
0x230: {  	v40 =	vmul.f32 $8.000000000e+00, v40;
	v59 =	vadd.s32 v14, v35;
	[tilespmem:v61+s23+$0x0] =	vst.idx.msk $0xffff, v54;
	v63 =	vld [tilespmem:s28+$0xFFFFFF30]  }
0x231: {  	v36 =	vmul.f32 $8.000000000e+00, v36;
	v61 =	vadd.s32 v22, v35;
	[tilespmem:v62+s23+$0x0] =	vst.idx.msk $0xffff, v58;
	v39 =	vld [tilespmem:s28+$0xFFFFFFB0]  }
0x232: {  	v38 =	vadd.s32 v30, v35;
	v60 =	vmul.f32 $8.000000000e+00, v46;
	v46 =	vld [tilespmem:s26+$0xFFFFFEA0];
	[tilespmem:v50+s23+$0x0] =	vst.idx.msk $0xffff, v40  }
0x233: {  	v57 =	vadd.s32 v12, v34;
	v62 =	vmul.f32 $8.000000000e+00, v51;
	v54 =	vld [tilespmem:s26+$0xFFFFFF60];
	[tilespmem:v53+s23+$0x0] =	vst.idx.msk $0xffff, v36  }
0x234: {  	v58 =	vadd.s32 v16, v34;
	[tilespmem:v55+s23+$0x0] =	vst.idx.msk $0xffff, v60;
	v53 =	vld [tilespmem:s28+$0xFFFFFE70];
	v33 =	vmul.f32 $8.000000000e+00, v33  }
0x235: {  	v44 =	vadd.s32 v18, v35;
	[tilespmem:v59+s23+$0x0] =	vst.idx.msk $0xffff, v62;
	v59 =	vmul.f32 $8.000000000e+00, v42;
	v62 =	vmul.f32 $8.000000000e+00, v45;
	v45 =	vld [tilespmem:s26+$0xFFFFFFE0]  }
0x236: {  	v60 =	vmul.f32 $8.000000000e+00, v47;
	v43 =	vld [tilespmem:s28+$0xFFFFFEC0];
	[tilespmem:v61+s23+$0x0] =	vst.idx.msk $0xffff, v33;
	v61 =	vadd.s32 v26, v35  }
0x237: {  	v55 =	vadd.s32 v0, v34;
	v42 =	vld [tilespmem:s28+$0xFFFFFF00];
	[tilespmem:v38+s23+$0x0] =	vst.idx.msk $0xffff, v59  }
0x238: {  	v51 =	vadd.s32 v6, v35;
	v38 =	vld [tilespmem:s28+$0xFFFFFE40];
	[tilespmem:v57+s23+$0x0] =	vst.idx.msk $0xffff, v60;
	v63 =	vmul.f32 $8.000000000e+00, v63  }
0x239: {  	v56 =	vadd.s32 v15, v35;
	[tilespmem:v58+s23+$0x0] =	vst.idx.msk $0xffff, v62;
	v48 =	vmul.f32 $8.000000000e+00, v39;
	v57 =	vld [tilespmem:s28+$0x0]  }
0x23a: {  	v41 =	vmul.f32 $8.000000000e+00, v49;
	v50 =	vmul.f32 $8.000000000e+00, v52;
	v52 =	vadd.s32 v9, v34;
	v40 =	vld [tilespmem:s26+$0xFFFFFF20];
	[tilespmem:v44+s23+$0x0] =	vst.idx.msk $0xffff, v63  }
0x23b: {  	v49 =	vadd.s32 v19, v35;
	v58 =	vadd.s32 v11, v35;
	v60 =	vmul.f32 $8.000000000e+00, v53;
	v59 =	vld [tilespmem:s28+$0xFFFFFF40];
	[tilespmem:v61+s23+$0x0] =	vst.idx.msk $0xffff, v48  }
0x23c: {  	v36 =	vadd.s32 v27, v35;
	[tilespmem:v55+s23+$0x0] =	vst.idx.msk $0xffff, v50;
	v50 =	vadd.s32 v4, v34;
	v62 =	vmul.f32 $8.000000000e+00, v42;
	v47 =	vld [tilespmem:s28+$0xFFFFFFC0]  }
0x23d: {  	v39 =	vadd.s32 v23, v35;
	[tilespmem:v51+s23+$0x0] =	vst.idx.msk $0xffff, v60;
	v61 =	vmul.f32 $8.000000000e+00, v46;
	v46 =	vld [tilespmem:s26+$0xFFFFFEE0];
	v48 =	vadd.s32 v29, v34  }
0x23e: {  	v33 =	vadd.s32 v27, v34;
	v37 =	vmul.f32 $8.000000000e+00, v54;
	v63 =	vmul.f32 $8.000000000e+00, v43;
	v44 =	vld [tilespmem:s28+$0xFFFFFE80];
	[tilespmem:v56+s23+$0x0] =	vst.idx.msk $0xffff, v62  }
0x23f: {  	v53 =	vmul.f32 $8.000000000e+00, v45;
	v42 =	vadd.s32 v7, v35;
	v43 =	vld [tilespmem:s28+$0xFFFFFF80];
	[tilespmem:v52+s23+$0x0] =	vst.idx.msk $0xffff, v61;
	v52 =	vadd.s32 v31, v35  }
0x240: {  	s29 =	simm.s32 $0x26F0;
	v45 =	vld [tilespmem:s26+$0xFFFFFE20];
	v51 =	vadd.s32 v3, v35;
	[tilespmem:v58+s23+$0x0] =	vst.idx.msk $0xffff, v63;
	v54 =	vmul.f32 $8.000000000e+00, v57;
	s28 =	simm.s32 $0x8;
	v55 =	vmul.f32 $8.000000000e+00, v59;
	v35 =	vmovc v34  }
.LBB2_16:
0x241: {  	s28 =	sadd.s32 $0x8, s28;
	[tilespmem:v50+s23+$0x0] =	vst.idx.msk $0xffff, v41;
	v41 =	vmul.f32 $8.000000000e+00, v32;
	v32 =	vld [tilespmem:s29+$0xFFFFFF90];
	v34 =	vadd.s32 $0x8, v34;
	v47 =	vmul.f32 $8.000000000e+00, v47  }
0x242: {  	v56 =	vadd.s32 v13, v35;
	v40 =	vmul.f32 $8.000000000e+00, v40;
	p0 =	slt.u32 s28, $0x78;
	v50 =	vld [tilespmem:s26+$0xFFFFFEB0];
	v46 =	vmul.f32 $8.000000000e+00, v46;
	[tilespmem:v48+s23+$0x0] =	vst.idx.msk $0xffff, v53  }
0x243: {  	v38 =	vmul.f32 $8.000000000e+00, v38;
	v48 =	vadd.s32 v8, v34;
	v53 =	vld [tilespmem:s29+$0xFFFFFF50];
	v44 =	vmul.f32 $8.000000000e+00, v44;
	[tilespmem:v49+s23+$0x0] =	vst.idx.msk $0xffff, v55  }
0x244: {  	v57 =	vadd.s32 v1, v35;
	v49 =	vadd.s32 v0, v34;
	v55 =	vld [tilespmem:s29+$0xFFFFFF10];
	v43 =	vmul.f32 $8.000000000e+00, v43;
	[tilespmem:v52+s23+$0x0] =	vst.idx.msk $0xffff, v54  }
0x245: {  	v52 =	vadd.s32 v27, v34;
	v54 =	vld [tilespmem:s29+$0xFFFFFFD0];
	[tilespmem:v51+s23+$0x0] =	vst.idx.msk $0xffff, v38  }
0x246: {  	v38 =	vmul.f32 $8.000000000e+00, v45;
	v51 =	vadd.s32 v24, v35;
	v45 =	vld [tilespmem:s26+$0xFFFFFE60];
	[tilespmem:v36+s23+$0x0] =	vst.idx.msk $0xffff, v47;
	v36 =	vmovc v33;
	v33 =	vmov v52  }
0x247: {  	v47 =	vld [tilespmem:s29+$0xFFFFFE90];
	[tilespmem:v56+s23+$0x0] =	vst.idx.msk $0xffff, v46;
	v46 =	vadd.s32 v21, v35  }
0x248: {  	v52 =	vadd.s32 v5, v35;
	v50 =	vmul.f32 $8.000000000e+00, v50;
	v56 =	vld [tilespmem:s26+$0xFFFFFEF0];
	[tilespmem:v42+s23+$0x0] =	vst.idx.msk $0xffff, v44  }
0x249: {  	v42 =	vld [tilespmem:s29+$0xFFFFFE10];
	[tilespmem:v57+s23+$0x0] =	vst.idx.msk $0xffff, v38;
	v38 =	vadd.s32 v17, v35  }
0x24a: {  	v44 =	vld [tilespmem:s26+$0xFFFFFE30];
	[tilespmem:v39+s23+$0x0] =	vst.idx.msk $0xffff, v43  }
0x24b: {  	v39 =	vld [tilespmem:s29+$0xFFFFFED0];
	v43 =	vmul.f32 $8.000000000e+00, v45;
	v45 =	vadd.s32 v10, v35;
	[tilespmem:v51+s23+$0x0] =	vst.idx.msk $0xffff, v41  }
0x24c: {  	v41 =	vmul.f32 $8.000000000e+00, v47;
	v47 =	vadd.s32 v20, v34;
	[tilespmem:v46+s23+$0x0] =	vst.idx.msk $0xffff, v37;
	v37 =	vld [tilespmem:s26+$0xFFFFFFA0]  }
0x24d: {  	v51 =	vadd.s32 v2, v35;
	v46 =	vadd.s32 v28, v34;
	[tilespmem:v52+s23+$0x0] =	vst.idx.msk $0xffff, v43;
	v43 =	vld [tilespmem:s26+$0xFFFFFFF0]  }
0x24e: {  	[tilespmem:v38+s23+$0x0] =	vst.idx.msk $0xffff, v40;
	v38 =	vld [tilespmem:s26+$0xFFFFFF70];
	v40 =	vadd.s32 v25, v35  }
0x24f: {  	v52 =	vld [tilespmem:s29+$0xFFFFFE50];
	[tilespmem:v48+s23+$0x0] =	vst.idx.msk $0xffff, v41;
	v41 =	vmul.f32 $8.000000000e+00, v53;
	v44 =	vmul.f32 $8.000000000e+00, v44;
	v48 =	vadd.s32 v14, v35  }
0x250: {  	v54 =	vmul.f32 $8.000000000e+00, v54;
	v53 =	vld [tilespmem:s29+$0xFFFFFEA0];
	[tilespmem:v45+s23+$0x0] =	vst.idx.msk $0xffff, v50;
	v45 =	vadd.s32 v22, v35  }
0x251: {  	v39 =	vmul.f32 $8.000000000e+00, v39;
	v50 =	vadd.s32 v30, v35;
	[tilespmem:v47+s23+$0x0] =	vst.idx.msk $0xffff, v41;
	v47 =	vld [tilespmem:s26+$0xFFFFFEC0];
	v37 =	vmul.f32 $8.000000000e+00, v37  }
0x252: {  	v55 =	vmul.f32 $8.000000000e+00, v55;
	v41 =	vmul.f32 $8.000000000e+00, v56;
	[tilespmem:v51+s23+$0x0] =	vst.idx.msk $0xffff, v44;
	v44 =	vld [tilespmem:s26+$0xFFFFFF30]  }
0x253: {  	v51 =	vadd.s32 v12, v34;
	v56 =	vld [tilespmem:s26+$0xFFFFFE70];
	v38 =	vmul.f32 $8.000000000e+00, v38;
	[tilespmem:v40+s23+$0x0] =	vst.idx.msk $0xffff, v37  }
0x254: {  	v43 =	vmul.f32 $8.000000000e+00, v43;
	v37 =	vadd.s32 v16, v34;
	[tilespmem:v48+s23+$0x0] =	vst.idx.msk $0xffff, v41;
	v40 =	vld [tilespmem:s26+$0xFFFFFFB0]  }
0x255: {  	v57 =	vadd.s32 v18, v35;
	v48 =	vld [tilespmem:s26+$0xFFFFFF00];
	[tilespmem:v45+s23+$0x0] =	vst.idx.msk $0xffff, v38  }
0x256: {  	v41 =	vmul.f32 $8.000000000e+00, v52;
	v52 =	vadd.s32 v26, v35;
	v45 =	vld [tilespmem:s29+$0xFFFFFF60];
	[tilespmem:v50+s23+$0x0] =	vst.idx.msk $0xffff, v43  }
0x257: {  	[tilespmem:v46+s23+$0x0] =	vst.idx.msk $0xffff, v54;
	v38 =	vld [tilespmem:s26+$0xFFFFFE40]  }
0x258: {  	v44 =	vmul.f32 $8.000000000e+00, v44;
	[tilespmem:v51+s23+$0x0] =	vst.idx.msk $0xffff, v39;
	v43 =	vld [tilespmem:s29+$0xFFFFFFE0];
	v39 =	vmul.f32 $8.000000000e+00, v56;
	v51 =	vadd.s32 v6, v35  }
0x259: {  	v53 =	vmul.f32 $8.000000000e+00, v53;
	v54 =	vadd.s32 v15, v35;
	[tilespmem:v37+s23+$0x0] =	vst.idx.msk $0xffff, v55;
	v37 =	vmul.f32 $8.000000000e+00, v40;
	v56 =	vld [tilespmem:s26+$0x0]  }
0x25a: {  	v42 =	vmul.f32 $8.000000000e+00, v42;
	v55 =	vadd.s32 v9, v34;
	v40 =	vld [tilespmem:s29+$0xFFFFFF20];
	[tilespmem:v57+s23+$0x0] =	vst.idx.msk $0xffff, v44  }
0x25b: {  	v58 =	vadd.s32 v11, v35;
	v57 =	vmul.f32 $8.000000000e+00, v47;
	v59 =	vld [tilespmem:s26+$0xFFFFFF40];
	[tilespmem:v52+s23+$0x0] =	vst.idx.msk $0xffff, v37  }
.Ltmp7:
0x25c: {  	v50 =	vadd.s32 v4, v34;
	v37 =	vmul.f32 $8.000000000e+00, v45;
	[tilespmem:v49+s23+$0x0] =	vst.idx.msk $0xffff, v42;
	v42 =	vmul.f32 $8.000000000e+00, v48;
	v47 =	vld [tilespmem:s26+$0xFFFFFFC0];
	(pc) =	sbr.rel @p0 .LBB2_16-.Ltmp7, $4  }
0x25d: {  	v48 =	vadd.s32 v29, v34;
	v46 =	vld [tilespmem:s29+$0xFFFFFEE0];
	[tilespmem:v51+s23+$0x0] =	vst.idx.msk $0xffff, v39  }
0x25e: {  	v49 =	vadd.s32 v19, v35;
	v39 =	vadd.s32 v23, v35;
	v44 =	vld [tilespmem:s26+$0xFFFFFE80];
	[tilespmem:v54+s23+$0x0] =	vst.idx.msk $0xffff, v42  }
0x25f: {  	v52 =	vadd.s32 v31, v35;
	v42 =	vadd.s32 v7, v35;
	[tilespmem:v55+s23+$0x0] =	vst.idx.msk $0xffff, v53;
	v53 =	vmul.f32 $8.000000000e+00, v43;
	v43 =	vld [tilespmem:s26+$0xFFFFFF80];
	s26 =	smov.u32 s29  }
0x260: {  	v51 =	vadd.s32 v3, v35;
	v54 =	vmul.f32 $8.000000000e+00, v56;
	v35 =	vmovc v34;
	s29 =	sadd.s32 $0x200, s29;
	v45 =	vld [tilespmem:s26+$0xFFFFFE20];
	[tilespmem:v58+s23+$0x0] =	vst.idx.msk $0xffff, v57;
	v55 =	vmul.f32 $8.000000000e+00, v59  }
0x261: {  	_ =	sdelay $0x3  }
0x262: {  	v34 =	vadd.s32 v24, v35;
	[tilespmem:v50+s23+$0x0] =	vst.idx.msk $0xffff, v41  }
0x263: {  	[tilespmem:v48+s23+$0x0] =	vst.idx.msk $0xffff, v53  }
0x264: {  	v57 =	vadd.s32 v13, v35;
	v38 =	vmul.f32 $8.000000000e+00, v38;
	[tilespmem:v49+s23+$0x0] =	vst.idx.msk $0xffff, v55  }
0x265: {  	v32 =	vmul.f32 $8.000000000e+00, v32;
	v58 =	vadd.s32 v17, v35;
	[tilespmem:v52+s23+$0x0] =	vst.idx.msk $0xffff, v54  }
0x266: {  	v62 =	vld [tilespmem:s26+$0xFFFFFE60];
	[tilespmem:v51+s23+$0x0] =	vst.idx.msk $0xffff, v38;
	v44 =	vmul.f32 $8.000000000e+00, v44  }
0x267: {  	v60 =	vadd.s32 v1, v35;
	v59 =	vmul.f32 $8.000000000e+00, v46;
	[tilespmem:v34+s23+$0x0] =	vst.idx.msk $0xffff, v32  }
0x268: {  	v63 =	vmul.f32 $8.000000000e+00, v40;
	v51 =	vadd.s32 v5, v35;
	[tilespmem:v42+s23+$0x0] =	vst.idx.msk $0xffff, v44;
	v61 =	vld [tilespmem:s26+$0xFFFFFFA0]  }
0x269: {  	v53 =	vld [tilespmem:s26+$0xFFFFFEB0];
	v54 =	vadd.s32 v21, v35;
	v43 =	vmul.f32 $8.000000000e+00, v43;
	[tilespmem:v57+s23+$0x0] =	vst.idx.msk $0xffff, v59  }
0x26a: {  	v49 =	vadd.s32 v25, v35;
	v50 =	vmul.f32 $8.000000000e+00, v45;
	[tilespmem:v58+s23+$0x0] =	vst.idx.msk $0xffff, v63;
	v52 =	vld [tilespmem:s26+$0xFFFFFEF0]  }
0x26b: {  	[tilespmem:v39+s23+$0x0] =	vst.idx.msk $0xffff, v43;
	v59 =	vadd.s32 v10, v35;
	v57 =	vld [tilespmem:s26+$0xFFFFFF30];
	v58 =	vmul.f32 $8.000000000e+00, v62  }
0x26c: {  	v55 =	vadd.s32 v14, v35;
	[tilespmem:v60+s23+$0x0] =	vst.idx.msk $0xffff, v50;
	v60 =	vld [tilespmem:s26+$0xFFFFFFF0]  }
0x26d: {  	v62 =	vadd.s32 v18, v35;
	[tilespmem:v51+s23+$0x0] =	vst.idx.msk $0xffff, v58;
	v56 =	vmul.f32 $8.000000000e+00, v61;
	v61 =	vld [tilespmem:s26+$0xFFFFFE30]  }
0x26e: {  	v63 =	vadd.s32 v30, v35;
	v42 =	vmul.f32 $8.000000000e+00, v53;
	[tilespmem:v54+s23+$0x0] =	vst.idx.msk $0xffff, v37;
	v51 =	vld [tilespmem:s26+$0xFFFFFE70]  }
0x26f: {  	v50 =	vadd.s32 v2, v35;
	v48 =	vmul.f32 $8.000000000e+00, v52;
	v52 =	vld [tilespmem:s26+$0xFFFFFF70];
	[tilespmem:v49+s23+$0x0] =	vst.idx.msk $0xffff, v56  }
0x270: {  	[tilespmem:v59+s23+$0x0] =	vst.idx.msk $0xffff, v42;
	v38 =	vmul.f32 $8.000000000e+00, v57;
	v56 =	vadd.s32 v6, v35;
	v49 =	vld [tilespmem:s26+$0xFFFFFFB0]  }
0x271: {  	v58 =	vadd.s32 v22, v35;
	v54 =	vmul.f32 $8.000000000e+00, v60;
	v59 =	vld [tilespmem:s26+$0xFFFFFEC0];
	[tilespmem:v55+s23+$0x0] =	vst.idx.msk $0xffff, v48  }
0x272: {  	v53 =	vadd.s32 v26, v35;
	[tilespmem:v62+s23+$0x0] =	vst.idx.msk $0xffff, v38;
	v55 =	vld [tilespmem:s26+$0xFFFFFF00];
	v57 =	vmul.f32 $8.000000000e+00, v61  }
0x273: {  	[tilespmem:v63+s23+$0x0] =	vst.idx.msk $0xffff, v54;
	v62 =	vmul.f32 $8.000000000e+00, v51  }
0x274: {  	v63 =	vadd.s32 v11, v35;
	v38 =	vld [tilespmem:s26+$0xFFFFFF40];
	v48 =	vmul.f32 $8.000000000e+00, v52;
	[tilespmem:v50+s23+$0x0] =	vst.idx.msk $0xffff, v57  }
0x275: {  	v60 =	vadd.s32 v15, v35;
	v39 =	vld [tilespmem:s26+$0x0];
	[tilespmem:v56+s23+$0x0] =	vst.idx.msk $0xffff, v62;
	v61 =	vmul.f32 $8.000000000e+00, v49  }
0x276: {  	v47 =	vmul.f32 $8.000000000e+00, v47;
	v50 =	vadd.s32 v19, v35;
	[tilespmem:v58+s23+$0x0] =	vst.idx.msk $0xffff, v48;
	v49 =	vld [tilespmem:s26+$0xFFFFFE40]  }
0x277: {  	v54 =	vmul.f32 $8.000000000e+00, v59;
	v51 =	vmul.f32 $8.000000000e+00, v55;
	v55 =	vld [tilespmem:s26+$0xFFFFFE80];
	[tilespmem:v53+s23+$0x0] =	vst.idx.msk $0xffff, v61;
	v53 =	vadd.s32 v31, v35  }
0x278: {  	[tilespmem:v36+s23+$0x0] =	vst.idx.msk $0xffff, v47;
	v56 =	vadd.s32 v3, v35;
	v57 =	vld [tilespmem:s26+$0xFFFFFF80]  }
0x279: {  	v59 =	vadd.s32 v7, v35;
	[tilespmem:v63+s23+$0x0] =	vst.idx.msk $0xffff, v54;
	v58 =	vmul.f32 $8.000000000e+00, v38;
	v52 =	vld [tilespmem:s26+$0xFFFFFFC0]  }
0x27a: {  	v39 =	vmul.f32 $8.000000000e+00, v39;
	[tilespmem:v60+s23+$0x0] =	vst.idx.msk $0xffff, v51;
	v60 =	vadd.s32 v23, v35  }
0x27b: {  	[tilespmem:v50+s23+$0x0] =	vst.idx.msk $0xffff, v58;
	v61 =	vmul.f32 $8.000000000e+00, v49  }
0x27c: {  	v63 =	vmul.f32 $8.000000000e+00, v55;
	[tilespmem:v53+s23+$0x0] =	vst.idx.msk $0xffff, v39  }
0x27d: {  	v32 =	vmul.f32 $8.000000000e+00, v57;
	[tilespmem:v56+s23+$0x0] =	vst.idx.msk $0xffff, v61  }
0x27e: {  	[tilespmem:v59+s23+$0x0] =	vst.idx.msk $0xffff, v63;
	v62 =	vmul.f32 $8.000000000e+00, v52  }
0x27f: {  	[tilespmem:v60+s23+$0x0] =	vst.idx.msk $0xffff, v32  }
0x280: {  	[tilespmem:v33+s23+$0x0] =	vst.idx.msk $0xffff, v62  }
0x281: {  	_ =	swait.ge [sflag:s24], $0x2000  }
0x282: {  	[sflag:s24] =	ssyncset.done $0x0  }
0x283: {  	s0 =	simm.s32 $0x6300;
	[sflag:s24] =	ssyncadd.s32 $0xFFFFE000  }
0x284: {  	[hbm4b:s15+s3] =	stream.linear.scatter [tilespmem:s0], [sflag:$0x3], $0x80, $0x38;
	[tilespmem:$0x8500] =	vst v63  }
0x285: {  	s8 =	simm.s32 $0x6388;
	s2 =	sadd.s32 $0x10, s15  }
0x286: {  	[hbm4b:s2+s3] =	stream.linear.scatter [tilespmem:s8], [sflag:$0x3], $0x80, $0x38;
	[tilespmem:$0x8500] =	vst v63  }
0x287: {  	s29 =	sadd.s32 $0x20, s15;
	s30 =	simm.s32 $0x6498;
	s26 =	simm.s32 $0x6410  }
0x288: {  	[hbm4b:s29+s3] =	stream.linear.scatter [tilespmem:s26], [sflag:$0x3], $0x80, $0x38;
	[tilespmem:$0x8500] =	vst v63  }
0x289: {  	s31 =	sadd.s32 $0x30, s15;
	s7 =	simm.s32 $0x6520;
	s28 =	sadd.s32 $0x1000, s15  }
0x28a: {  	[hbm4b:s31+s3] =	stream.linear.scatter [tilespmem:s30], [sflag:$0x3], $0x80, $0x38;
	[tilespmem:$0x8500] =	vst v63  }
0x28b: {  	s0 =	simm.s32 $0x2200;
	s8 =	sadd.s32 $0x40, s15;
	s2 =	simm.s32 $0x66B8  }
0x28c: {  	[hbm4b:s8+s3] =	stream.linear.scatter [tilespmem:s7], [sflag:$0x3], $0x80, $0x38;
	[tilespmem:$0x8500] =	vst v63  }
0x28d: {  	s26 =	simm.s32 $0x65A8;
	s29 =	sadd.s32 $0x50, s15;
	s30 =	simm.s32 $0x6630  }
0x28e: {  	[hbm4b:s29+s3] =	stream.linear.scatter [tilespmem:s26], [sflag:$0x3], $0x80, $0x38;
	[tilespmem:$0x8500] =	vst v63  }
0x28f: {  	s31 =	sadd.s32 $0x60, s15;
	s7 =	sadd.s32 $0x70, s15;
	s26 =	simm.s32 $0x440  }
0x290: {  	[hbm4b:s31+s3] =	stream.linear.scatter [tilespmem:s30], [sflag:$0x3], $0x80, $0x38;
	[tilespmem:$0x8500] =	vst v63  }
.LBB2_18:
0x291: {  	[hbm4b:s7+s3] =	stream.linear.scatter [tilespmem:s2], [sflag:$0x3], $0x80, $0x38;
	[tilespmem:$0x8500] =	vst v63  }
0x292: {  	s2 =	smov.u32 s26;
	s7 =	smov.u32 s0  }
0x293: {  	s8 =	sadd.s32 $0x1100, s0;
	s26 =	sshra.s32 s7, $0x2;
	s7 =	sadd.s32 $0x6300, s2  }
0x294: {  	[hbm4b:s28+s3] =	stream.linear.scatter [tilespmem:s7], [sflag:$0x3], $0x80, $0x38;
	[tilespmem:$0x8500] =	vst v63  }
0x295: {  	p0 =	sne.s32 s0, $0x7700;
	s0 =	sadd.s32 $0x6388, s2;
	s7 =	sadd.s32 $0x10, s28  }
0x296: {  	[hbm4b:s7+s3] =	stream.linear.scatter [tilespmem:s0], [sflag:$0x3], $0x80, $0x38;
	[tilespmem:$0x8500] =	vst v63  }
0x297: {  	s0 =	sadd.s32 $0x6410, s2;
	s7 =	sadd.s32 $0x20, s28  }
0x298: {  	[hbm4b:s7+s3] =	stream.linear.scatter [tilespmem:s0], [sflag:$0x3], $0x80, $0x38;
	[tilespmem:$0x8500] =	vst v63  }
0x299: {  	s0 =	sadd.s32 $0x6498, s2;
	s7 =	sadd.s32 $0x30, s28  }
0x29a: {  	[hbm4b:s7+s3] =	stream.linear.scatter [tilespmem:s0], [sflag:$0x3], $0x80, $0x38;
	[tilespmem:$0x8500] =	vst v63  }
0x29b: {  	s0 =	sadd.s32 $0x6520, s2;
	s7 =	sadd.s32 $0x40, s28  }
0x29c: {  	[hbm4b:s7+s3] =	stream.linear.scatter [tilespmem:s0], [sflag:$0x3], $0x80, $0x38;
	[tilespmem:$0x8500] =	vst v63  }
.Ltmp8:
0x29d: {  	s0 =	sadd.s32 $0x65A8, s2;
	s7 =	sadd.s32 $0x50, s28;
	(pc) =	sbr.rel @p0 .LBB2_18-.Ltmp8, $4  }
0x29e: {  	[hbm4b:s7+s3] =	stream.linear.scatter [tilespmem:s0], [sflag:$0x3], $0x80, $0x38;
	[tilespmem:$0x8500] =	vst v63  }
0x29f: {  	s0 =	sadd.s32 $0x6630, s2;
	s7 =	sadd.s32 $0x60, s28;
	s2 =	sadd.s32 $0x66B8, s2  }
0x2a0: {  	[hbm4b:s7+s3] =	stream.linear.scatter [tilespmem:s0], [sflag:$0x3], $0x80, $0x38;
	[tilespmem:$0x8500] =	vst v63  }
0x2a1: {  	s7 =	sadd.s32 $0x70, s28;
	s28 =	sadd.s32 $0x1000, s28;
	s0 =	smov.u32 s8  }
0x2a2: {  	[hbm4b:s7+s3] =	stream.linear.scatter [tilespmem:s2], [sflag:$0x3], $0x80, $0x38;
	[tilespmem:$0x8500] =	vst v63  }
0x2a3: {  	s0 =	sadd.s32 $0x6300, s26  }
0x2a4: {  	[hbm4b:s28+s3] =	stream.linear.scatter [tilespmem:s0], [sflag:$0x3], $0x80, $0x38;
	[tilespmem:$0x8500] =	vst v63  }
0x2a5: {  	s30 =	sadd.s32 $0x6388, s26;
	s31 =	sadd.s32 $0x10, s28  }
0x2a6: {  	[hbm4b:s31+s3] =	stream.linear.scatter [tilespmem:s30], [sflag:$0x3], $0x80, $0x38;
	[tilespmem:$0x8500] =	vst v63  }
0x2a7: {  	s2 =	sadd.s32 $0x6410, s26;
	s7 =	sadd.s32 $0x20, s28  }
0x2a8: {  	[hbm4b:s7+s3] =	stream.linear.scatter [tilespmem:s2], [sflag:$0x3], $0x80, $0x38;
	[tilespmem:$0x8500] =	vst v63  }
0x2a9: {  	s8 =	sadd.s32 $0x6498, s26;
	s29 =	sadd.s32 $0x30, s28  }
0x2aa: {  	[hbm4b:s29+s3] =	stream.linear.scatter [tilespmem:s8], [sflag:$0x3], $0x80, $0x38;
	[tilespmem:$0x8500] =	vst v63  }
0x2ab: {  	s30 =	sadd.s32 $0x6520, s26;
	s31 =	sadd.s32 $0x40, s28  }
0x2ac: {  	[hbm4b:s31+s3] =	stream.linear.scatter [tilespmem:s30], [sflag:$0x3], $0x80, $0x38;
	[tilespmem:$0x8500] =	vst v63  }
0x2ad: {  	s25 =	sadd.s32 $0x1, s25;
	s2 =	sadd.s32 $0x65A8, s26;
	s7 =	sadd.s32 $0x50, s28  }
0x2ae: {  	[hbm4b:s7+s3] =	stream.linear.scatter [tilespmem:s2], [sflag:$0x3], $0x80, $0x38;
	[tilespmem:$0x8500] =	vst v63  }
0x2af: {  	p0 =	sne.s32 s25, s16;
	s8 =	sadd.s32 $0x6630, s26;
	s29 =	sadd.s32 $0x60, s28  }
0x2b0: {  	[hbm4b:s29+s3] =	stream.linear.scatter [tilespmem:s8], [sflag:$0x3], $0x80, $0x38;
	[tilespmem:$0x8500] =	vst v63  }
.Ltmp9:
0x2b1: {  	s30 =	sadd.s32 $0x66B8, s26;
	s31 =	sadd.s32 $0x70, s28;
	(pc) =	sbr.rel @p0 .LBB2_1-.Ltmp9, $4  }
0x2b2: {  	[hbm4b:s31+s3] =	stream.linear.scatter [tilespmem:s30], [sflag:$0x3], $0x80, $0x38;
	[tilespmem:$0x8500] =	vst v63  }
0x2b3: {  	_ =	swait.ge [sflag:s24], $0x2000  }
0x2b4: {  	[sflag:s24] =	ssyncset.done $0x0  }
0x2b5: {  	[sflag:s24] =	ssyncadd.s32 $0xFFFFE000  }
0x2b6: {  	_ =	sfence.sel $0x180000  }
0x2b7: {  	[bflag:$0x0] =	sbarrier.arrive $0xFFFF  }
0x2b8: {  	_ =	strace $0x90000047  }
0x2b9: {  	s0 =	stileid.u32;
	[bflag:$0x2] =	sbarrier.arrive $0xFFFF  }
0x2ba: {  	p0 =	sne.s32 s0, $0x0;
	s0 =	rddreg [dreg:$0x2]  }
0x2bb: {  	s0 =	sadd.s32 @!p0 $0x100000, s0  }
0x2bc: {  	[sflag:s0] =	ssyncadd.tile.s32 @!p0 $0x1;
	_ =	shalt  }
.Lfunc_end2:
_tile_overlayer_lowered:
.L_overlay_start_2:
0x2bd: {  	(tag) =	ssettag $0x2  }
0x2be: {  	s0 =	rddreg [dreg:$0x0];
	s2 =	stileid.u32  }
0x2bf: {  	s1 =	rddreg [dreg:$0x1];
	p0 =	sne.s32 s2, $0x0  }
0x2c0: {  	s3 =	rddreg [dreg:$0x2];
	[bflag:$0x3] =	sbarrier.arrive $0xFFFF;
	s2 =	simm.s32 @!p0 $0x1C04  }
0x2c1: {  	[timem:s3], [sflag:s2] =	dma.local @!p0 [hbm:s0], s1  }
0x2c2: {  	s0 =	simm.s32 @!p0 $0x4  }
0x2c3: {  	_ =	swait.ge @!p0 [sflag:s0], s1  }
0x2c4: {  	s1 =	ssub.s32 @!p0 $0x0, s1;
	[sflag:s0] =	ssyncset.done @!p0 $0x0  }
0x2c5: {  	[sflag:s0] =	ssyncadd.s32 @!p0 s1  }
0x2c6: {  	[bflag:$0x3] =	sbarrier.arrive $0xFFFF  }
0x2c7: {  	_ =	shalt  }

</sc_bundles>
